<compile_context>
chip_gen: v7x
topology: tpu7x:2x2x1
jax: 0.10.2.dev20260603
libtpu: 0.0.44.dev20260713+nightly
codegen_flags: <defaults>
</compile_context>

<pallas_src>
import functools

import jax
import jax.numpy as jnp
from jax import lax
from jax.experimental import pallas as pl
from jax.experimental.pallas import tpu as pltpu
from jax.experimental.pallas import tpu_sc as plsc

NC = 2
NS = 16
LN = 16
NW = NC * NS

C = 80
BR = 2048
G_ = 64


def _make_deg_kernel(N, NCH):
    mesh = plsc.VectorSubcoreMesh(core_axis_name="c", subcore_axis_name="s")
    NR = N // C
    KMAX = (NR + NS - 1) // NS

    @functools.partial(
        pl.kernel,
        mesh=mesh,
        out_type=jax.ShapeDtypeStruct((NC, N, LN), jnp.float32),
        scratch_types=[
            pltpu.VMEM((C,), jnp.int32),
            pltpu.VMEM((C, LN), jnp.float32),
            pltpu.VMEM_SHARED((N, LN), jnp.float32),
        ],
    )
    def deg_kernel(dstm, ewbm, deg_out, dstc, ewbv, acc):
        cid = lax.axis_index("c")
        sid = lax.axis_index("s")
        w = cid * NS + sid

        for r in range(C):
            ewbv[r, :] = jnp.zeros((LN,), jnp.float32)
        for k in range(KMAX):
            chunk = sid + NS * k

            @pl.when(chunk < NR)
            def _():
                off = pl.multiple_of(chunk * C, C)
                pltpu.sync_copy(ewbv, acc.at[pl.ds(off, C)])
        plsc.subcore_barrier()

        def jbody(j, _):
            e0 = w * (NCH * C) + j * C
            pltpu.sync_copy(dstm.at[pl.ds(e0, C)], dstc)
            pltpu.sync_copy(ewbm.at[pl.ds(e0, C)], ewbv)
            pltpu.sync_copy(ewbv, acc.at[dstc], add=True)
            return 0
        lax.fori_loop(0, NCH, jbody, 0)

        plsc.subcore_barrier()

        for k in range(KMAX):
            chunk = sid + NS * k

            @pl.when(chunk < NR)
            def _():
                off = pl.multiple_of(chunk * C, C)
                pltpu.sync_copy(acc.at[pl.ds(off, C)],
                                deg_out.at[cid, pl.ds(off, C)])

    return deg_kernel


def _dinv_body(p_ref, o_ref):
    deg = p_ref[0] + p_ref[1]
    y = lax.rsqrt(jnp.maximum(deg, 1e-12))
    o_ref[...] = jnp.where(deg > 0, y, 0.0)


def _dinv_tc(part):
    n = part.shape[1]
    return pl.pallas_call(
        _dinv_body,
        out_shape=jax.ShapeDtypeStruct((n, LN), jnp.float32),
    )(part)


def _make_agg_kernel(N, NP, D, NCH):
    mesh = plsc.VectorSubcoreMesh(core_axis_name="c", subcore_axis_name="s")
    NRC = NP // C
    NR = N // C
    KMAX = (NRC + NS - 1) // NS

    @functools.partial(
        pl.kernel,
        mesh=mesh,
        out_type=jax.ShapeDtypeStruct((NC, NP, D), jnp.float32),
        scratch_types=[
            pltpu.VMEM((C,), jnp.int32),
            pltpu.VMEM((C,), jnp.int32),
            pltpu.VMEM((C, LN), jnp.float32),
            pltpu.VMEM((C, D), jnp.float32),
            pltpu.VMEM_SHARED((N, D), jnp.float32),
            pltpu.SemaphoreType.DMA,
        ],
    )
    def agg_kernel(h, srcm, dstm, ewbm, out,
                   srcv, dstv, ewbv, rows, acc, gsem):
        cid = lax.axis_index("c")
        sid = lax.axis_index("s")
        w = cid * NS + sid

        for r in range(C):
            for v in range(D // LN):
                rows[r, pl.ds(v * LN, LN)] = jnp.zeros((LN,), jnp.float32)
        for k in range(KMAX):
            chunk = sid + NS * k
            off = pl.multiple_of(chunk * C, C)

            @pl.when(chunk < NR)
            def _():
                pltpu.sync_copy(rows, acc.at[pl.ds(off, C)])

            @pl.when(jnp.logical_and(chunk >= NR, chunk < NRC))
            def _():
                pltpu.sync_copy(rows, out.at[cid, pl.ds(off, C)])
        plsc.subcore_barrier()

        def jbody(j, _):
            pltpu.sync_copy(srcm.at[w, j], srcv)
            pltpu.sync_copy(dstm.at[w, j], dstv)
            pltpu.sync_copy(ewbm.at[w * NCH + j], ewbv)
            pltpu.async_copy(h.at[srcv], rows, gsem).wait()
            for r in range(C):
                nb = ewbv[r, :]
                for v in range(D // LN):
                    sl = pl.ds(v * LN, LN)
                    rows[r, sl] = rows[r, sl] * nb
            pltpu.sync_copy(rows, acc.at[dstv], add=True)
            return 0
        lax.fori_loop(0, NCH, jbody, 0)

        plsc.subcore_barrier()

        for k in range(KMAX):
            chunk = sid + NS * k

            @pl.when(chunk < NR)
            def _():
                off = pl.multiple_of(chunk * C, C)
                pltpu.sync_copy(acc.at[pl.ds(off, C)],
                                out.at[cid, pl.ds(off, C)])

    return agg_kernel


def _mm_body(x_ref, w_ref, d_ref, o_ref):
    d = d_ref[:, 0:1]
    o_ref[...] = d * jnp.dot(x_ref[...], w_ref[...],
                             preferred_element_type=jnp.float32)


def _matmul_tc(x, W, dinv):
    NP, D = x.shape
    grid = NP // BR
    return pl.pallas_call(
        _mm_body,
        grid=(grid,),
        in_specs=[
            pl.BlockSpec((BR, D), lambda i: (i, 0)),
            pl.BlockSpec((D, W.shape[1]), lambda i: (0, 0)),
            pl.BlockSpec((BR, LN), lambda i: (i, 0)),
        ],
        out_specs=pl.BlockSpec((BR, W.shape[1]), lambda i: (i, 0)),
        out_shape=jax.ShapeDtypeStruct((NP, W.shape[1]), jnp.float32),
    )(x, W, dinv)


def _layer2_body(a_ref, b_ref, w_ref, d_ref, o_ref):
    d = d_ref[:, 0:1]
    z = d * (a_ref[0] + a_ref[1]) + b_ref[...]
    z = jnp.maximum(z, 0.0)
    o_ref[...] = d * jnp.dot(z, w_ref[...],
                             preferred_element_type=jnp.float32)


def _layer2_tc(agg, b, W, dinv):
    _, NP, D = agg.shape
    grid = NP // BR
    return pl.pallas_call(
        _layer2_body,
        grid=(grid,),
        in_specs=[
            pl.BlockSpec((NC, BR, D), lambda i: (0, i, 0)),
            pl.BlockSpec((1, D), lambda i: (0, 0)),
            pl.BlockSpec((D, D), lambda i: (0, 0)),
            pl.BlockSpec((BR, LN), lambda i: (i, 0)),
        ],
        out_specs=pl.BlockSpec((BR, D), lambda i: (i, 0)),
        out_shape=jax.ShapeDtypeStruct((NP, D), jnp.float32),
    )(agg, b.reshape(1, D), W, dinv)


def _final_body(a_ref, b2_ref, bt_ref, d_ref, wc1_ref, bc1_ref, wc2_ref,
                bc2_ref, o_ref, sums_ref, cnt_ref):
    i = pl.program_id(0)
    n = pl.num_programs(0)

    @pl.when(i == 0)
    def _():
        sums_ref[...] = jnp.zeros_like(sums_ref)
        cnt_ref[...] = jnp.zeros_like(cnt_ref)

    d = d_ref[:, 0:1]
    z = d * (a_ref[0] + a_ref[1]) + b2_ref[...]
    z = jnp.maximum(z, 0.0)
    bt = bt_ref[...]
    gi = lax.broadcasted_iota(jnp.int32, (z.shape[0], G_), 1)
    oh = (bt == gi).astype(jnp.float32)
    dn = (((0,), (0,)), ((), ()))
    sums_ref[...] += lax.dot_general(oh, z, dn,
                                     preferred_element_type=jnp.float32)
    ones = jnp.ones_like(z)
    cnt_ref[...] += lax.dot_general(oh, ones, dn,
                                    preferred_element_type=jnp.float32)

    @pl.when(i == n - 1)
    def _():
        pooled = sums_ref[...] / jnp.maximum(cnt_ref[...], 1.0)
        gact = jnp.dot(pooled, wc1_ref[...],
                       preferred_element_type=jnp.float32) + bc1_ref[...]
        gact = jnp.maximum(gact, 0.0)
        o_ref[...] = jnp.dot(gact, wc2_ref[...],
                             preferred_element_type=jnp.float32) + bc2_ref[...]


def _final_tc(agg, b2, batch2d, dinv, Wc1, bc1, Wc2, bc2):
    _, NP, D = agg.shape
    OUT = Wc2.shape[1]
    grid = NP // BR
    return pl.pallas_call(
        _final_body,
        grid=(grid,),
        in_specs=[
            pl.BlockSpec((NC, BR, D), lambda i: (0, i, 0)),
            pl.BlockSpec((1, D), lambda i: (0, 0)),
            pl.BlockSpec((BR, 1), lambda i: (i, 0)),
            pl.BlockSpec((BR, LN), lambda i: (i, 0)),
            pl.BlockSpec((D, D), lambda i: (0, 0)),
            pl.BlockSpec((1, D), lambda i: (0, 0)),
            pl.BlockSpec((D, OUT), lambda i: (0, 0)),
            pl.BlockSpec((1, OUT), lambda i: (0, 0)),
        ],
        out_specs=pl.BlockSpec((G_, OUT), lambda i: (0, 0)),
        out_shape=jax.ShapeDtypeStruct((G_, OUT), jnp.float32),
        scratch_shapes=[
            pltpu.VMEM((G_, D), jnp.float32),
            pltpu.VMEM((G_, D), jnp.float32),
        ],
    )(agg, b2.reshape(1, D), batch2d, dinv, Wc1, bc1.reshape(1, D),
      Wc2, bc2.reshape(1, OUT))


def kernel(x, edge_index, edge_attr, edge_weight, batch,
           W1, b1, W2, b2, Wc1, bc1, Wc2, bc2):
    N, D = x.shape
    E = edge_index.shape[1]

    EF = E + N
    EPW = ((EF + NW * C - 1) // (NW * C)) * C
    EP = EPW * NW
    NCH = EPW // C
    pad = EP - EF
    loop = jnp.arange(N, dtype=jnp.int32)
    zpad_i = jnp.zeros((pad,), jnp.int32)
    src_f = jnp.concatenate([edge_index[0], loop, zpad_i])
    dst_f = jnp.concatenate([edge_index[1], loop, zpad_i])
    ew_f = jnp.concatenate([edge_weight.astype(jnp.float32),
                            jnp.ones((N,), jnp.float32),
                            jnp.zeros((pad,), jnp.float32)])
    srcm = src_f.reshape(NW, NCH, C)
    dstm = dst_f.reshape(NW, NCH, C)
    ewbm = jnp.broadcast_to(ew_f[:, None], (EP, LN)).reshape(NW * NCH, C, LN)

    NP = ((N + BR - 1) // BR) * BR
    x_pad = jnp.pad(x, ((0, NP - N), (0, 0)))
    batch2d = jnp.pad(batch.astype(jnp.int32), (0, NP - N),
                      constant_values=G_).reshape(NP, 1)

    deg_kernel = _make_deg_kernel(N, NCH)
    agg_kernel = _make_agg_kernel(N, NP, D, NCH)

    def jax_agg(h):
        msg = h[src_f] * ew_f[:, None]
        a = jax.ops.segment_sum(msg, dst_f, num_segments=N)
        a = jnp.pad(a, ((0, NP - N), (0, 0)))
        return jnp.stack([a, jnp.zeros_like(a)])

    deg_j = jax.ops.segment_sum(ew_f, dst_f, num_segments=N)
    deg_part = jnp.stack([jnp.broadcast_to(deg_j[:, None], (N, LN)),
                          jnp.zeros((N, LN), jnp.float32)])
    dinv = jnp.pad(_dinv_tc(deg_part), ((0, NP - N), (0, 0)))
    h1 = _matmul_tc(x_pad, W1, dinv)
    agg1 = jax_agg(h1)
    h2 = _layer2_tc(agg1, b1, W2, dinv)
    agg2 = jax_agg(h2)
    return _final_tc(agg2, b2, batch2d, dinv, Wc1, bc1, Wc2, bc2)

# --- scband reference (transcript-rebuilt; emitter-appended) ---
"""Pipeline reference for scband-model-18511309046127 (READ-ONLY COPY).

The authoritative reference and input builder live on the scoring server;
editing this copy changes nothing except your own understanding.
"""

import jax, jax.numpy as jnp
import numpy as np

N = 10000
E = 320000
D = 128
DE = 16
G = 64
OUT = 4


def setup_inputs(seed: int = 0) -> dict:
    key = jax.random.key(seed)
    ks = jax.random.split(key, 14)
    x = jax.random.normal(ks[0], (N, D), dtype=jnp.float32)
    edge_index = jax.random.randint(ks[1], (2, E), 0, N, dtype=jnp.int32)
    edge_attr = jax.random.normal(ks[2], (E, DE), dtype=jnp.float32)
    edge_weight = jax.random.uniform(ks[3], (E,), dtype=jnp.float32)
    batch = jnp.sort(jax.random.randint(ks[4], (N,), 0, G, dtype=jnp.int32))
    s = 1.0 / np.sqrt(D)
    W1 = jax.random.normal(ks[5], (D, D), dtype=jnp.float32) * s
    b1 = jnp.zeros((D,), dtype=jnp.float32)
    W2 = jax.random.normal(ks[6], (D, D), dtype=jnp.float32) * s
    b2 = jnp.zeros((D,), dtype=jnp.float32)
    Wc1 = jax.random.normal(ks[7], (D, D), dtype=jnp.float32) * s
    bc1 = jnp.zeros((D,), dtype=jnp.float32)
    Wc2 = jax.random.normal(ks[8], (D, OUT), dtype=jnp.float32) * s
    bc2 = jnp.zeros((OUT,), dtype=jnp.float32)
    return {"x": x, "edge_index": edge_index, "edge_attr": edge_attr,
            "edge_weight": edge_weight, "batch": batch,
            "W1": W1, "b1": b1, "W2": W2, "b2": b2,
            "Wc1": Wc1, "bc1": bc1, "Wc2": Wc2, "bc2": bc2}


def gcn_conv(x, edge_index, edge_weight, W, b):
    # GCNConv with symmetric normalization, edge weights, and self-loops.
    n = x.shape[0]
    src = edge_index[0]
    dst = edge_index[1]
    loop = jnp.arange(n, dtype=src.dtype)
    src_f = jnp.concatenate([src, loop])
    dst_f = jnp.concatenate([dst, loop])
    ew_f = jnp.concatenate([edge_weight, jnp.ones((n,), dtype=edge_weight.dtype)])
    deg = jax.ops.segment_sum(ew_f, dst_f, num_segments=n)
    dinv = jnp.where(deg > 0, jax.lax.rsqrt(jnp.maximum(deg, 1e-12)), 0.0)
    norm = dinv[src_f] * ew_f * dinv[dst_f]
    h = x @ W
    msg = h[src_f] * norm[:, None]
    out = jax.ops.segment_sum(msg, dst_f, num_segments=n)
    return out + b


def global_mean_pool(x, batch, num_graphs):
    sums = jax.ops.segment_sum(x, batch, num_segments=num_graphs)
    cnt = jax.ops.segment_sum(jnp.ones((x.shape[0],), dtype=x.dtype), batch, num_segments=num_graphs)
    return sums / jnp.maximum(cnt, 1.0)[:, None]


def reference(x, edge_index, edge_attr, edge_weight, batch,
              W1, b1, W2, b2, Wc1, bc1, Wc2, bc2):
    # edge_attr is accepted by the forward signature but (as in PyG GCNConv)
    # is not used by the GCN message computation.
    h = gcn_conv(x, edge_index, edge_weight, W1, b1)
    h = jax.nn.relu(h)  # dropout is identity in eval mode
    h = gcn_conv(h, edge_index, edge_weight, W2, b2)
    h = jax.nn.relu(h)
    g = global_mean_pool(h, batch, G)
    g = jax.nn.relu(g @ Wc1 + bc1)
    return g @ Wc2 + bc2

if __name__ == "__main__":
    import jax
    _d = setup_inputs()
    print(jax.jit(kernel)(*tuple(_d.values())))

</pallas_src>

<mosaic_0001>
module attributes {stable_mosaic.version = 14 : i64} {
  func.func @_dinv_body(%arg0: memref<2x10000x16xf32, #tpu.memory_space<vmem>>, %arg1: memref<10000x16xf32, #tpu.memory_space<vmem>>) attributes {dimension_semantics = [], scalar_prefetch = 0 : i64, scratch_operands = 0 : i64, tpu.core_type = #tpu.core_type<tc>} {
    %get3A = arith.constant 0 : index
    %get3A_0 = arith.constant 0 : index
    %get3A_1 = arith.constant 0 : index
    %get3A_2 = vector.load %arg0[%get3A, %get3A_0, %get3A_1] : memref<2x10000x16xf32, #tpu.memory_space<vmem>>, vector<1x10000x16xf32>
    %get3A_3 = vector.shape_cast %get3A_2 : vector<1x10000x16xf32> to vector<10000x16xf32>
    %get3A_4 = arith.constant 1 : index
    %get3A_5 = arith.constant 0 : index
    %get3A_6 = arith.constant 0 : index
    %get3A_7 = vector.load %arg0[%get3A_4, %get3A_5, %get3A_6] : memref<2x10000x16xf32, #tpu.memory_space<vmem>>, vector<1x10000x16xf32>
    %get3A_8 = vector.shape_cast %get3A_7 : vector<1x10000x16xf32> to vector<10000x16xf32>
    %add3A = arith.addf %get3A_3, %get3A_8 : vector<10000x16xf32>
    %max3A = arith.constant 9.99999996E-13 : f32
    %max3A_9 = vector.broadcast %max3A : f32 to vector<10000x16xf32>
    %max3A_10 = arith.maximumf %add3A, %max3A_9 : vector<10000x16xf32>
    %rsqrt3A = math.rsqrt %max3A_10 : vector<10000x16xf32>
    %gt3A = arith.constant 0.000000e+00 : f32
    %gt3A_11 = vector.broadcast %gt3A : f32 to vector<10000x16xf32>
    %gt3A_12 = arith.cmpf ogt, %add3A, %gt3A_11 : vector<10000x16xf32>
    %jit3A = arith.constant 0.000000e+00 : f32
    %broadcast_in_dim3A = vector.broadcast %jit3A : f32 to vector<10000x16xf32>
    %select_n3A = arith.select %gt3A_12, %rsqrt3A, %broadcast_in_dim3A : vector<10000x16xi1>, vector<10000x16xf32>
    %swap3A = arith.constant 0 : index
    %swap3A_13 = arith.constant 0 : index
    %swap3A_14 = vector.load %arg1[%swap3A, %swap3A_13] : memref<10000x16xf32, #tpu.memory_space<vmem>>, vector<10000x16xf32>
    tpu.vector_store %arg1[%swap3A, %swap3A_13], %select_n3A {strides = array<i32>} : memref<10000x16xf32, #tpu.memory_space<vmem>>, vector<10000x16xf32>,
    return
  }
}

module attributes {stable_mosaic.version = 14 : i64} {
  func.func @_mm_body(%arg0: i32, %arg1: memref<2048x128xf32, #tpu.memory_space<vmem>>, %arg2: memref<128x128xf32, #tpu.memory_space<vmem>>, %arg3: memref<2048x16xf32, #tpu.memory_space<vmem>>, %arg4: memref<2048x128xf32, #tpu.memory_space<vmem>>) attributes {dimension_semantics = [#tpu.dimension_semantics<arbitrary>], iteration_bounds = array<i64: 5>, scalar_prefetch = 0 : i64, scratch_operands = 0 : i64, tpu.core_type = #tpu.core_type<tc>, window_params = [{transform_indices = @transform_0, window_bounds = array<i64: 2048, 128>}, {pipeline_mode = #tpu.pipeline_mode<synchronous>, transform_indices = @transform_1, window_bounds = array<i64: 128, 128>}, {transform_indices = @transform_2, window_bounds = array<i64: 2048, 16>}, {transform_indices = @transform_3, window_bounds = array<i64: 2048, 128>}]} {
    %get3A = arith.constant 0 : index
    %get3A_0 = arith.constant 0 : index
    %get3A_1 = vector.load %arg3[%get3A, %get3A_0] : memref<2048x16xf32, #tpu.memory_space<vmem>>, vector<2048x1xf32>
    %get3A_2 = arith.constant 0 : index
    %get3A_3 = arith.constant 0 : index
    %get3A_4 = vector.load %arg1[%get3A_2, %get3A_3] : memref<2048x128xf32, #tpu.memory_space<vmem>>, vector<2048x128xf32>
    %get3A_5 = arith.constant 0 : index
    %get3A_6 = arith.constant 0 : index
    %get3A_7 = vector.load %arg2[%get3A_5, %get3A_6] : memref<128x128xf32, #tpu.memory_space<vmem>>, vector<128x128xf32>
    %dot_general3A = arith.constant dense<0.000000e+00> : vector<2048x128xf32>
    %dot_general3A_8 = tpu.matmul %get3A_4, %get3A_7, %dot_general3A {dimension_numbers = #tpu.dot_dimension_numbers<[1], [0], [0], [1], [0, 0, 1, 1], [], []>, transpose_lhs_hint = false} : vector<2048x128xf32>, vector<128x128xf32>, vector<2048x128xf32> -> vector<2048x128xf32>
    %mul3A = vector.broadcast %get3A_1 : vector<2048x1xf32> to vector<2048x128xf32>
    %mul3A_9 = arith.mulf %mul3A, %dot_general3A_8 : vector<2048x128xf32>
    %swap3A = arith.constant 0 : index
    %swap3A_10 = arith.constant 0 : index
    %swap3A_11 = vector.load %arg4[%swap3A, %swap3A_10] : memref<2048x128xf32, #tpu.memory_space<vmem>>, vector<2048x128xf32>
    tpu.vector_store %arg4[%swap3A, %swap3A_10], %mul3A_9 {strides = array<i32>} : memref<2048x128xf32, #tpu.memory_space<vmem>>, vector<2048x128xf32>,
    return
  }
  func.func @transform_0(%arg0: i32) -> (i32, i32) {
    %c0_i32 = arith.constant 0 : i32
    %c0_i32_0 = arith.constant 0 : i32
    return %arg0, %c0_i32 : i32, i32
  }
  func.func @transform_1(%arg0: i32) -> (i32, i32) {
    %c0_i32 = arith.constant 0 : i32
    %c0_i32_0 = arith.constant 0 : i32
    %c0_i32_1 = arith.constant 0 : i32
    return %c0_i32, %c0_i32_0 : i32, i32
  }
  func.func @transform_2(%arg0: i32) -> (i32, i32) {
    %c0_i32 = arith.constant 0 : i32
    %c0_i32_0 = arith.constant 0 : i32
    return %arg0, %c0_i32 : i32, i32
  }
  func.func @transform_3(%arg0: i32) -> (i32, i32) {
    %c0_i32 = arith.constant 0 : i32
    %c0_i32_0 = arith.constant 0 : i32
    return %arg0, %c0_i32 : i32, i32
  }
}

module attributes {stable_mosaic.version = 14 : i64} {
  func.func @_layer2_body(%arg0: i32, %arg1: memref<2x2048x128xf32, #tpu.memory_space<vmem>>, %arg2: memref<1x128xf32, #tpu.memory_space<vmem>>, %arg3: memref<128x128xf32, #tpu.memory_space<vmem>>, %arg4: memref<2048x16xf32, #tpu.memory_space<vmem>>, %arg5: memref<2048x128xf32, #tpu.memory_space<vmem>>) attributes {dimension_semantics = [#tpu.dimension_semantics<arbitrary>], iteration_bounds = array<i64: 5>, scalar_prefetch = 0 : i64, scratch_operands = 0 : i64, tpu.core_type = #tpu.core_type<tc>, window_params = [{transform_indices = @transform_0, window_bounds = array<i64: 2, 2048, 128>}, {pipeline_mode = #tpu.pipeline_mode<synchronous>, transform_indices = @transform_1, window_bounds = array<i64: 1, 128>}, {pipeline_mode = #tpu.pipeline_mode<synchronous>, transform_indices = @transform_2, window_bounds = array<i64: 128, 128>}, {transform_indices = @transform_3, window_bounds = array<i64: 2048, 16>}, {transform_indices = @transform_4, window_bounds = array<i64: 2048, 128>}]} {
    %get3A = arith.constant 0 : index
    %get3A_0 = arith.constant 0 : index
    %get3A_1 = vector.load %arg4[%get3A, %get3A_0] : memref<2048x16xf32, #tpu.memory_space<vmem>>, vector<2048x1xf32>
    %get3A_2 = arith.constant 0 : index
    %get3A_3 = arith.constant 0 : index
    %get3A_4 = arith.constant 0 : index
    %get3A_5 = vector.load %arg1[%get3A_2, %get3A_3, %get3A_4] : memref<2x2048x128xf32, #tpu.memory_space<vmem>>, vector<1x2048x128xf32>
    %get3A_6 = vector.shape_cast %get3A_5 : vector<1x2048x128xf32> to vector<2048x128xf32>
    %get3A_7 = arith.constant 1 : index
    %get3A_8 = arith.constant 0 : index
    %get3A_9 = arith.constant 0 : index
    %get3A_10 = vector.load %arg1[%get3A_7, %get3A_8, %get3A_9] : memref<2x2048x128xf32, #tpu.memory_space<vmem>>, vector<1x2048x128xf32>
    %get3A_11 = vector.shape_cast %get3A_10 : vector<1x2048x128xf32> to vector<2048x128xf32>
    %add3A = arith.addf %get3A_6, %get3A_11 : vector<2048x128xf32>
    %mul3A = vector.broadcast %get3A_1 : vector<2048x1xf32> to vector<2048x128xf32>
    %mul3A_12 = arith.mulf %mul3A, %add3A : vector<2048x128xf32>
    %get3A_13 = arith.constant 0 : index
    %get3A_14 = arith.constant 0 : index
    %get3A_15 = vector.load %arg2[%get3A_13, %get3A_14] : memref<1x128xf32, #tpu.memory_space<vmem>>, vector<1x128xf32>
    %add3A_16 = vector.broadcast %get3A_15 : vector<1x128xf32> to vector<2048x128xf32>
    %add3A_17 = arith.addf %mul3A_12, %add3A_16 : vector<2048x128xf32>
    %max3A = arith.constant 0.000000e+00 : f32
    %max3A_18 = vector.broadcast %max3A : f32 to vector<2048x128xf32>
    %max3A_19 = arith.maximumf %add3A_17, %max3A_18 : vector<2048x128xf32>
    %get3A_20 = arith.constant 0 : index
    %get3A_21 = arith.constant 0 : index
    %get3A_22 = vector.load %arg3[%get3A_20, %get3A_21] : memref<128x128xf32, #tpu.memory_space<vmem>>, vector<128x128xf32>
    %dot_general3A = arith.constant dense<0.000000e+00> : vector<2048x128xf32>
    %dot_general3A_23 = tpu.matmul %max3A_19, %get3A_22, %dot_general3A {dimension_numbers = #tpu.dot_dimension_numbers<[1], [0], [0], [1], [0, 0, 1, 1], [], []>, transpose_lhs_hint = false} : vector<2048x128xf32>, vector<128x128xf32>, vector<2048x128xf32> -> vector<2048x128xf32>
    %mul3A_24 = vector.broadcast %get3A_1 : vector<2048x1xf32> to vector<2048x128xf32>
    %mul3A_25 = arith.mulf %mul3A_24, %dot_general3A_23 : vector<2048x128xf32>
    %swap3A = arith.constant 0 : index
    %swap3A_26 = arith.constant 0 : index
    %swap3A_27 = vector.load %arg5[%swap3A, %swap3A_26] : memref<2048x128xf32, #tpu.memory_space<vmem>>, vector<2048x128xf32>
    tpu.vector_store %arg5[%swap3A, %swap3A_26], %mul3A_25 {strides = array<i32>} : memref<2048x128xf32, #tpu.memory_space<vmem>>, vector<2048x128xf32>,
    return
  }
  func.func @transform_0(%arg0: i32) -> (i32, i32, i32) {
    %c0_i32 = arith.constant 0 : i32
    %c0_i32_0 = arith.constant 0 : i32
    %c0_i32_1 = arith.constant 0 : i32
    return %c0_i32, %arg0, %c0_i32_0 : i32, i32, i32
  }
  func.func @transform_1(%arg0: i32) -> (i32, i32) {
    %c0_i32 = arith.constant 0 : i32
    %c0_i32_0 = arith.constant 0 : i32
    %c0_i32_1 = arith.constant 0 : i32
    return %c0_i32, %c0_i32_0 : i32, i32
  }
  func.func @transform_2(%arg0: i32) -> (i32, i32) {
    %c0_i32 = arith.constant 0 : i32
    %c0_i32_0 = arith.constant 0 : i32
    %c0_i32_1 = arith.constant 0 : i32
    return %c0_i32, %c0_i32_0 : i32, i32
  }
  func.func @transform_3(%arg0: i32) -> (i32, i32) {
    %c0_i32 = arith.constant 0 : i32
    %c0_i32_0 = arith.constant 0 : i32
    return %arg0, %c0_i32 : i32, i32
  }
  func.func @transform_4(%arg0: i32) -> (i32, i32) {
    %c0_i32 = arith.constant 0 : i32
    %c0_i32_0 = arith.constant 0 : i32
    return %arg0, %c0_i32 : i32, i32
  }
}

module attributes {stable_mosaic.version = 14 : i64} {
  func.func @_final_body(%arg0: i32, %arg1: memref<2x2048x128xf32, #tpu.memory_space<vmem>>, %arg2: memref<1x128xf32, #tpu.memory_space<vmem>>, %arg3: memref<2048x1xi32, #tpu.memory_space<vmem>>, %arg4: memref<2048x16xf32, #tpu.memory_space<vmem>>, %arg5: memref<128x128xf32, #tpu.memory_space<vmem>>, %arg6: memref<1x128xf32, #tpu.memory_space<vmem>>, %arg7: memref<128x4xf32, #tpu.memory_space<vmem>>, %arg8: memref<1x4xf32, #tpu.memory_space<vmem>>, %arg9: memref<64x4xf32, #tpu.memory_space<vmem>>, %arg10: memref<64x128xf32, #tpu.memory_space<vmem>>, %arg11: memref<64x128xf32, #tpu.memory_space<vmem>>) attributes {dimension_semantics = [#tpu.dimension_semantics<arbitrary>], iteration_bounds = array<i64: 5>, scalar_prefetch = 0 : i64, scratch_operands = 2 : i64, tpu.core_type = #tpu.core_type<tc>, window_params = [{transform_indices = @transform_0, window_bounds = array<i64: 2, 2048, 128>}, {pipeline_mode = #tpu.pipeline_mode<synchronous>, transform_indices = @transform_1, window_bounds = array<i64: 1, 128>}, {transform_indices = @transform_2, window_bounds = array<i64: 2048, 1>}, {transform_indices = @transform_3, window_bounds = array<i64: 2048, 16>}, {pipeline_mode = #tpu.pipeline_mode<synchronous>, transform_indices = @transform_4, window_bounds = array<i64: 128, 128>}, {pipeline_mode = #tpu.pipeline_mode<synchronous>, transform_indices = @transform_5, window_bounds = array<i64: 1, 128>}, {pipeline_mode = #tpu.pipeline_mode<synchronous>, transform_indices = @transform_6, window_bounds = array<i64: 128, 4>}, {pipeline_mode = #tpu.pipeline_mode<synchronous>, transform_indices = @transform_7, window_bounds = array<i64: 1, 4>}, {pipeline_mode = #tpu.pipeline_mode<synchronous>, transform_indices = @transform_8, window_bounds = array<i64: 64, 4>}]} {
    %eq3A = arith.constant 0 : i32
    %eq3A_0 = arith.cmpi eq, %arg0, %eq3A : i32
    %convert_element_type3A = arith.extui %eq3A_0 : i1 to i32
    %cond3A = arith.constant 0 : i32
    %cond3A_1 = arith.cmpi ne, %convert_element_type3A, %cond3A : i32
    scf.if %cond3A_1 {
      %broadcast_in_dim3A_51 = arith.constant 0.000000e+00 : f32
      %broadcast_in_dim3A_52 = vector.broadcast %broadcast_in_dim3A_51 : f32 to vector<64x128xf32>
      %swap3A_53 = arith.constant 0 : index
      %swap3A_54 = arith.constant 0 : index
      %swap3A_55 = vector.load %arg10[%swap3A_53, %swap3A_54] : memref<64x128xf32, #tpu.memory_space<vmem>>, vector<64x128xf32>
      tpu.vector_store %arg10[%swap3A_53, %swap3A_54], %broadcast_in_dim3A_52 {strides = array<i32>} : memref<64x128xf32, #tpu.memory_space<vmem>>, vector<64x128xf32>,
      %broadcast_in_dim3A_56 = arith.constant 0.000000e+00 : f32
      %broadcast_in_dim3A_57 = vector.broadcast %broadcast_in_dim3A_56 : f32 to vector<64x128xf32>
      %swap3A_58 = arith.constant 0 : index
      %swap3A_59 = arith.constant 0 : index
      %swap3A_60 = vector.load %arg11[%swap3A_58, %swap3A_59] : memref<64x128xf32, #tpu.memory_space<vmem>>, vector<64x128xf32>
      tpu.vector_store %arg11[%swap3A_58, %swap3A_59], %broadcast_in_dim3A_57 {strides = array<i32>} : memref<64x128xf32, #tpu.memory_space<vmem>>, vector<64x128xf32>,
    } else {
    }
    %get3A = arith.constant 0 : index
    %get3A_2 = arith.constant 0 : index
    %get3A_3 = vector.load %arg4[%get3A, %get3A_2] : memref<2048x16xf32, #tpu.memory_space<vmem>>, vector<2048x1xf32>
    %get3A_4 = arith.constant 0 : index
    %get3A_5 = arith.constant 0 : index
    %get3A_6 = arith.constant 0 : index
    %get3A_7 = vector.load %arg1[%get3A_4, %get3A_5, %get3A_6] : memref<2x2048x128xf32, #tpu.memory_space<vmem>>, vector<1x2048x128xf32>
    %get3A_8 = vector.shape_cast %get3A_7 : vector<1x2048x128xf32> to vector<2048x128xf32>
    %get3A_9 = arith.constant 1 : index
    %get3A_10 = arith.constant 0 : index
    %get3A_11 = arith.constant 0 : index
    %get3A_12 = vector.load %arg1[%get3A_9, %get3A_10, %get3A_11] : memref<2x2048x128xf32, #tpu.memory_space<vmem>>, vector<1x2048x128xf32>
    %get3A_13 = vector.shape_cast %get3A_12 : vector<1x2048x128xf32> to vector<2048x128xf32>
    %add3A = arith.addf %get3A_8, %get3A_13 : vector<2048x128xf32>
    %mul3A = vector.broadcast %get3A_3 : vector<2048x1xf32> to vector<2048x128xf32>
    %mul3A_14 = arith.mulf %mul3A, %add3A : vector<2048x128xf32>
    %get3A_15 = arith.constant 0 : index
    %get3A_16 = arith.constant 0 : index
    %get3A_17 = vector.load %arg2[%get3A_15, %get3A_16] : memref<1x128xf32, #tpu.memory_space<vmem>>, vector<1x128xf32>
    %add3A_18 = vector.broadcast %get3A_17 : vector<1x128xf32> to vector<2048x128xf32>
    %add3A_19 = arith.addf %mul3A_14, %add3A_18 : vector<2048x128xf32>
    %max3A = arith.constant 0.000000e+00 : f32
    %max3A_20 = vector.broadcast %max3A : f32 to vector<2048x128xf32>
    %max3A_21 = arith.maximumf %add3A_19, %max3A_20 : vector<2048x128xf32>
    %get3A_22 = arith.constant 0 : index
    %get3A_23 = arith.constant 0 : index
    %get3A_24 = vector.load %arg3[%get3A_22, %get3A_23] : memref<2048x1xi32, #tpu.memory_space<vmem>>, vector<2048x1xi32>
    %iota3A = tpu.iota {dimensions = array<i32: 1>} : vector<2048x64xi32>
    %eq3A_25 = vector.broadcast %get3A_24 : vector<2048x1xi32> to vector<2048x64xi32>
    %eq3A_26 = arith.cmpi eq, %eq3A_25, %iota3A : vector<2048x64xi32>
    %convert_element_type3A_27 = arith.extui %eq3A_26 : vector<2048x64xi1> to vector<2048x64xi32>
    %convert_element_type3A_28 = arith.sitofp %convert_element_type3A_27 : vector<2048x64xi32> to vector<2048x64xf32>
    %get3A_29 = arith.constant 0 : index
    %get3A_30 = arith.constant 0 : index
    %get3A_31 = vector.load %arg10[%get3A_29, %get3A_30] : memref<64x128xf32, #tpu.memory_space<vmem>>, vector<64x128xf32>
    %dot_general3A = arith.constant dense<0.000000e+00> : vector<64x128xf32>
    %dot_general3A_32 = tpu.matmul %convert_element_type3A_28, %max3A_21, %dot_general3A {dimension_numbers = #tpu.dot_dimension_numbers<[0], [0], [1], [1], [0, 1, 1, 1], [], []>, transpose_lhs_hint = false} : vector<2048x64xf32>, vector<2048x128xf32>, vector<64x128xf32> -> vector<64x128xf32>
    %add3A_33 = arith.addf %get3A_31, %dot_general3A_32 : vector<64x128xf32>
    %swap3A = arith.constant 0 : index
    %swap3A_34 = arith.constant 0 : index
    %swap3A_35 = vector.load %arg10[%swap3A, %swap3A_34] : memref<64x128xf32, #tpu.memory_space<vmem>>, vector<64x128xf32>
    tpu.vector_store %arg10[%swap3A, %swap3A_34], %add3A_33 {strides = array<i32>} : memref<64x128xf32, #tpu.memory_space<vmem>>, vector<64x128xf32>,
    %broadcast_in_dim3A = arith.constant 1.000000e+00 : f32
    %broadcast_in_dim3A_36 = vector.broadcast %broadcast_in_dim3A : f32 to vector<2048x128xf32>
    %get3A_37 = arith.constant 0 : index
    %get3A_38 = arith.constant 0 : index
    %get3A_39 = vector.load %arg11[%get3A_37, %get3A_38] : memref<64x128xf32, #tpu.memory_space<vmem>>, vector<64x128xf32>
    %dot_general3A_40 = arith.constant dense<0.000000e+00> : vector<64x128xf32>
    %dot_general3A_41 = tpu.matmul %convert_element_type3A_28, %broadcast_in_dim3A_36, %dot_general3A_40 {dimension_numbers = #tpu.dot_dimension_numbers<[0], [0], [1], [1], [0, 1, 1, 1], [], []>, transpose_lhs_hint = false} : vector<2048x64xf32>, vector<2048x128xf32>, vector<64x128xf32> -> vector<64x128xf32>
    %add3A_42 = arith.addf %get3A_39, %dot_general3A_41 : vector<64x128xf32>
    %swap3A_43 = arith.constant 0 : index
    %swap3A_44 = arith.constant 0 : index
    %swap3A_45 = vector.load %arg11[%swap3A_43, %swap3A_44] : memref<64x128xf32, #tpu.memory_space<vmem>>, vector<64x128xf32>
    tpu.vector_store %arg11[%swap3A_43, %swap3A_44], %add3A_42 {strides = array<i32>} : memref<64x128xf32, #tpu.memory_space<vmem>>, vector<64x128xf32>,
    %eq3A_46 = arith.constant 4 : i32
    %eq3A_47 = arith.cmpi eq, %arg0, %eq3A_46 : i32
    %convert_element_type3A_48 = arith.extui %eq3A_47 : i1 to i32
    %cond3A_49 = arith.constant 0 : i32
    %cond3A_50 = arith.cmpi ne, %convert_element_type3A_48, %cond3A_49 : i32
    scf.if %cond3A_50 {
      %get3A_51 = arith.constant 0 : index
      %get3A_52 = arith.constant 0 : index
      %get3A_53 = vector.load %arg10[%get3A_51, %get3A_52] : memref<64x128xf32, #tpu.memory_space<vmem>>, vector<64x128xf32>
      %get3A_54 = arith.constant 0 : index
      %get3A_55 = arith.constant 0 : index
      %get3A_56 = vector.load %arg11[%get3A_54, %get3A_55] : memref<64x128xf32, #tpu.memory_space<vmem>>, vector<64x128xf32>
      %max3A_57 = arith.constant 1.000000e+00 : f32
      %max3A_58 = vector.broadcast %max3A_57 : f32 to vector<64x128xf32>
      %max3A_59 = arith.maximumf %get3A_56, %max3A_58 : vector<64x128xf32>
      %div3A = arith.divf %get3A_53, %max3A_59 : vector<64x128xf32>
      %get3A_60 = arith.constant 0 : index
      %get3A_61 = arith.constant 0 : index
      %get3A_62 = vector.load %arg5[%get3A_60, %get3A_61] : memref<128x128xf32, #tpu.memory_space<vmem>>, vector<128x128xf32>
      %dot_general3A_63 = arith.constant dense<0.000000e+00> : vector<64x128xf32>
      %dot_general3A_64 = tpu.matmul %div3A, %get3A_62, %dot_general3A_63 {dimension_numbers = #tpu.dot_dimension_numbers<[1], [0], [0], [1], [0, 0, 1, 1], [], []>, transpose_lhs_hint = false} : vector<64x128xf32>, vector<128x128xf32>, vector<64x128xf32> -> vector<64x128xf32>
      %get3A_65 = arith.constant 0 : index
      %get3A_66 = arith.constant 0 : index
      %get3A_67 = vector.load %arg6[%get3A_65, %get3A_66] : memref<1x128xf32, #tpu.memory_space<vmem>>, vector<1x128xf32>
      %add3A_68 = vector.broadcast %get3A_67 : vector<1x128xf32> to vector<64x128xf32>
      %add3A_69 = arith.addf %dot_general3A_64, %add3A_68 : vector<64x128xf32>
      %max3A_70 = arith.constant 0.000000e+00 : f32
      %max3A_71 = vector.broadcast %max3A_70 : f32 to vector<64x128xf32>
      %max3A_72 = arith.maximumf %add3A_69, %max3A_71 : vector<64x128xf32>
      %get3A_73 = arith.constant 0 : index
      %get3A_74 = arith.constant 0 : index
      %get3A_75 = vector.load %arg7[%get3A_73, %get3A_74] : memref<128x4xf32, #tpu.memory_space<vmem>>, vector<128x4xf32>
      %dot_general3A_76 = arith.constant dense<0.000000e+00> : vector<64x4xf32>
      %dot_general3A_77 = tpu.matmul %max3A_72, %get3A_75, %dot_general3A_76 {dimension_numbers = #tpu.dot_dimension_numbers<[1], [0], [0], [1], [0, 0, 1, 1], [], []>, transpose_lhs_hint = false} : vector<64x128xf32>, vector<128x4xf32>, vector<64x4xf32> -> vector<64x4xf32>
      %get3A_78 = arith.constant 0 : index
      %get3A_79 = arith.constant 0 : index
      %get3A_80 = vector.load %arg8[%get3A_78, %get3A_79] : memref<1x4xf32, #tpu.memory_space<vmem>>, vector<1x4xf32>
      %add3A_81 = vector.broadcast %get3A_80 : vector<1x4xf32> to vector<64x4xf32>
      %add3A_82 = arith.addf %dot_general3A_77, %add3A_81 : vector<64x4xf32>
      %swap3A_83 = arith.constant 0 : index
      %swap3A_84 = arith.constant 0 : index
      %swap3A_85 = vector.load %arg9[%swap3A_83, %swap3A_84] : memref<64x4xf32, #tpu.memory_space<vmem>>, vector<64x4xf32>
      tpu.vector_store %arg9[%swap3A_83, %swap3A_84], %add3A_82 {strides = array<i32>} : memref<64x4xf32, #tpu.memory_space<vmem>>, vector<64x4xf32>,
    } else {
    }
    return
  }
  func.func @transform_0(%arg0: i32) -> (i32, i32, i32) {
    %c0_i32 = arith.constant 0 : i32
    %c0_i32_0 = arith.constant 0 : i32
    %c0_i32_1 = arith.constant 0 : i32
    return %c0_i32, %arg0, %c0_i32_0 : i32, i32, i32
  }
  func.func @transform_1(%arg0: i32) -> (i32, i32) {
    %c0_i32 = arith.constant 0 : i32
    %c0_i32_0 = arith.constant 0 : i32
    %c0_i32_1 = arith.constant 0 : i32
    return %c0_i32, %c0_i32_0 : i32, i32
  }
  func.func @transform_2(%arg0: i32) -> (i32, i32) {
    %c0_i32 = arith.constant 0 : i32
    %c0_i32_0 = arith.constant 0 : i32
    return %arg0, %c0_i32 : i32, i32
  }
  func.func @transform_3(%arg0: i32) -> (i32, i32) {
    %c0_i32 = arith.constant 0 : i32
    %c0_i32_0 = arith.constant 0 : i32
    return %arg0, %c0_i32 : i32, i32
  }
  func.func @transform_4(%arg0: i32) -> (i32, i32) {
    %c0_i32 = arith.constant 0 : i32
    %c0_i32_0 = arith.constant 0 : i32
    %c0_i32_1 = arith.constant 0 : i32
    return %c0_i32, %c0_i32_0 : i32, i32
  }
  func.func @transform_5(%arg0: i32) -> (i32, i32) {
    %c0_i32 = arith.constant 0 : i32
    %c0_i32_0 = arith.constant 0 : i32
    %c0_i32_1 = arith.constant 0 : i32
    return %c0_i32, %c0_i32_0 : i32, i32
  }
  func.func @transform_6(%arg0: i32) -> (i32, i32) {
    %c0_i32 = arith.constant 0 : i32
    %c0_i32_0 = arith.constant 0 : i32
    %c0_i32_1 = arith.constant 0 : i32
    return %c0_i32, %c0_i32_0 : i32, i32
  }
  func.func @transform_7(%arg0: i32) -> (i32, i32) {
    %c0_i32 = arith.constant 0 : i32
    %c0_i32_0 = arith.constant 0 : i32
    %c0_i32_1 = arith.constant 0 : i32
    return %c0_i32, %c0_i32_0 : i32, i32
  }
  func.func @transform_8(%arg0: i32) -> (i32, i32) {
    %c0_i32 = arith.constant 0 : i32
    %c0_i32_0 = arith.constant 0 : i32
    %c0_i32_1 = arith.constant 0 : i32
    return %c0_i32, %c0_i32_0 : i32, i32
  }
}

</mosaic_0001>

<sc_bundles>
// kernel: scatter_offload_async_start.1
scs
__scs_entry_jumppad:
0x0: {  	(pc) =	sbr.rel $0x88, $3  }
0x1: {  	(tag) =	ssettag $0x0;
	lr =	simm.s32 $0x1  }
0x2: {  	[smem:$0x3F95] =	sst lr;
	_ =	strace $0xD0000000  }
0x3: {  	_ = 	snop  }
0x4: {  	_ = 	snop  }
0x5: {  	_ = 	snop  }
0x6: {  	_ = 	snop  }
0x7: {  	_ = 	snop  }
__scs_overlays_trampoline_lowered:
0x8: {  	[smem:$0x3FA4] =	sst s0  }
0x9: {  	[smem:$0x3FA5] =	sst s1  }
0xa: {  	[smem:$0x3FA6] =	sst s2  }
0xb: {  	[smem:$0x3FA7] =	sst s3  }
0xc: {  	[smem:$0x3FA8] =	sst s4  }
0xd: {  	[smem:$0x3FA9] =	sst s5  }
0xe: {  	[smem:$0x3FAA] =	sst s6  }
0xf: {  	[smem:$0x3FAB] =	sst s7  }
0x10: {  	[smem:$0x3FAC] =	sst s8  }
0x11: {  	[smem:$0x3FAD] =	sst s9;
	s0 =	simm.s32 @!p0 $0x0  }
0x12: {  	s1 =	sld [smem:$0x3F93];
	s0 =	simm.s32 @p0 $0x1  }
0x13: {  	[smem:$0x3FAE] =	sst s0;
	s0 =	simm.s32 @!p1 $0x0  }
0x14: {  	s2 =	sld [smem:$0x3F92];
	s0 =	simm.s32 @p1 $0x1  }
0x15: {  	[smem:$0x3FAF] =	sst s0;
	s0 =	simm.s32 @!p2 $0x0  }
0x16: {  	s3 =	sld [smem:$0x3FDB];
	s0 =	simm.s32 @p2 $0x1  }
0x17: {  	s4 =	simm.s32 $0x1BF5;
	[smem:$0x3FB1] =	sst s0  }
0x18: {  	s0 =	sld [smem:$0x3F94];
	_ =	swait.ge [sflag:s4], $0x0  }
0x19: {  	s7 =	sld [smem:$0x3F95]  }
0x1a: {  	s8 =	sadd.s32 $0xFFFFE003, lr  }
0x1b: {  	s9 =	sadd.s32 $0xFFFFFEF7, lr;
	s5 =	simm.s32 $0xFFFFFFFF;
	p2 =	slt.u32 s8, $0xFFFFF086  }
0x1c: {  	p1 =	slt.u32 s9, $0xF7A;
	s5 =	simm.s32 @!p2 $0x0  }
0x1d: {  	s5 =	simm.s32 @p1 $0x1;
	p0 =	seq.s32 s7, s2  }
0x1e: {  	s7 =	smul.u32 @!p0 $0xF7A, s2;
	p2 =	seq.s32 @!p0 s5, $0x0  }
0x1f: {  	s9 =	smul.u32 $0xF7A, s1;
	s8 =	simm.s32 @!p0 $0x1BF5;
	p2 =	por !p2, p0  }
0x20: {  	[sflag:s8] =	ssyncset.s32 @!p0 $0xFFFFF086;
	s6 =	sadd.s32 @!p0 s3, s7;
	s7 =	simm.s32 @!p0 $0x108  }
0x21: {  	s3 =	sadd.s32 s3, s9;
	s6 =	sadd.s32 @!p0 $0x88, s6;
	s7 =	simm.s32 @p2 $0x1082  }
0x22: {  	[simem:s7], [sflag:s8] =	dma.local @!p0 [hbm:s6], $0xF7A  }
0x23: {  	s9 =	sor.u32 $0xD0000000, s2;
	s6 =	simm.s32 $0x108;
	_ =	swait.ge @!p0 [sflag:s8], $0x0  }
0x24: {  	s3 =	sadd.s32 $0x88, s3;
	s6 =	simm.s32 @!p1 $0x1082;
	[sflag:s4] =	ssyncset.s32 $0xFFFFF086  }
0x25: {  	[simem:s6], [sflag:s4] =	dma.local [hbm:s3], $0xF7A  }
0x26: {  	[smem:$0x3F95] =	sst s1;
	(tag) =	ssettag s2;
	_ =	strace s9  }
0x27: {  	s1 =	sld [smem:$0x3FA5]  }
0x28: {  	s2 =	sld [smem:$0x3FA6]  }
0x29: {  	s4 =	sld [smem:$0x3FA8]  }
0x2a: {  	p0 =	seq.s32 s5, $0x0;
	s5 =	sld [smem:$0x3FA9]  }
0x2b: {  	s6 =	sld [smem:$0x3FAA]  }
0x2c: {  	s7 =	sld [smem:$0x3FAB]  }
0x2d: {  	s3 =	simm.s32 $0x108;
	s8 =	sld [smem:$0x3FAC]  }
0x2e: {  	s3 =	simm.s32 @!p0 $0x1082;
	s9 =	sld [smem:$0x3FAD]  }
0x2f: {  	lr =	sadd.s32 s0, s3;
	s0 =	sld [smem:$0x3FA4]  }
0x30: {  	s3 =	sld [smem:$0x3FA7]  }
0x31: {  	[smem:$0x3FB0] =	sst s10  }
0x32: {  	s10 =	sld [smem:$0x3FAE];
	_ =	sdelay $0x3  }
0x33: {  	p0 =	seq.s32 s10, $0x1;
	s10 =	sld [smem:$0x3FB0];
	_ =	sdelay $0x3  }
0x34: {  	[smem:$0x3FB0] =	sst s10  }
0x35: {  	s10 =	sld [smem:$0x3FAF];
	_ =	sdelay $0x3  }
0x36: {  	p1 =	seq.s32 s10, $0x1;
	s10 =	sld [smem:$0x3FB0];
	_ =	sdelay $0x3  }
0x37: {  	[smem:$0x3FB0] =	sst s10  }
0x38: {  	s10 =	sld [smem:$0x3FB1]  }
0x39: {  	_ = 	snop;
	(pc) =	sbr.ind lr, $3  }
0x3a: {  	_ = 	snop  }
0x3b: {  	_ = 	snop  }
0x3c: {  	p2 =	seq.s32 s10, $0x1;
	s10 =	sld [smem:$0x3FB0]  }
0x3d: {  	_ =	shalt  }
0x3e: {  	_ =	shalt  }
0x3f: {  	_ =	shalt  }
0x40: {  	_ =	shalt  }
0x41: {  	_ =	shalt  }
0x42: {  	_ =	shalt  }
0x43: {  	_ =	shalt  }
0x44: {  	_ =	shalt  }
0x45: {  	_ =	shalt  }
0x46: {  	_ =	shalt  }
0x47: {  	_ =	shalt  }
0x48: {  	_ =	shalt  }
0x49: {  	_ =	shalt  }
0x4a: {  	_ =	shalt  }
0x4b: {  	_ =	shalt  }
0x4c: {  	_ =	shalt  }
0x4d: {  	_ =	shalt  }
0x4e: {  	_ =	shalt  }
0x4f: {  	_ =	shalt  }
0x50: {  	_ =	shalt  }
0x51: {  	_ =	shalt  }
0x52: {  	_ =	shalt  }
0x53: {  	_ =	shalt  }
0x54: {  	_ =	shalt  }
0x55: {  	_ =	shalt  }
0x56: {  	_ =	shalt  }
0x57: {  	_ =	shalt  }
0x58: {  	_ =	shalt  }
0x59: {  	_ =	shalt  }
0x5a: {  	_ =	shalt  }
0x5b: {  	_ =	shalt  }
0x5c: {  	_ =	shalt  }
0x5d: {  	_ =	shalt  }
0x5e: {  	_ =	shalt  }
0x5f: {  	_ =	shalt  }
0x60: {  	_ =	shalt  }
0x61: {  	_ =	shalt  }
0x62: {  	_ =	shalt  }
0x63: {  	_ =	shalt  }
0x64: {  	_ =	shalt  }
0x65: {  	_ =	shalt  }
0x66: {  	_ =	shalt  }
0x67: {  	_ =	shalt  }
0x68: {  	_ =	shalt  }
0x69: {  	_ =	shalt  }
0x6a: {  	_ =	shalt  }
0x6b: {  	_ =	shalt  }
0x6c: {  	_ =	shalt  }
0x6d: {  	_ =	shalt  }
0x6e: {  	_ =	shalt  }
0x6f: {  	_ =	shalt  }
0x70: {  	_ =	shalt  }
0x71: {  	_ =	shalt  }
0x72: {  	_ =	shalt  }
0x73: {  	_ =	shalt  }
0x74: {  	_ =	shalt  }
0x75: {  	_ =	shalt  }
0x76: {  	_ =	shalt  }
0x77: {  	_ =	shalt  }
0x78: {  	_ =	shalt  }
0x79: {  	_ =	shalt  }
0x7a: {  	_ =	shalt  }
0x7b: {  	_ =	shalt  }
0x7c: {  	_ =	shalt  }
0x7d: {  	_ =	shalt  }
0x7e: {  	_ =	shalt  }
0x7f: {  	_ =	shalt  }
0x80: {  	_ =	shalt  }
0x81: {  	_ =	shalt  }
0x82: {  	_ =	shalt  }
0x83: {  	_ =	shalt  }
0x84: {  	_ =	shalt  }
0x85: {  	_ =	shalt  }
0x86: {  	_ =	shalt  }
0x87: {  	_ =	shalt  }
.Lfunc_end0:
.L_simem_size_0:
called_computation.1_lowered:
.L_overlay_start_0:
0x88: {  	s2 =	sld [smem:$0x3FD9]  }
0x89: {  	s3 =	sld [smem:$0x3FFE];
	_ =	sdelay $0x1  }
0x8a: {  	s1 =	srdreg.scid  }
0x8b: {  	s0 =	sand.u32 $0x1, s1  }
0x8c: {  	s15 =	sshll.u32 s0, $0xA;
	s2 =	sadd.s32 s3, s2  }
0x8d: {  	s2 =	sadd.s32 s2, s15  }
0x8e: {  	[smem:$0x3FBC] =	sst s2  }
0x8f: {  	_ = 	snop  }
0x90: {  	(tm) =	ssettm $0x1  }
0x91: {  	s16 =	sld [smem:$0x3FFB];
	_ =	sdelay $0x3  }
0x92: {  	_ =	strace s16  }
0x93: {  	s2 =	sld [smem:$0x3FFC];
	_ =	sdelay $0x3  }
0x94: {  	_ =	strace s2  }
0x95: {  	s2 =	sld [smem:$0x3FFD];
	_ =	sdelay $0x3  }
0x96: {  	_ =	strace s2  }
0x97: {  	_ =	strace $0x8FFFFFFF  }
0x98: {  	s17 =	sld [smem:$0x3FDB];
	_ =	sdelay $0x1  }
0x99: {  	s18 =	simm.s32 $_scs_section_size  }
0x9a: {  	s4 =	simm.s32 $_size__tile_overlayer_lowered;
	s5 =	simm.s32 $_tile_overlayer_lowered  }
0x9b: {  	s6 =	simm.s32 $0x1BFF;
	s19 =	sshll.u32 s5, $0x1;
	s3 =	sadd.s32 s18, s17  }
0x9c: {  	s20 =	simm.s32 $0x0;
	s4 =	sshll.u32 s4, $0x1;
	s5 =	sadd.s32 s19, s3  }
0x9d: {  	[timem:s20], [sflag:s6] =	dma.local [hbm:s5], s4  }
0x9e: {  	_ =	swait.ge [sflag:s6], s4  }
0x9f: {  	s4 =	ssub.s32 $0x0, s4;
	[sflag:s6] =	ssyncset.done $0x0  }
0xa0: {  	[sflag:s6] =	ssyncadd.s32 s4;
	_ =	sdelay $0x1  }
0xa1: {  	s21 =	simm.s32 $0x1B8B  }
0xa2: {  	_ =	swait.ge [sflag:s21], $0x1  }
0xa3: {  	[sflag:s21] =	ssyncset.done $0x0  }
0xa4: {  	s22 =	sld [smem:$0x3FFE];
	[sflag:s21] =	ssyncadd.s32 $0xFFFFFFFF  }
0xa5: {  	s24 =	simm.s32 $0x1B8E;
	s23 =	sld [smem:$0x0]  }
0xa6: {  	s25 =	simm.s32 $execute0_lowered;
	[smem:$0x3FD2] =	sst s24  }
0xa7: {  	s6 =	sshll.u32 s25, $0x1;
	_ =	strace $0x80000049;
	[dreg:$0x1] =	wrdreg $0xFFFFFFFF  }
0xa8: {  	s7 =	simm.s32 $_size_execute0_lowered;
	s6 =	sadd.s32 s3, s6;
	[dreg:$0x0] =	wrdreg $0x0  }
0xa9: {  	s7 =	sshll.u32 s7, $0x1;
	[dreg:$0x2] =	wrdreg s6  }
0xaa: {  	[dreg:$0x3] =	wrdreg s7  }
0xab: {  	[dreg:$0x4] =	wrdreg $0xC0  }
0xac: {  	s26 =	simm.s32 $execute1_lowered;
	_ =	task [dreg:s20], $0x5FFFF  }
0xad: {  	s6 =	sshll.u32 s26, $0x1;
	[dreg:$0x1] =	wrdreg $0xFFFFFFFF  }
0xae: {  	s3 =	sadd.s32 s3, s6;
	[dreg:$0x0] =	wrdreg $0x60  }
0xaf: {  	[dreg:$0x2] =	wrdreg s3  }
0xb0: {  	[dreg:$0x3] =	wrdreg s22  }
0xb1: {  	[dreg:$0x4] =	wrdreg $0x9  }
0xb2: {  	_ =	task.clear_ibuf [dreg:s20], $0x5FFFF;
	_ =	strace $0x90000049  }
0xb3: {  	s28 =	simm.s32 $0x9;
	_ =	strace $0x8000004B  }
0xb4: {  	_ =	swait.ge [sflag:s28], $0x1  }
0xb5: {  	[sflag:s28] =	ssyncadd.s32 $0xFFFFFFFF  }
0xb6: {  	_ =	strace $0x9000004B  }
0xb7: {  	s3 =	sld [smem:$0x0]  }
0xb8: {  	s6 =	sand.u32 $0xFFFFFFFE, s1  }
0xb9: {  	p0 =	sne.s32 s1, s6  }
0xba: {  	s6 =	sshll.u32 @p0 s6, $0xE  }
0xbb: {  	s6 =	sadd.s32 @p0 $0x11BF3, s6;
	s7 =	sshll.u32 @p0 s3, $0x11  }
0xbc: {  	s6 =	sor.u32 @p0 s7, s6  }
0xbd: {  	[sflag:s6] =	ssyncadd.remote.s32 @p0 $0x1;
	_ =	sdelay $0x1  }
0xbe: {  	s6 =	simm.s32 @p0 $0x1BF3  }
0xbf: {  	_ =	swait.eq @p0 [sflag:s6], $0x1  }
0xc0: {  	[sflag:s6] =	ssyncadd.s32 @p0 $0xFFFFFFFF  }
0xc1: {  	s7 =	sshll.u32 @!p0 s1, $0xE  }
0xc2: {  	s7 =	sor.u32 @!p0 $0x4000, s7;
	s6 =	simm.s32 @!p0 $0x1BF3  }
0xc3: {  	s3 =	sshll.u32 @!p0 s3, $0x11;
	s7 =	sadd.s32 @!p0 $0x11BF3, s7;
	_ =	swait.eq @!p0 [sflag:s6], $0x1  }
0xc4: {  	s3 =	sor.u32 @!p0 s3, s7;
	[sflag:s6] =	ssyncadd.s32 @!p0 $0xFFFFFFFF  }
0xc5: {  	[sflag:s3] =	ssyncadd.remote.s32 @!p0 $0x1  }
0xc6: {  	_ =	strace $0x8000004C;
	[dreg:$0x1] =	wrdreg $0xFFFFFFFF  }
0xc7: {  	[dreg:$0x0] =	wrdreg $0x2030  }
0xc8: {  	[dreg:$0x2] =	wrdreg s22  }
0xc9: {  	[dreg:$0x3] =	wrdreg s1  }
0xca: {  	[dreg:$0x4] =	wrdreg s23  }
0xcb: {  	[dreg:$0x5] =	wrdreg $0xA  }
0xcc: {  	_ =	task.clear_ibuf [dreg:s20], $0x6FFFF;
	_ =	strace $0x9000004C  }
0xcd: {  	s29 =	simm.s32 $0xA;
	_ =	strace $0x8000004E  }
0xce: {  	_ =	swait.ge [sflag:s29], $0x1  }
0xcf: {  	[sflag:s29] =	ssyncadd.s32 $0xFFFFFFFF  }
0xd0: {  	_ =	strace $0x9000004E  }
0xd1: {  	_ =	sfence  }
0xd2: {  	s30 =	sld [smem:$0x0];
	_ =	sdelay $0x2  }
0xd3: {  	s31 =	sshll.u32 s1, $0xD;
	s1 =	sshrl.u32 s1, $0x2  }
0xd4: {  	s4 =	sand.u32 $0x4000, s31;
	s1 =	sadd.s32 s1, s30  }
0xd5: {  	s0 =	sor.u32 s4, s0;
	s1 =	sshll.u32 s1, $0x11  }
0xd6: {  	s0 =	sor.u32 s1, s0  }
0xd7: {  	s0 =	sadd.s32 $0x8F2B, s0  }
0xd8: {  	[sflag:s0] =	ssyncadd.remote.s32 $0x1  }
0xd9: {  	_ =	sfence.sel $0xFFFF  }
0xda: {  	[dreg:$0x0] =	wrdreg $0xFFFFFFFF;
	(pc) =	sbr.abs _section_cstart, $3  }
0xdb: {  	[dreg:$0x1] =	wrdreg $0xFFFFFFFF  }
0xdc: {  	_ =	task.clear_ibuf [dreg:s20], $0x2FFFF;
	_ =	strace $0x9FFFFFFF  }
0xdd: {  	(tm) =	ssettm $0x7FFFFFFF  }
tec
execute0_lowered:
.L_overlay_start_1:
0x0: {  	(tag) =	ssettag $0x1  }
0x1: {  	s2 =	rddreg [dreg:$0x0]  }
0x2: {  	s4 =	rddreg [dreg:$0x1]  }
0x3: {  	s0 =	rddreg [dreg:$0x2];
	s3 =	stileid.u32  }
0x4: {  	[bflag:$0x3] =	sbarrier.arrive $0xFFFF;
	s1 =	simm.s32 $_size_execute1_lowered;
	s29 =	srdreg.scid  }
0x5: {  	s7 =	simm.s32 $0x2;
	s8 =	simm.s32 $0x0;
	p0 =	sne.s32 s3, $0x0  }
0x6: {  	s1 =	sshll.u32 s1, $0x1;
	s5 =	simm.s32 @!p0 $0x1C3F;
	s6 =	simm.s32 @!p0 $0x4060  }
0x7: {  	[timem:s6], [sflag:s5] =	dma.local @!p0 [hbm:s2], s1  }
0x8: {  	s12 =	simm.s32 $0x0;
	s10 =	simm.s32 $0x0;
	s2 =	sshll.u32 s29, $0x7  }
.Ltmp0:
0x9: {  	s3 =	sshll.u32 s3, $0x8;
	s30 =	sand.u32 $0x80, s2;
	(pc) =	sbr.rel .LBB2_1-.Ltmp0, $4  }
0xa: {  	s11 =	simm.s32 $0x0;
	_ =	strace $0x8000004A;
	s3 =	sor.u32 s3, s30  }
0xb: {  	s5 =	simm.s32 $0x1;
	s2 =	sadd.s32 $0x57AC00, s4;
	s31 =	ssub.s32 $0x2700, s3  }
0xc: {  	s4 =	sadd.s32 $0x5A1E00, s4;
	[sflag:s5] =	ssyncpa.u1 $0x0;
	s6 =	sshrl.u32 s31, $0xC  }
0xd: {  	[sflag:s7] =	ssyncpa.u1 $0x0;
	s9 =	smov.u32 s3;
	s7 =	sadd.s32 $0x2, s6  }
.LBB2_4:
0xe: {  	_ = 	snop  }
.LBB2_7:
0xf: {  	_ =	sdelay $0x3  }
0x10: {  	[tilespmem:v0+s16+$0x0 ss:$0x1] =	vst.idx.msk @p1 $0xffff, v2  }
0x11: {  	v56 =	vld.idx.msk [tilespmem:v1+s15+$0x0 ss:$0x1], $0xffff;
	s24 =	sor.u32 $0x70, s15;
	[tilespmem:v0+s17+$0x0 ss:$0x1] =	vst.idx.msk @p1 $0xffff, v4  }
0x12: {  	s25 =	sor.u32 $0x10, s15;
	[tilespmem:v0+s18+$0x0 ss:$0x1] =	vst.idx.msk @p1 $0xffff, v3;
	v57 =	vld.idx.msk [tilespmem:v1+s24+$0x0 ss:$0x1], $0xffff  }
0x13: {  	s26 =	sor.u32 $0x20, s15;
	[tilespmem:v0+s19+$0x0 ss:$0x1] =	vst.idx.msk @p1 $0xffff, v5;
	v58 =	vld.idx.msk [tilespmem:v1+s25+$0x0 ss:$0x1], $0xffff  }
0x14: {  	s28 =	sor.u32 $0x30, s15;
	[tilespmem:v0+s20+$0x0 ss:$0x1] =	vst.idx.msk @p1 $0xffff, v6;
	v59 =	vld.idx.msk [tilespmem:v1+s26+$0x0 ss:$0x1], $0xffff  }
0x15: {  	s29 =	sor.u32 $0x40, s15;
	[tilespmem:v0+s21+$0x0 ss:$0x1] =	vst.idx.msk @p1 $0xffff, v7;
	v60 =	vld.idx.msk [tilespmem:v1+s28+$0x0 ss:$0x1], $0xffff  }
0x16: {  	s30 =	sor.u32 $0x50, s15;
	v61 =	vld.idx.msk [tilespmem:v1+s29+$0x0 ss:$0x1], $0xffff;
	[tilespmem:v0+s15+$0x0 ss:$0x1] =	vst.idx.msk $0xffff, v56  }
0x17: {  	s31 =	sor.u32 $0x60, s15;
	v62 =	vld.idx.msk [tilespmem:v1+s30+$0x0 ss:$0x1], $0xffff;
	[tilespmem:v0+s24+$0x0 ss:$0x1] =	vst.idx.msk $0xffff, v57  }
0x18: {  	v63 =	vld.idx.msk [tilespmem:v1+s31+$0x0 ss:$0x1], $0xffff;
	[tilespmem:v0+s25+$0x0 ss:$0x1] =	vst.idx.msk $0xffff, v58  }
0x19: {  	[tilespmem:v0+s26+$0x0 ss:$0x1] =	vst.idx.msk $0xffff, v59  }
0x1a: {  	[tilespmem:v0+s28+$0x0 ss:$0x1] =	vst.idx.msk $0xffff, v60  }
0x1b: {  	[tilespmem:v0+s29+$0x0 ss:$0x1] =	vst.idx.msk $0xffff, v61  }
0x1c: {  	[tilespmem:v0+s30+$0x0 ss:$0x1] =	vst.idx.msk $0xffff, v62  }
0x1d: {  	[tilespmem:v0+s31+$0x0 ss:$0x1] =	vst.idx.msk $0xffff, v63  }
.LBB2_8:
0x1e: {  	s15 =	sand.u32 $0x1FFFFFF, s10  }
0x1f: {  	s16 =	smulhi.u32 $0x1A36E2F, s15;
	_ =	sdelay $0x1  }
0x20: {  	s16 =	sshrl.u32 s16, $0x6  }
0x21: {  	s16 =	smul.u32 $0x2710, s16;
	_ =	sdelay $0x1  }
0x22: {  	s15 =	ssub.s32 s15, s16  }
0x23: {  	s15 =	sshll.u32 s15, $0x4  }
0x24: {  	s15 =	sadd.s32 s4, s15  }
0x25: {  	[hbm4b:s15+s8] =	stream.linear.scatter [tilespmem:s14], [sflag:$0x2], s13, $0x38;
	[tilespmem:$0x10000] =	vst v63  }
.LBB2_9:
0x26: {  	p1 =	slt.u32 s11, $0x2  }
0x27: {  	p2 =	sgt.s32 @!p1 s12, $0x2690  }
0x28: {  	s13 =	smov.u32 s12;
	s14 =	sshra.s32 @!p1 s12, $0x1F;
	p2 =	por !p2, p1  }
0x29: {  	s12 =	sand.u32 @!p1 s14, s12;
	s13 =	simm.s32 @p2 $0x2690  }
0x2a: {  	s12 =	ssub.s32 @!p1 s13, s12  }
0x2b: {  	s12 =	sadd.s32 @!p1 $0xFFFFD970, s12  }
0x2c: {  	s13 =	sshll.u32 @!p1 s12, $0x9  }
0x2d: {  	p2 =	sgt.s32 @!p1 s12, $0x7F;
	s12 =	ssub.s32 @!p1 $0x10000, s13  }
0x2e: {  	s14 =	sadd.s32 $0x1000, s9;
	p2 =	por !p2, p1;
	s12 =	sshrl.u32 @!p1 s12, $0x2  }
0x2f: {  	s12 =	simm.s32 @!p2 $0x0;
	p2 =	sgt.s32 s14, $0x270F  }
0x30: {  	s14 =	smov.u32 @p2 s3;
	p2 =	sne.s32 s11, s7  }
.Ltmp1:
0x31: {  	_ = 	snop;
	(pc) =	sbr.rel @!p2 .LBB2_10-.Ltmp1, $4  }
0x32: {  	s13 =	simm.s32 @!p1 $0x2  }
0x33: {  	_ =	swait.ge @!p1 [sflag:s13], s12;
	s15 =	ssub.s32 @!p1 $0x0, s12  }
0x34: {  	s12 =	smov.u32 s10;
	s11 =	sadd.s32 $0x1, s11;
	[sflag:s13] =	ssyncset.done @!p1 $0x0  }
0x35: {  	s10 =	smov.u32 s9;
	s9 =	smov.u32 s14;
	[sflag:s13] =	ssyncadd.s32 @!p1 s15  }
.LBB2_1:
0x36: {  	p1 =	sgt.u32 s11, s6  }
0x37: {  	s13 =	sand.u32 @!p1 $0x1FFFFFF, s9  }
0x38: {  	p2 =	sgt.s32 @!p1 s9, $0x2690;
	s14 =	smulhi.u32 @!p1 $0x1A36E2F, s13  }
0x39: {  	s15 =	smov.u32 s9;
	s16 =	sshra.s32 @!p1 s9, $0x1F;
	p2 =	por !p2, p1  }
0x3a: {  	s16 =	sand.u32 @!p1 s16, s9;
	s15 =	simm.s32 @p2 $0x2690;
	s14 =	sshrl.u32 @!p1 s14, $0x6  }
0x3b: {  	s15 =	ssub.s32 @!p1 s15, s16;
	s14 =	smul.u32 @!p1 $0x2710, s14  }
0x3c: {  	s16 =	sxor.u32 @!p1 $0xFFFFFFFF, s11;
	s15 =	sadd.s32 @!p1 $0xFFFFD970, s15  }
0x3d: {  	s16 =	sshll.u32 @!p1 s16, $0xE;
	s13 =	ssub.s32 @!p1 s13, s14;
	s14 =	sshll.u32 @!p1 s15, $0x9  }
0x3e: {  	s16 =	sand.u32 @!p1 $0x4000, s16;
	p2 =	sgt.s32 @!p1 s15, $0x7F;
	s14 =	ssub.s32 @!p1 $0x10000, s14  }
0x3f: {  	p2 =	por !p2, p1;
	s13 =	sshll.u32 @!p1 s13, $0x4;
	s14 =	sshrl.u32 @!p1 s14, $0x2  }
0x40: {  	s15 =	simm.s32 @!p1 $0x0;
	s13 =	sadd.s32 @!p1 s2, s13;
	s14 =	simm.s32 @!p2 $0x0  }
0x41: {  	[tilespmem:s16], [sflag:$0x1] =	stream.linear.gather @!p1 [hbm4b:s13+s15], s14, $0x38;
	[tilespmem:$0x10000] =	vst v63  }
0x42: {  	p1 =	seq.s32 s11, $0x0  }
0x43: {  	p2 =	sge.u32 @!p1 s11, s7  }
0x44: {  	p1 =	por p1, p2  }
.Ltmp2:
0x45: {  	_ = 	snop;
	(pc) =	sbr.rel @p1 .LBB2_9-.Ltmp2, $1  }
0x46: {  	_ =	sdelay $0x3  }
0x47: {  	p1 =	sgt.s32 s10, $0x2690;
	s13 =	smov.u32 s10;
	s14 =	sshra.s32 s10, $0x1F  }
0x48: {  	s13 =	simm.s32 @!p1 $0x2690;
	s14 =	sand.u32 s14, s10  }
0x49: {  	s13 =	ssub.s32 s13, s14  }
0x4a: {  	s13 =	sadd.s32 $0xFFFFD970, s13  }
0x4b: {  	s31 =	sshll.u32 s13, $0x9  }
0x4c: {  	s14 =	ssub.s32 $0x10000, s31  }
0x4d: {  	p1 =	sgt.s32 s13, $0x7F;
	s13 =	sshrl.u32 s14, $0x2;
	s14 =	sadd.s32 $0x80, s10  }
0x4e: {  	s13 =	simm.s32 @p1 $0x0;
	p1 =	slt.s32 s14, $0x2710  }
0x4f: {  	s14 =	simm.s32 @!p1 $0x2710  }
0x50: {  	s16 =	ssub.s32 s14, s10  }
0x51: {  	p1 =	slt.s32 s16, $0x1  }
.Ltmp3:
0x52: {  	_ = 	snop;
	(pc) =	sbr.rel @p1 .LBB2_8-.Ltmp3, $4  }
0x53: {  	_ = 	snop  }
0x54: {  	s15 =	sshll.u32 s11, $0xE;
	_ =	swait.ge [sflag:s5], s13  }
0x55: {  	s15 =	sand.u32 $0x4000, s15;
	s17 =	ssub.s32 $0x0, s13;
	[sflag:s5] =	ssyncset.done $0x0  }
0x56: {  	s14 =	sor.u32 $0x8000, s15;
	[sflag:s5] =	ssyncadd.s32 s17  }
0x57: {  	p2 =	sne.s32 s16, $0x1  }
.Ltmp4:
0x58: {  	v1 =	vmov s15;
	v0 =	vmov s14;
	(pc) =	sbr.rel @!p2 .LBB2_4-.Ltmp4, $3  }
0x59: {  	_ =	sdelay $0x1  }
0x5a: {  	s17 =	simm.s32 $0x0  }
0x5b: {  	s23 =	sadd.s32 $0xFFFFFFFF, s16;
	p1 =	por $0x0, $0x0;
	s15 =	sand.u32 $0x3F80, s17  }
0x5c: {  	_ =	sdelay $0x3  }
0x5d: {  	v6 =	vld.idx.msk [tilespmem:v1+s15+$0x0 ss:$0x1], $0xffff;
	s24 =	sor.u32 $0x70, s15  }
0x5e: {  	s16 =	sor.u32 $0x10, s15;
	v8 =	vld.idx.msk [tilespmem:v1+s24+$0x0 ss:$0x1], $0xffff  }
0x5f: {  	s17 =	sor.u32 $0x20, s15;
	p2 =	sne.s32 s23, $0x1;
	v2 =	vld.idx.msk [tilespmem:v1+s16+$0x0 ss:$0x1], $0xffff  }
.Ltmp5:
0x60: {  	s18 =	sor.u32 $0x30, s15;
	v4 =	vld.idx.msk [tilespmem:v1+s17+$0x0 ss:$0x1], $0xffff;
	(pc) =	sbr.rel @!p2 .LBB2_7-.Ltmp5, $4  }
0x61: {  	s19 =	sor.u32 $0x40, s15;
	v3 =	vld.idx.msk [tilespmem:v1+s18+$0x0 ss:$0x1], $0xffff  }
0x62: {  	s21 =	sor.u32 $0x60, s15;
	v5 =	vld.idx.msk [tilespmem:v1+s19+$0x0 ss:$0x1], $0xffff  }
0x63: {  	s20 =	sor.u32 $0x50, s15;
	s22 =	simm.s32 $0x80;
	v7 =	vld.idx.msk [tilespmem:v1+s21+$0x0 ss:$0x1], $0xffff;
	[tilespmem:v0+s15+$0x0 ss:$0x1] =	vst.idx.msk $0xffff, v6  }
0x64: {  	s23 =	sadd.s32 $0xFFFFFFFF, s23;
	p1 =	por $0x1, $0x1;
	v6 =	vld.idx.msk [tilespmem:v1+s20+$0x0 ss:$0x1], $0xffff;
	s15 =	sand.u32 $0x3F80, s22;
	[tilespmem:v0+s24+$0x0 ss:$0x1] =	vst.idx.msk $0xffff, v8  }
.LBB2_6:
0x65: {  	p2 =	sne.s32 s23, $0x1;
	v8 =	vld.idx.msk [tilespmem:v1+s15+$0x0 ss:$0x1], $0xffff;
	s24 =	sor.u32 $0x70, s15;
	[tilespmem:v0+s16+$0x0 ss:$0x1] =	vst.idx.msk $0xffff, v2;
	s16 =	sor.u32 $0x10, s15  }
0x66: {  	s25 =	sor.u32 $0x30, s15;
	s26 =	sor.u32 $0x40, s15;
	v9 =	vld.idx.msk [tilespmem:v1+s24+$0x0 ss:$0x1], $0xffff;
	[tilespmem:v0+s17+$0x0 ss:$0x1] =	vst.idx.msk $0xffff, v4;
	s17 =	sor.u32 $0x20, s15  }
0x67: {  	s28 =	sor.u32 $0x50, s15;
	s29 =	sor.u32 $0x60, s15;
	v2 =	vld.idx.msk [tilespmem:v1+s16+$0x0 ss:$0x1], $0xffff;
	[tilespmem:v0+s18+$0x0 ss:$0x1] =	vst.idx.msk $0xffff, v3;
	s18 =	smov.u32 s25  }
.Ltmp6:
0x68: {  	v4 =	vld.idx.msk [tilespmem:v1+s17+$0x0 ss:$0x1], $0xffff;
	[tilespmem:v0+s19+$0x0 ss:$0x1] =	vst.idx.msk $0xffff, v5;
	s19 =	smov.u32 s26;
	(pc) =	sbr.rel @p2 .LBB2_6-.Ltmp6, $4  }
0x69: {  	v3 =	vld.idx.msk [tilespmem:v1+s18+$0x0 ss:$0x1], $0xffff;
	[tilespmem:v0+s20+$0x0 ss:$0x1] =	vst.idx.msk $0xffff, v6;
	s20 =	smov.u32 s28  }
0x6a: {  	v5 =	vld.idx.msk [tilespmem:v1+s19+$0x0 ss:$0x1], $0xffff;
	[tilespmem:v0+s21+$0x0 ss:$0x1] =	vst.idx.msk $0xffff, v7;
	s21 =	smov.u32 s29  }
0x6b: {  	s22 =	sadd.s32 $0x80, s22;
	[tilespmem:v0+s15+$0x0 ss:$0x1] =	vst.idx.msk $0xffff, v8;
	v6 =	vld.idx.msk [tilespmem:v1+s20+$0x0 ss:$0x1], $0xffff  }
0x6c: {  	s23 =	sadd.s32 $0xFFFFFFFF, s23;
	s15 =	sand.u32 $0x3F80, s22;
	v7 =	vld.idx.msk [tilespmem:v1+s21+$0x0 ss:$0x1], $0xffff;
	[tilespmem:v0+s24+$0x0 ss:$0x1] =	vst.idx.msk $0xffff, v9  }
.Ltmp7:
0x6d: {  	_ = 	snop;
	(pc) =	sbr.rel .LBB2_7-.Ltmp7, $1  }
0x6e: {  	_ =	sdelay $0x3  }
.LBB2_10:
0x6f: {  	_ =	sfence.sel $0x180000  }
0x70: {  	s2 =	simm.s32 $0x1;
	[bflag:$0x0] =	sbarrier.arrive $0xFFFF  }
0x71: {  	s31 =	simm.s32 $0x2;
	[sflag:s2] =	ssyncpa.u1 $0x1  }
0x72: {  	[sflag:s31] =	ssyncpa.u1 $0x1  }
0x73: {  	_ =	strace $0x9000004A  }
0x74: {  	s0 =	sadd.s32 @!p0 $0x100000, s0;
	[bflag:$0x2] =	sbarrier.arrive $0xFFFF  }
0x75: {  	[sflag:s0] =	ssyncadd.tile.s32 @!p0 $0x1;
	s0 =	simm.s32 @!p0 $0x3F  }
0x76: {  	_ =	swait.ge @!p0 [sflag:s0], s1  }
0x77: {  	s1 =	ssub.s32 @!p0 $0x0, s1;
	[sflag:s0] =	ssyncset.done @!p0 $0x0  }
0x78: {  	[sflag:s0] =	ssyncadd.s32 @!p0 s1  }
0x79: {  	[bflag:$0x3] =	sbarrier.arrive $0xFFFF  }
0x7a: {  	_ =	shalt  }
.Lfunc_end2:
execute1_lowered:
.L_overlay_start_2:
0x7b: {  	(tag) =	ssettag $0x2  }
0x7c: {  	s0 =	rddreg [dreg:$0x0]  }
0x7d: {  	s2 =	rddreg [dreg:$0x1];
	_ =	strace $0x8000004D;
	s1 =	simm.s32 $0x1  }
0x7e: {  	s3 =	simm.s32 $0x108;
	v0 =	vimm.s32 $0x0;
	[sflag:s1] =	ssyncpa.u1 $0x0  }
0x7f: {  	[tilespmem:s3+$0x70] =	vst v0  }
0x80: {  	[tilespmem:s3+$0x60] =	vst v0  }
0x81: {  	[tilespmem:s3+$0x50] =	vst v0  }
0x82: {  	[tilespmem:s3+$0x40] =	vst v0  }
0x83: {  	[tilespmem:s3+$0x30] =	vst v0  }
0x84: {  	s1 =	sadd.s32 $0x5A1E00, s0;
	s13 =	sadd.s32 $0x5C800, s0;
	s6 =	sadd.s32 $0x70C00, s0;
	[tilespmem:s3+$0x20] =	vst v0  }
0x85: {  	s12 =	sadd.s32 $0x66A00, s0;
	s2 =	sand.u32 $0x1, s2;
	s0 =	simm.s32 $0x40;
	[tilespmem:s3+$0x10] =	vst v0  }
.LBB3_1:
0x86: {  	s0 =	sadd.s32 $0x40, s0;
	[tilespmem:s3+$0x0] =	vst v0;
	s3 =	sadd.s32 $0x80, s3  }
0x87: {  	p0 =	slt.u32 s0, $0x3C40;
	[tilespmem:s3+$0x70] =	vst v0  }
0x88: {  	[tilespmem:s3+$0x60] =	vst v0  }
.Ltmp8:
0x89: {  	[tilespmem:s3+$0x50] =	vst v0;
	(pc) =	sbr.rel @p0 .LBB3_1-.Ltmp8, $4  }
0x8a: {  	[tilespmem:s3+$0x40] =	vst v0  }
0x8b: {  	[tilespmem:s3+$0x30] =	vst v0  }
0x8c: {  	[tilespmem:s3+$0x20] =	vst v0  }
0x8d: {  	[tilespmem:s3+$0x10] =	vst v0  }
0x8e: {  	s7 =	simm.s32 $0x2;
	s30 =	stileid.u32  }
0x8f: {  	s8 =	simm.s32 $0x9;
	s0 =	simm.s32 $0xA;
	s10 =	simm.s32 $0xB  }
0x90: {  	s31 =	smul.u32 $0x50A0, s2;
	s20 =	simm.s32 $0x0;
	p0 =	por $0x0, $0x0  }
.Ltmp9:
0x91: {  	s15 =	simm.s32 $0x1;
	s16 =	simm.s32 $0xC;
	(pc) =	sbr.rel .LBB3_3-.Ltmp9, $4  }
0x92: {  	[tilespmem:s3+$0x0] =	vst v0;
	v0 =	vimm.s32 $0xFFFFFFFF;
	s18 =	simm.s32 $0x0;
	s17 =	simm.s32 $0x0;
	[sflag:s7] =	ssyncpa.u1 $0x0  }
0x93: {  	s9 =	smul.u32 $0x2850, s30;
	s14 =	sshll.u32 s30, $0x8;
	[tilespmem:$0xF208] =	vst v0;
	[sflag:s8] =	ssyncpa.u1 $0x0  }
0x94: {  	s12 =	sadd.s32 s31, s12;
	s13 =	sadd.s32 s31, s13;
	[sflag:s0] =	ssyncpa.u1 $0x0  }
0x95: {  	v0 =	vlaneseq.u32;
	s11 =	sadd.s32 $0x2850, s9;
	s19 =	smov.u32 s9;
	[sflag:s10] =	ssyncpa.u1 $0x0  }
.LBB3_18:
0x96: {  	s0 =	sshrl.u32 s29, $0x2  }
.LBB3_20:
0x97: {  	_ =	swait.ge [sflag:s16], s0  }
0x98: {  	s31 =	ssub.s32 $0x0, s0;
	v1 =	vmov s23;
	vm0 =	veq.s32 v0, $0x0;
	[sflag:s16] =	ssyncset.done $0x0  }
0x99: {  	vm15 =	veq.s32 v0, $0x2;
	v1 =	vsel vm0, s28, v1;
	[sflag:s16] =	ssyncadd.s32 s31  }
0x9a: {  	v1 =	vsel vm15, s20, v1;
	[sflag:s16] =	ssyncpa.u1 $0x1  }
0x9b: {  	[tilespmem:$0xF208] =	vst v1  }
.LBB3_21:
0x9c: {  	s0 =	sadd.s32 $0xF0, s19  }
0x9d: {  	s3 =	smov.u32 s9;
	s17 =	sadd.s32 $0x1, s17;
	p1 =	slt.s32 s0, s11  }
0x9e: {  	s3 =	smov.u32 @p1 s0;
	p1 =	sne.s32 s17, $0x2D  }
.Ltmp10:
0x9f: {  	_ = 	snop;
	(pc) =	sbr.rel @!p1 .LBB3_22-.Ltmp10, $3  }
0xa0: {  	_ =	sdelay $0x1  }
0xa1: {  	s20 =	smov.u32 s18  }
0xa2: {  	s18 =	smov.u32 s19;
	p0 =	por !p0, !p0;
	s19 =	smov.u32 s3  }
.LBB3_3:
0xa3: {  	p1 =	sgt.u32 s17, $0x2A  }
0xa4: {  	s0 =	smul.u32 @!p1 $0xAB, s17;
	_ =	sdelay $0x1  }
0xa5: {  	s0 =	sshrl.u32 @!p1 s0, $0x9  }
0xa6: {  	s4 =	smov.u32 s19;
	p2 =	sgt.s32 @!p1 s19, $0x28410;
	s0 =	sand.u32 @!p1 $0x7F, s0  }
0xa7: {  	s5 =	sshra.s32 @!p1 s19, $0x1F;
	p2 =	por !p2, p1;
	s0 =	smul.u32 @!p1 $0x3, s0  }
0xa8: {  	s5 =	sand.u32 @!p1 s5, s19;
	s4 =	simm.s32 @p2 $0x28410  }
0xa9: {  	s4 =	ssub.s32 @!p1 s4, s5;
	s0 =	ssub.s32 @!p1 s17, s0  }
0xaa: {  	s4 =	sadd.s32 @!p1 $0xFFFD7BF0, s4;
	s0 =	sand.u32 @!p1 $0xFF, s0  }
0xab: {  	s5 =	sshll.u32 @!p1 s4, $0x2;
	p2 =	sgt.s32 @!p1 s4, $0xEF;
	s0 =	smul.u32 @!p1 $0x3C0, s0  }
0xac: {  	s21 =	sand.u32 @!p1 $0x7, s19;
	s4 =	ssub.s32 @!p1 $0x3C0, s5;
	p2 =	por !p2, p1  }
0xad: {  	s5 =	sshrl.u32 @!p1 s19, $0x3;
	s4 =	sshrl.u32 @!p1 s4, $0x2;
	s0 =	sshrl.u32 @!p1 s0, $0x2  }
0xae: {  	s5 =	sadd.s32 @!p1 s5, s12;
	s4 =	simm.s32 @!p2 $0x0;
	s0 =	sadd.s32 @!p1 $0x10248, s0  }
0xaf: {  	[tilespmem:s0], [sflag:$0xA] =	stream.linear.gather @!p1 [hbm4b:s5+s21], s4, $0x38;
	[tilespmem:$0x1F6F8] =	vst v63  }
0xb0: {  	s0 =	sadd.s32 $0xFFFFFFFF, s17  }
0xb1: {  	p1 =	sgt.u32 s0, $0x2A  }
0xb2: {  	p2 =	sgt.s32 @!p1 s18, $0x28410  }
0xb3: {  	s4 =	smov.u32 s18;
	s5 =	sshra.s32 @!p1 s18, $0x1F;
	p2 =	por !p2, p1  }
0xb4: {  	s21 =	smul.u32 @!p1 $0xAB, s0;
	s5 =	sand.u32 @!p1 s5, s18;
	s4 =	simm.s32 @p2 $0x28410  }
0xb5: {  	s4 =	ssub.s32 @!p1 s4, s5  }
0xb6: {  	s5 =	sshrl.u32 @!p1 s21, $0x9;
	s4 =	sadd.s32 @!p1 $0xFFFD7BF0, s4  }
0xb7: {  	s22 =	sand.u32 @!p1 $0x1, s0;
	s5 =	sand.u32 @!p1 $0x7F, s5;
	s21 =	sshll.u32 @!p1 s4, $0x2  }
0xb8: {  	p2 =	sgt.s32 @!p1 s4, $0xEF;
	s5 =	smul.u32 @!p1 $0x3, s5;
	s4 =	ssub.s32 @!p1 $0x3C0, s21  }
0xb9: {  	s23 =	smul.u32 @!p1 $0x3C0, s22;
	p2 =	por !p2, p1;
	s4 =	sshrl.u32 @!p1 s4, $0x2  }
0xba: {  	s21 =	simm.s32 @!p1 $0xA;
	s0 =	ssub.s32 @!p1 s0, s5;
	s4 =	simm.s32 @!p2 $0x0  }
0xbb: {  	s22 =	smul.u32 @!p1 $0x1E000, s22;
	s0 =	sand.u32 @!p1 $0xFF, s0;
	_ =	swait.ge @!p1 [sflag:s21], s4  }
0xbc: {  	s5 =	ssub.s32 @!p1 $0x0, s4;
	s0 =	smul.u32 @!p1 $0x3C0, s0;
	[sflag:s21] =	ssyncset.done @!p1 $0x0  }
0xbd: {  	[sflag:s21] =	ssyncadd.s32 @!p1 s5;
	s5 =	sshrl.u32 @!p1 s18, $0x3;
	s21 =	sshrl.u32 @!p1 s23, $0x2  }
0xbe: {  	s23 =	sand.u32 @!p1 $0x7, s18;
	s5 =	sadd.s32 @!p1 s5, s13;
	s21 =	sadd.s32 @!p1 $0x10518, s21  }
0xbf: {  	[tilespmem:s21], [sflag:$0xB] =	stream.linear.gather @!p1 [hbm4b:s5+s23], s4, $0x38;
	[tilespmem:$0x1F6F8] =	vst v63  }
0xc0: {  	s0 =	sshrl.u32 @!p1 s0, $0x2;
	s4 =	sshrl.u32 @!p1 s22, $0x2  }
0xc1: {  	s0 =	sadd.s32 @!p1 $0x10248, s0;
	s5 =	simm.s32 @!p1 $0xF0;
	s4 =	sor.u32 @!p1 $0x106F8, s4  }
0xc2: {  	[tilespmem:s4], [sflag:$0x9] =	stream.indirect.gather @!p1 [hbm4b:s6+s5], $0x80, s0, s5, $0xb8;
	[tilespmem:$0x1F6F8] =	vst v63  }
0xc3: {  	p1 =	slt.u32 s17, $0x2  }
.Ltmp11:
0xc4: {  	_ = 	snop;
	(pc) =	sbr.rel @p1 .LBB3_21-.Ltmp11, $1  }
0xc5: {  	_ =	sdelay $0x3  }
0xc6: {  	p1 =	sgt.s32 s20, $0x28410;
	s0 =	smov.u32 s20;
	s4 =	sshra.s32 s20, $0x1F  }
0xc7: {  	s0 =	simm.s32 @!p1 $0x28410;
	s4 =	sand.u32 s4, s20  }
0xc8: {  	s0 =	ssub.s32 s0, s4  }
0xc9: {  	s0 =	sadd.s32 $0xFFFD7BF0, s0  }
0xca: {  	s30 =	sshll.u32 s0, $0x2  }
0xcb: {  	_ =	swait.ge [sflag:s8], $0x7800;
	s4 =	ssub.s32 $0x3C0, s30  }
0xcc: {  	[sflag:s8] =	ssyncset.done $0x0;
	p1 =	sgt.s32 s0, $0xEF;
	s0 =	sshrl.u32 s4, $0x2  }
0xcd: {  	[sflag:s8] =	ssyncadd.s32 $0xFFFF8800;
	s0 =	simm.s32 @p1 $0x0  }
0xce: {  	_ =	swait.ge [sflag:s10], s0  }
0xcf: {  	s0 =	ssub.s32 $0x0, s0;
	[sflag:s10] =	ssyncset.done $0x0  }
0xd0: {  	[sflag:s10] =	ssyncadd.s32 s0  }
0xd1: {  	v1 =	vld [tilespmem:$0xF208];
	_ =	sdelay $0x4  }
0xd2: {  	(v2sf) =	vpush v1, $0x0  }
0xd3: {  	(v2sf) =	vpush v1, $0x1  }
0xd4: {  	(v2sf) =	vpush v1, $0x2;
	_ =	sdelay $0x3  }
0xd5: {  	s0 =	sadd.s32 $0xF0, s20  }
0xd6: {  	s4 =	ssub.s32 $0x50A00, s20;
	p1 =	slt.s32 s11, s0  }
0xd7: {  	s0 =	smov.u32 @p1 s11;
	p1 =	sgt.s32 s4, $0x0  }
0xd8: {  	s21 =	ssub.s32 s0, s20;
	s4 =	simm.s32 @!p1 $0x0  }
0xd9: {  	p1 =	slt.s32 s4, s21  }
0xda: {  	s21 =	smov.u32 @p1 s4  }
0xdb: {  	s24 =	simm.s32 $0x1;
	p1 =	slt.s32 s21, $0x1  }
.Ltmp12:
0xdc: {  	s24 =	simm.s32 @!p0 $0x0;
	(pc) =	sbr.rel @p1 .LBB3_8-.Ltmp12, $4  }
0xdd: {  	s31 =	smul.u32 $0x3C0, s24  }
0xde: {  	s25 =	spop (v2sf)  }
0xdf: {  	s0 =	sshrl.u32 s31, $0x2;
	s28 =	spop (v2sf)  }
0xe0: {  	s22 =	sadd.s32 $0x10518, s0;
	s20 =	spop (v2sf)  }
0xe1: {  	s0 =	smin.u32 s21, $0x10  }
0xe2: {  	v1 =	vmov s0  }
0xe3: {  	p2 =	sgt.s32 s21, $0x10;
	vm1 =	vgt.u32 v1, v0  }
.Ltmp13:
0xe4: {  	_ = 	snop;
	(pc) =	sbr.rel @!p2 .LBB3_7-.Ltmp13, $2  }
0xe5: {  	_ =	sdelay $0x2  }
0xe6: {  	s26 =	simm.s32 $0x10;
	s29 =	sadd.s32 $0xFFFFFFF0, s21;
	s23 =	smov.u32 s22;
	vm0 =	vmmov vm1  }
.LBB3_6:
0xe7: {  	s0 =	smin.u32 s29, $0x10;
	s26 =	sadd.s32 $0x10, s26;
	v1 =	vld.msk [tilespmem:s23+$0x0 ss:$0x1], vm1  }
0xe8: {  	v2 =	vmov s0;
	p2 =	slt.s32 s26, s21  }
0xe9: {  	vm1 =	vgt.u32 v2, v0  }
.Ltmp14:
0xea: {  	(pc) =	sbr.rel @p2 .LBB3_6-.Ltmp14, $3  }
0xeb: {  	_ =	sdelay $0x1  }
0xec: {  	v1 =	vshll.u32 v1, $0x4  }
0xed: {  	s29 =	sadd.s32 $0xFFFFFFF0, s29;
	[tilespmem:s23+$0x0] =	vst.msk vm0, v1;
	s23 =	sadd.s32 $0x10, s23;
	vm0 =	vmmov vm1  }
.LBB3_7:
0xee: {  	_ =	sdelay $0x4  }
0xef: {  	v1 =	vld.msk [tilespmem:s23+$0x0 ss:$0x1], vm1;
	_ =	sdelay $0x4  }
0xf0: {  	v1 =	vshll.u32 v1, $0x4  }
0xf1: {  	[tilespmem:s23+$0x0] =	vst.msk vm0, v1  }
.LBB3_8:
0xf2: {  	s0 =	sand.u32 $0x1, s17  }
0xf3: {  	s0 =	smul.u32 $0xF0, s0  }
0xf4: {  	p2 =	sne.s32 s28, $0xFFFFFFFF  }
0xf5: {  	v1 =	vld.msk @!p2 [tilespmem:s0+$0x10518], $0x1;
	_ =	sdelay $0x4  }
0xf6: {  	(v2sf) =	vpush @!p2 v1, $0x0;
	_ =	sdelay $0xc  }
.Ltmp15:
0xf7: {  	_ = 	snop;
	(pc) =	sbr.rel @p1 .LBB3_19-.Ltmp15, $4  }
0xf8: {  	_ = 	snop  }
0xf9: {  	s26 =	spop @!p2 (v2sf)  }
0xfa: {  	s20 =	simm.s32 @!p2 $0x0;
	s23 =	smov.u32 s26  }
0xfb: {  	[sflag:s16] =	ssyncpa.u1 $0x0;
	s26 =	smov.u32 @p2 s25;
	s23 =	smov.u32 @p2 s28  }
0xfc: {  	v1 =	vld.msk [tilespmem:s22+$0x0], $0x1;
	_ =	sdelay $0x4  }
0xfd: {  	(v2sf) =	vpush v1, $0x0;
	_ =	sdelay $0xe  }
0xfe: {  	s0 =	smul.u32 $0x1E000, s24;
	s30 =	spop (v2sf)  }
0xff: {  	p1 =	seq.s32 s26, s30  }
0x100: {  	s28 =	sadd.s32 $0xFFFFFFFF, s21;
	s0 =	sshrl.u32 s0, $0x2;
	p2 =	sgt.s32 @!p1 s26, $0x0  }
0x101: {  	s24 =	sor.u32 $0x10738, s0;
	s0 =	smov.u32 s26;
	p2 =	por !p2, p1  }
0x102: {  	s0 =	simm.s32 @p2 $0x0;
	p2 =	sne.s32 s28, $0x0  }
.Ltmp16:
0x103: {  	_ = 	snop;
	(pc) =	sbr.rel @!p2 .LBB3_11-.Ltmp16, $4  }
0x104: {  	_ = 	snop  }
0x105: {  	s25 =	simm.s32 $0x0;
	s31 =	simm.s32 @!p1 $0x1;
	s4 =	smin.u32 @!p1 s0, $0x270F0  }
0x106: {  	s29 =	sadd.s32 $0x1, s22;
	s31 =	smov.u32 @p1 s25;
	s5 =	sand.u32 @!p1 $0x3FFF8, s4  }
0x107: {  	s0 =	simm.s32 @!p1 $0x7988;
	s4 =	sand.u32 @!p1 $0x7, s4;
	s5 =	sadd.s32 @!p1 s1, s5  }
.LBB3_10:
0x108: {  	s3 =	smov.u32 s31  }
0x109: {  	[tilespmem:s0], [sflag:$0x2] =	stream.linear.gather @!p1 [hbm4b:s5+s4], $0x80, $0x38;
	[tilespmem:$0x1F6F8] =	vst v63  }
0x10a: {  	s28 =	sadd.s32 $0xFFFFFFFF, s28;
	s4 =	smov.u32 s30;
	v1 =	vld.msk [tilespmem:s29+$0x0], $0x1  }
0x10b: {  	p2 =	sne.s32 s28, $0x0;
	_ =	sdelay $0x3  }
0x10c: {  	(v2sf) =	vpush v1, $0x0;
	_ =	sdelay $0xe  }
0x10d: {  	s30 =	spop (v2sf)  }
0x10e: {  	p1 =	seq.s32 s4, s30  }
0x10f: {  	p3 =	sgt.s32 @!p1 s4, $0x0;
	s0 =	sshll.u32 @!p1 s31, $0x9;
	s31 =	sadd.s32 @!p1 $0x1, s31  }
.Ltmp17:
0x110: {  	p3 =	por !p3, p1;
	s0 =	sshra.s32 @!p1 s0, $0x2;
	(pc) =	sbr.rel @p2 .LBB3_10-.Ltmp17, $4  }
0x111: {  	s31 =	smov.u32 @p1 s3;
	s4 =	simm.s32 @p3 $0x0;
	s0 =	sadd.s32 @!p1 $0x7988, s0  }
0x112: {  	s3 =	smin.u32 @!p1 s4, $0x270F0  }
0x113: {  	s5 =	sand.u32 @!p1 $0x3FFF8, s3;
	s4 =	sand.u32 @!p1 $0x7, s3  }
0x114: {  	s29 =	sadd.s32 $0x1, s29;
	s5 =	sadd.s32 @!p1 s1, s5  }
.LBB3_11:
0x115: {  	[tilespmem:s0], [sflag:$0x2] =	stream.linear.gather @!p1 [hbm4b:s5+s4], $0x80, $0x38;
	[tilespmem:$0x1F6F8] =	vst v63  }
.Ltmp18:
0x116: {  	s31 =	sshll.u32 s31, $0x7;
	(pc) =	sbr.rel .LBB3_12-.Ltmp18, $4  }
0x117: {  	s0 =	sand.u32 $0x3FFFFF80, s31  }
0x118: {  	_ =	swait.ge [sflag:s7], s0  }
0x119: {  	s0 =	ssub.s32 $0x0, s0;
	[sflag:s7] =	ssyncset.done $0x0  }
0x11a: {  	s29 =	simm.s32 $0x0;
	[sflag:s7] =	ssyncadd.s32 s0  }
.LBB3_13:
0x11b: {  	v1 =	vld [tilespmem:s24+$0xFFFFFFC0];
	_ =	sdelay $0x3  }
0x11c: {  	s0 =	sshra.s32 s0, $0x2  }
0x11d: {  	[tilespmem:s0+$0x108] =	vst.add.f32.msk $0xffff, v1  }
0x11e: {  	v1 =	vld [tilespmem:s24+$0xFFFFFFD0];
	_ =	sdelay $0x4  }
0x11f: {  	[tilespmem:s0+$0x118] =	vst.add.f32.msk $0xffff, v1  }
0x120: {  	v1 =	vld [tilespmem:s24+$0xFFFFFFE0];
	_ =	sdelay $0x4  }
0x121: {  	[tilespmem:s0+$0x128] =	vst.add.f32.msk $0xffff, v1  }
0x122: {  	v1 =	vld [tilespmem:s24+$0xFFFFFFF0];
	_ =	sdelay $0x4  }
0x123: {  	[tilespmem:s0+$0x138] =	vst.add.f32.msk $0xffff, v1  }
0x124: {  	v1 =	vld [tilespmem:s24+$0x0];
	_ =	sdelay $0x4  }
0x125: {  	[tilespmem:s0+$0x148] =	vst.add.f32.msk $0xffff, v1  }
0x126: {  	v1 =	vld [tilespmem:s24+$0x10];
	_ =	sdelay $0x4  }
0x127: {  	[tilespmem:s0+$0x158] =	vst.add.f32.msk $0xffff, v1  }
0x128: {  	v1 =	vld [tilespmem:s24+$0x20];
	_ =	sdelay $0x4  }
0x129: {  	[tilespmem:s0+$0x168] =	vst.add.f32.msk $0xffff, v1  }
0x12a: {  	v1 =	vld [tilespmem:s24+$0x30];
	_ =	sdelay $0x4  }
0x12b: {  	[tilespmem:s0+$0x178] =	vst.add.f32.msk $0xffff, v1  }
.LBB3_17:
0x12c: {  	s21 =	sadd.s32 $0xFFFFFFFF, s21  }
0x12d: {  	p1 =	sne.s32 s21, $0x0  }
.Ltmp19:
0x12e: {  	_ = 	snop;
	(pc) =	sbr.rel @!p1 .LBB3_18-.Ltmp19, $2  }
0x12f: {  	_ =	sdelay $0x2  }
0x130: {  	s22 =	sadd.s32 $0x1, s22;
	s24 =	sadd.s32 $0x80, s24;
	s26 =	smov.u32 s28  }
.LBB3_12:
0x131: {  	v1 =	vld.msk [tilespmem:s22+$0x0], $0x1;
	_ =	sdelay $0x4  }
0x132: {  	(v2sf) =	vpush v1, $0x0;
	_ =	sdelay $0xe  }
0x133: {  	s28 =	spop (v2sf)  }
0x134: {  	p1 =	sne.s32 s26, s28  }
.Ltmp20:
0x135: {  	_ = 	snop;
	(pc) =	sbr.rel @!p1 .LBB3_13-.Ltmp20, $2  }
0x136: {  	_ =	sdelay $0x2  }
0x137: {  	s0 =	sshll.u32 s20, $0x9  }
0x138: {  	p1 =	seq.s32 s26, s23  }
.Ltmp21:
0x139: {  	_ = 	snop;
	(pc) =	sbr.rel @!p1 .LBB3_15-.Ltmp21, $1  }
0x13a: {  	_ =	sdelay $0x3  }
0x13b: {  	s0 =	sshra.s32 s0, $0x2  }
.Ltmp22:
0x13c: {  	s0 =	sadd.s32 $0x108, s0;
	(pc) =	sbr.rel .LBB3_16-.Ltmp22, $4  }
0x13d: {  	[spmem:s14] =	stream.linear.scatter [tilespmem:s0], [sflag:$0x1], $0x80, $0x38;
	[tilespmem:$0x1F6F8] =	vst v63  }
0x13e: {  	_ =	swait.ge [sflag:s15], $0x80  }
0x13f: {  	[sflag:s15] =	ssyncset.done $0x0  }
0x140: {  	[sflag:s15] =	ssyncadd.s32 $0xFFFFFF80  }
.LBB3_15:
0x141: {  	s3 =	sshll.u32 s25, $0x9  }
0x142: {  	s3 =	sshra.s32 s3, $0x2  }
0x143: {  	v1 =	vld [tilespmem:s3+$0x7988];
	_ =	sdelay $0x3  }
0x144: {  	s0 =	sshra.s32 s0, $0x2  }
0x145: {  	[tilespmem:s0+$0x108] =	vst.add.f32.msk $0xffff, v1  }
0x146: {  	v1 =	vld [tilespmem:s3+$0x7998];
	_ =	sdelay $0x4  }
0x147: {  	[tilespmem:s0+$0x118] =	vst.add.f32.msk $0xffff, v1  }
0x148: {  	v1 =	vld [tilespmem:s3+$0x79A8];
	_ =	sdelay $0x4  }
0x149: {  	[tilespmem:s0+$0x128] =	vst.add.f32.msk $0xffff, v1  }
0x14a: {  	v1 =	vld [tilespmem:s3+$0x79B8];
	_ =	sdelay $0x4  }
0x14b: {  	[tilespmem:s0+$0x138] =	vst.add.f32.msk $0xffff, v1  }
0x14c: {  	v1 =	vld [tilespmem:s3+$0x79C8];
	_ =	sdelay $0x4  }
0x14d: {  	[tilespmem:s0+$0x148] =	vst.add.f32.msk $0xffff, v1  }
0x14e: {  	v1 =	vld [tilespmem:s3+$0x79D8];
	_ =	sdelay $0x4  }
0x14f: {  	[tilespmem:s0+$0x158] =	vst.add.f32.msk $0xffff, v1  }
0x150: {  	v1 =	vld [tilespmem:s3+$0x79E8];
	_ =	sdelay $0x4  }
0x151: {  	[tilespmem:s0+$0x168] =	vst.add.f32.msk $0xffff, v1  }
0x152: {  	v1 =	vld [tilespmem:s3+$0x79F8];
	_ =	sdelay $0x2  }
0x153: {  	p1 =	sgt.u32 s26, $0x270F0  }
0x154: {  	s3 =	sand.u32 @!p1 $0x3FFF8, s26  }
0x155: {  	s4 =	sadd.s32 $0x108, s0;
	[tilespmem:s0+$0x178] =	vst.add.f32.msk $0xffff, v1;
	s0 =	sadd.s32 @!p1 s1, s3;
	s3 =	sand.u32 @!p1 $0x7, s26  }
0x156: {  	[hbm4b:s0+s3] =	stream.linear.scatter @!p1 [tilespmem:s4], [sflag:$0xC], $0x80, $0x38;
	[tilespmem:$0x1F6F8] =	vst v63  }
0x157: {  	s0 =	simm.s32 $0x0  }
0x158: {  	s0 =	simm.s32 @!p1 $0x200  }
0x159: {  	s29 =	sadd.s32 s0, s29  }
.LBB3_16:
0x15a: {  	s0 =	sadd.s32 $0x1, s20  }
0x15b: {  	s3 =	smulhi.u32 $0x88888889, s0;
	_ =	sdelay $0x1  }
0x15c: {  	v1 =	vld [tilespmem:s24+$0xFFFFFFC0];
	s3 =	sshrl.u32 s3, $0x7  }
0x15d: {  	s3 =	smul.u32 $0xF0, s3;
	_ =	sdelay $0x1  }
0x15e: {  	s20 =	ssub.s32 s0, s3  }
0x15f: {  	s0 =	sshll.u32 s20, $0x7  }
0x160: {  	[tilespmem:s0+$0x108] =	vst v1  }
0x161: {  	v1 =	vld [tilespmem:s24+$0xFFFFFFD0];
	_ =	sdelay $0x4  }
0x162: {  	[tilespmem:s0+$0x118] =	vst v1  }
0x163: {  	v1 =	vld [tilespmem:s24+$0xFFFFFFE0];
	_ =	sdelay $0x4  }
0x164: {  	[tilespmem:s0+$0x128] =	vst v1  }
0x165: {  	v1 =	vld [tilespmem:s24+$0xFFFFFFF0];
	_ =	sdelay $0x4  }
0x166: {  	[tilespmem:s0+$0x138] =	vst v1  }
0x167: {  	v1 =	vld [tilespmem:s24+$0x0];
	_ =	sdelay $0x4  }
0x168: {  	[tilespmem:s0+$0x148] =	vst v1  }
0x169: {  	v1 =	vld [tilespmem:s24+$0x10];
	_ =	sdelay $0x4  }
0x16a: {  	[tilespmem:s0+$0x158] =	vst v1  }
0x16b: {  	v1 =	vld [tilespmem:s24+$0x20];
	_ =	sdelay $0x4  }
0x16c: {  	[tilespmem:s0+$0x168] =	vst v1  }
0x16d: {  	v1 =	vld [tilespmem:s24+$0x30]  }
.Ltmp23:
0x16e: {  	_ = 	snop;
	(pc) =	sbr.rel .LBB3_17-.Ltmp23, $2  }
0x16f: {  	_ =	sdelay $0x2  }
0x170: {  	s25 =	sadd.s32 $0x1, s25;
	[tilespmem:s0+$0x178] =	vst v1  }
.LBB3_19:
.Ltmp24:
0x171: {  	(pc) =	sbr.rel .LBB3_20-.Ltmp24, $3  }
0x172: {  	_ =	sdelay $0x1  }
0x173: {  	_ =	swait.ge [sflag:s7], $0x0  }
0x174: {  	s0 =	simm.s32 $0x0;
	s28 =	smov.u32 s26;
	[sflag:s7] =	ssyncset.done $0x0  }
.LBB3_22:
0x175: {  	_ =	sfence.sel $0x180000  }
0x176: {  	s0 =	simm.s32 $0x9;
	[bflag:$0x0] =	sbarrier.arrive $0xFFFF  }
0x177: {  	s24 =	simm.s32 $0xA;
	[sflag:s0] =	ssyncpa.u1 $0x1  }
0x178: {  	s25 =	simm.s32 $0xB;
	[sflag:s24] =	ssyncpa.u1 $0x1  }
0x179: {  	s26 =	simm.s32 $0x2;
	[sflag:s25] =	ssyncpa.u1 $0x1  }
0x17a: {  	[sflag:s26] =	ssyncpa.u1 $0x1  }
0x17b: {  	v0 =	vld [tilespmem:$0xF208];
	_ =	sdelay $0x4  }
0x17c: {  	(v2sf) =	vpush v0, $0x0  }
0x17d: {  	(v2sf) =	vpush v0, $0x1;
	_ =	sdelay $0x1  }
0x17e: {  	(v2sf) =	vpush v0, $0x2;
	_ =	sdelay $0xb  }
0x17f: {  	s0 =	spop (v2sf)  }
0x180: {  	s3 =	spop (v2sf)  }
0x181: {  	s4 =	smov.u32 s0;
	p0 =	sne.s32 s0, s3  }
0x182: {  	s5 =	spop (v2sf);
	s4 =	simm.s32 @!p0 $0xFFFFFFFF  }
0x183: {  	v2 =	vimm.s32 $0x1;
	v3 =	vlaneseq.u32;
	p0 =	seq.s32 s5, $0xFFFFFFFF;
	v1 =	vmov s4  }
0x184: {  	s16 =	stileid.u32;
	v0 =	vperm.xlane v0, v2;
	p1 =	sne.s32 @!p0 s0, s3;
	v1 =	vperm.xlane v1, v3  }
0x185: {  	vm0 =	vcmask $0x3F04;
	s7 =	simm.s32 $0xF208;
	s0 =	simm.s32 @!p0 $0x1;
	p1 =	por !p1, p0  }
0x186: {  	s4 =	sshll.u32 s16, $0x1;
	s3 =	sshll.u32 @!p0 s5, $0x9;
	s0 =	simm.s32 @p1 $0x0;
	v0 =	vsel vm0, v1, v0  }
0x187: {  	s6 =	sor.u32 $0x1000, s4;
	s3 =	sshra.s32 @!p0 s3, $0x2;
	s0 =	sor.u32 @!p0 s0, s4;
	[tilespmem:$0xF208] =	vst v0  }
0x188: {  	[spmem:s6] =	stream.linear.scatter [tilespmem:s7], [sflag:$0x1], $0x2, $0x38;
	[tilespmem:$0x1F6F8] =	vst v63  }
0x189: {  	s3 =	sadd.s32 @!p0 $0x108, s3;
	s0 =	sshll.u32 @!p0 s0, $0x7  }
0x18a: {  	[spmem:s0] =	stream.linear.scatter @!p0 [tilespmem:s3], [sflag:$0x1], $0x80, $0x38;
	[tilespmem:$0x1F6F8] =	vst v63  }
0x18b: {  	s0 =	simm.s32 @!p0 $0x82  }
0x18c: {  	s28 =	simm.s32 $0x1;
	s0 =	simm.s32 @p0 $0x2  }
0x18d: {  	_ =	swait.ge [sflag:s28], s0  }
0x18e: {  	s0 =	ssub.s32 $0x0, s0;
	[sflag:s28] =	ssyncset.done $0x0  }
0x18f: {  	p0 =	sne.s32 s16, $0x0;
	[sflag:s28] =	ssyncadd.s32 s0  }
.Ltmp25:
0x190: {  	_ =	sfence.stream.spmem;
	(pc) =	sbr.rel @p0 .LBB3_39-.Ltmp25, $4  }
0x191: {  	s29 =	simm.s32 $0x3;
	[bflag:$0x0] =	sbarrier.arrive $0xFFFF  }
0x192: {  	s30 =	simm.s32 $0x4;
	[sflag:s29] =	ssyncpa.u1 $0x1  }
0x193: {  	s31 =	simm.s32 $0x3C;
	[sflag:s30] =	ssyncpa.u1 $0x1  }
0x194: {  	[sflag:s31] =	ssyncpa.u1 $0x1  }
0x195: {  	_ =	sfence.stream.spmem;
	s0 =	simm.s32 $0x5  }
0x196: {  	s3 =	simm.s32 $0x1000;
	s4 =	simm.s32 $0xF218;
	[sflag:s0] =	ssyncpa.u1 $0x0  }
0x197: {  	[tilespmem:s4], [sflag:$0x5] =	stream.linear.gather [spmem:s3], $0x20, $0x38;
	[tilespmem:$0x1F6F8] =	vst v63  }
0x198: {  	s26 =	simm.s32 $0x0;
	s28 =	simm.s32 $0xF238  }
0x199: {  	[tilespmem:s28], [sflag:$0x5] =	stream.linear.gather [spmem:s26], $0x1000, $0x38;
	[tilespmem:$0x1F6F8] =	vst v63  }
0x19a: {  	_ =	swait.ge [sflag:s0], $0x1020  }
0x19b: {  	[sflag:s0] =	ssyncset.done $0x0  }
0x19c: {  	s29 =	simm.s32 $0x0;
	[sflag:s0] =	ssyncadd.s32 $0xFFFFEFE0  }
0x19d: {  	v0 =	vld.msk [tilespmem:s29+$0xF218], $0x1;
	_ =	sdelay $0x1  }
0x19e: {  	s30 =	simm.s32 $0x1  }
0x19f: {  	v1 =	vld.msk [tilespmem:s30+$0xF218], $0x1;
	_ =	sdelay $0x1  }
0x1a0: {  	(v2sf) =	vpush v0, $0x0;
	_ =	sdelay $0x2  }
0x1a1: {  	(v2sf) =	vpush v1, $0x0;
	_ =	sdelay $0x2  }
0x1a2: {  	s31 =	simm.s32 $0x2  }
0x1a3: {  	v0 =	vld.msk [tilespmem:s31+$0xF218], $0x1;
	_ =	sdelay $0x2  }
0x1a4: {  	s6 =	simm.s32 $0xC;
	s7 =	simm.s32 $0xFFFFFFFF;
	s0 =	simm.s32 $0xFFFFFFFF  }
.LBB3_24:
0x1a5: {  	s3 =	smov.u32 s7;
	s4 =	smov.u32 s0  }
0x1a6: {  	s0 =	sshra.s32 s6, $0x2;
	p1 =	sne.s32 s6, $0x7C;
	s6 =	sadd.s32 $0x4, s6;
	(v2sf) =	vpush v0, $0x0  }
0x1a7: {  	v0 =	vld.msk [tilespmem:s0+$0xF218], $0x1  }
.Ltmp26:
0x1a8: {  	(pc) =	sbr.rel @p1 .LBB3_24-.Ltmp26, $4  }
0x1a9: {  	s7 =	spop (v2sf)  }
0x1aa: {  	p2 =	sne.s32 s4, $0xFFFFFFFF;
	s0 =	smov.u32 s7  }
0x1ab: {  	p3 =	seq.s32 s7, $0xFFFFFFFF;
	s0 =	smov.u32 @p2 s4  }
0x1ac: {  	s7 =	smov.u32 @p3 s3;
	s0 =	smov.u32 @p3 s4  }
0x1ad: {  	(v2sf) =	vpush v0, $0x0;
	_ =	sdelay $0x8  }
0x1ae: {  	s3 =	spop (v2sf)  }
0x1af: {  	p1 =	sne.s32 s0, $0xFFFFFFFF;
	s4 =	smov.u32 s3  }
0x1b0: {  	s9 =	simm.s32 $0x6;
	p2 =	seq.s32 s3, $0xFFFFFFFF;
	s4 =	smov.u32 @p1 s0  }
0x1b1: {  	s6 =	simm.s32 $0x0;
	s4 =	smov.u32 @p2 s0;
	s0 =	spop (v2sf)  }
0x1b2: {  	s3 =	smov.u32 @p2 s7;
	p1 =	sne.s32 s4, $0xFFFFFFFF;
	s5 =	smov.u32 s0  }
.Ltmp27:
0x1b3: {  	p2 =	seq.s32 s0, $0xFFFFFFFF;
	s5 =	smov.u32 @p1 s4;
	(pc) =	sbr.rel .LBB3_26-.Ltmp27, $4  }
0x1b4: {  	s10 =	simm.s32 $0xF188;
	s5 =	smov.u32 @p2 s4;
	s7 =	spop (v2sf)  }
0x1b5: {  	s11 =	simm.s32 $0x0;
	p1 =	sne.s32 s5, $0xFFFFFFFF;
	s8 =	smov.u32 s7  }
0x1b6: {  	s0 =	smov.u32 @p2 s3;
	p2 =	seq.s32 s7, $0xFFFFFFFF;
	s8 =	smov.u32 @p1 s5  }
0x1b7: {  	[sflag:s9] =	ssyncpa.u1 $0x0;
	s7 =	smov.u32 @p2 s0;
	s8 =	smov.u32 @p2 s5  }
.LBB3_32:
0x1b8: {  	p1 =	sgt.u32 s12, $0x270F0  }
0x1b9: {  	p2 =	seq.s32 @!p1 s12, s8  }
0x1ba: {  	p1 =	por p1, p2  }
0x1bb: {  	p2 =	sne.s32 @!p1 s12, s7  }
0x1bc: {  	p1 =	por p1, !p2  }
0x1bd: {  	s0 =	sshll.u32 @p1 s11, $0x9  }
0x1be: {  	s0 =	sand.u32 @!p1 $0x3FFF8, s12  }
0x1bf: {  	s3 =	sand.u32 @!p1 $0x7, s12;
	s0 =	sadd.s32 @!p1 s1, s0  }
0x1c0: {  	[tilespmem:s10], [sflag:$0x6] =	stream.linear.gather @!p1 [hbm4b:s0+s3], $0x80, $0x38;
	[tilespmem:$0x1F6F8] =	vst v63  }
0x1c1: {  	_ =	swait.ge @!p1 [sflag:s9], $0x80  }
0x1c2: {  	[sflag:s9] =	ssyncset.done @!p1 $0x0  }
0x1c3: {  	[sflag:s9] =	ssyncadd.s32 @!p1 $0xFFFFFF80  }
0x1c4: {  	v1 =	vld @!p1 [tilespmem:$0xF188];
	_ =	sdelay $0x2  }
0x1c5: {  	s0 =	sshll.u32 @!p1 s11, $0x9  }
0x1c6: {  	s3 =	sshrl.u32 @!p1 s0, $0x2  }
0x1c7: {  	[tilespmem:s3+$0xF238] =	vst.add.f32.msk @!p1 $0xffff, v1  }
0x1c8: {  	v1 =	vld @!p1 [tilespmem:$0xF198];
	_ =	sdelay $0x4  }
0x1c9: {  	[tilespmem:s3+$0xF248] =	vst.add.f32.msk @!p1 $0xffff, v1  }
0x1ca: {  	v1 =	vld @!p1 [tilespmem:$0xF1A8];
	_ =	sdelay $0x4  }
0x1cb: {  	[tilespmem:s3+$0xF258] =	vst.add.f32.msk @!p1 $0xffff, v1  }
0x1cc: {  	v1 =	vld @!p1 [tilespmem:$0xF1B8];
	_ =	sdelay $0x4  }
0x1cd: {  	[tilespmem:s3+$0xF268] =	vst.add.f32.msk @!p1 $0xffff, v1  }
0x1ce: {  	v1 =	vld @!p1 [tilespmem:$0xF1C8];
	_ =	sdelay $0x4  }
0x1cf: {  	[tilespmem:s3+$0xF278] =	vst.add.f32.msk @!p1 $0xffff, v1  }
0x1d0: {  	v1 =	vld @!p1 [tilespmem:$0xF1D8];
	_ =	sdelay $0x4  }
0x1d1: {  	[tilespmem:s3+$0xF288] =	vst.add.f32.msk @!p1 $0xffff, v1  }
0x1d2: {  	v1 =	vld @!p1 [tilespmem:$0xF1E8];
	_ =	sdelay $0x4  }
0x1d3: {  	[tilespmem:s3+$0xF298] =	vst.add.f32.msk @!p1 $0xffff, v1  }
0x1d4: {  	v1 =	vld @!p1 [tilespmem:$0xF1F8];
	_ =	sdelay $0x4  }
0x1d5: {  	[tilespmem:s3+$0xF2A8] =	vst.add.f32.msk @!p1 $0xffff, v1  }
0x1d6: {  	s0 =	sshrl.u32 s0, $0x2;
	[tilespmem:s6+$0xF218] =	vst.msk $0x1, v0  }
0x1d7: {  	v0 =	vld [tilespmem:s0+$0xF238];
	_ =	sdelay $0x2  }
0x1d8: {  	s31 =	sshll.u32 s6, $0x9  }
0x1d9: {  	s3 =	sshra.s32 s31, $0x2  }
0x1da: {  	[tilespmem:s3+$0xF238] =	vst v0  }
0x1db: {  	v0 =	vld [tilespmem:s0+$0xF248];
	_ =	sdelay $0x4  }
0x1dc: {  	[tilespmem:s3+$0xF248] =	vst v0  }
0x1dd: {  	v0 =	vld [tilespmem:s0+$0xF258];
	_ =	sdelay $0x4  }
0x1de: {  	[tilespmem:s3+$0xF258] =	vst v0  }
0x1df: {  	v0 =	vld [tilespmem:s0+$0xF268];
	_ =	sdelay $0x4  }
0x1e0: {  	[tilespmem:s3+$0xF268] =	vst v0  }
0x1e1: {  	v0 =	vld [tilespmem:s0+$0xF278];
	_ =	sdelay $0x4  }
0x1e2: {  	[tilespmem:s3+$0xF278] =	vst v0  }
0x1e3: {  	v0 =	vld [tilespmem:s0+$0xF288];
	_ =	sdelay $0x4  }
0x1e4: {  	[tilespmem:s3+$0xF288] =	vst v0  }
0x1e5: {  	v0 =	vld [tilespmem:s0+$0xF298];
	_ =	sdelay $0x4  }
0x1e6: {  	[tilespmem:s3+$0xF298] =	vst v0  }
0x1e7: {  	v0 =	vld [tilespmem:s0+$0xF2A8];
	_ =	sdelay $0x4  }
0x1e8: {  	s6 =	sadd.s32 $0x1, s6;
	[tilespmem:s3+$0xF2A8] =	vst v0  }
.LBB3_33:
0x1e9: {  	s11 =	sadd.s32 $0x1, s11  }
0x1ea: {  	p1 =	sne.s32 s11, $0x20  }
.Ltmp28:
0x1eb: {  	_ = 	snop;
	(pc) =	sbr.rel @!p1 .LBB3_34-.Ltmp28, $1  }
0x1ec: {  	_ =	sdelay $0x3  }
.LBB3_26:
0x1ed: {  	v0 =	vld.msk [tilespmem:s11+$0xF218], $0x1;
	_ =	sdelay $0x4  }
0x1ee: {  	(v2sf) =	vpush v0, $0x0;
	_ =	sdelay $0xe  }
0x1ef: {  	s12 =	spop (v2sf)  }
0x1f0: {  	p1 =	seq.s32 s12, $0xFFFFFFFF  }
.Ltmp29:
0x1f1: {  	_ = 	snop;
	(pc) =	sbr.rel @p1 .LBB3_33-.Ltmp29, $1  }
0x1f2: {  	_ =	sdelay $0x3  }
0x1f3: {  	p1 =	slt.s32 s6, $0x1  }
.Ltmp30:
0x1f4: {  	_ = 	snop;
	(pc) =	sbr.rel @p1 .LBB3_32-.Ltmp30, $1  }
0x1f5: {  	_ =	sdelay $0x3  }
0x1f6: {  	s13 =	simm.s32 $0xF218;
	p1 =	por $0x0, $0x0  }
0x1f7: {  	v1 =	vld.msk @!p1 [tilespmem:s13+$0x0], $0x1;
	_ =	sdelay $0x4  }
0x1f8: {  	(v2sf) =	vpush @!p1 v1, $0x0;
	_ =	sdelay $0xd  }
0x1f9: {  	p3 =	sne.s32 s6, $0x1  }
.Ltmp31:
0x1fa: {  	s0 =	spop @!p1 (v2sf);
	(pc) =	sbr.rel @!p3 .LBB3_30-.Ltmp31, $4  }
0x1fb: {  	p2 =	seq.s32 @!p1 s12, s0  }
0x1fc: {  	s14 =	simm.s32 $0x0;
	p2 =	por !p2, p1  }
0x1fd: {  	s0 =	simm.s32 $0xFFFFFFFF;
	s14 =	simm.s32 @p2 $0xFFFFFFFF  }
0x1fe: {  	s15 =	simm.s32 $0x1;
	s14 =	smov.u32 @p1 s0  }
.LBB3_29:
0x1ff: {  	s0 =	smov.u32 s14;
	p1 =	sne.s32 s14, $0xFFFFFFFF  }
0x200: {  	s13 =	sadd.s32 $0x1, s13;
	s14 =	smov.u32 s15;
	s15 =	sadd.s32 $0x1, s15  }
0x201: {  	p2 =	sne.s32 s6, s15;
	v1 =	vld.msk @!p1 [tilespmem:s13+$0x0], $0x1;
	_ =	sdelay $0x4  }
0x202: {  	(v2sf) =	vpush @!p1 v1, $0x0;
	_ =	sdelay $0xe  }
.Ltmp32:
0x203: {  	s3 =	spop @!p1 (v2sf);
	(pc) =	sbr.rel @p2 .LBB3_29-.Ltmp32, $4  }
0x204: {  	p3 =	seq.s32 @!p1 s12, s3  }
0x205: {  	p3 =	por !p3, p1  }
0x206: {  	s14 =	simm.s32 @p3 $0xFFFFFFFF  }
0x207: {  	s14 =	smov.u32 @p1 s0  }
.LBB3_30:
0x208: {  	p1 =	seq.s32 s14, $0xFFFFFFFF  }
.Ltmp33:
0x209: {  	_ = 	snop;
	(pc) =	sbr.rel @p1 .LBB3_32-.Ltmp33, $1  }
0x20a: {  	_ =	sdelay $0x3  }
0x20b: {  	s0 =	sshll.u32 s11, $0x7  }
0x20c: {  	s0 =	sand.u32 $0x3FFFFF80, s0  }
0x20d: {  	v0 =	vld [tilespmem:s0+$0xF238];
	_ =	sdelay $0x2  }
0x20e: {  	s3 =	sshll.u32 s14, $0x9  }
0x20f: {  	s3 =	sshra.s32 s3, $0x2  }
0x210: {  	[tilespmem:s3+$0xF238] =	vst.add.f32.msk $0xffff, v0  }
0x211: {  	v0 =	vld [tilespmem:s0+$0xF248];
	_ =	sdelay $0x4  }
0x212: {  	[tilespmem:s3+$0xF248] =	vst.add.f32.msk $0xffff, v0  }
0x213: {  	v0 =	vld [tilespmem:s0+$0xF258];
	_ =	sdelay $0x4  }
0x214: {  	[tilespmem:s3+$0xF258] =	vst.add.f32.msk $0xffff, v0  }
0x215: {  	v0 =	vld [tilespmem:s0+$0xF268];
	_ =	sdelay $0x4  }
0x216: {  	[tilespmem:s3+$0xF268] =	vst.add.f32.msk $0xffff, v0  }
0x217: {  	v0 =	vld [tilespmem:s0+$0xF278];
	_ =	sdelay $0x4  }
0x218: {  	[tilespmem:s3+$0xF278] =	vst.add.f32.msk $0xffff, v0  }
0x219: {  	v0 =	vld [tilespmem:s0+$0xF288];
	_ =	sdelay $0x4  }
0x21a: {  	[tilespmem:s3+$0xF288] =	vst.add.f32.msk $0xffff, v0  }
0x21b: {  	v0 =	vld [tilespmem:s0+$0xF298];
	_ =	sdelay $0x4  }
0x21c: {  	[tilespmem:s3+$0xF298] =	vst.add.f32.msk $0xffff, v0  }
0x21d: {  	v0 =	vld [tilespmem:s0+$0xF2A8]  }
.Ltmp34:
0x21e: {  	_ = 	snop;
	(pc) =	sbr.rel .LBB3_33-.Ltmp34, $2  }
0x21f: {  	_ =	sdelay $0x2  }
0x220: {  	[tilespmem:s3+$0xF2A8] =	vst.add.f32.msk $0xffff, v0  }
.LBB3_34:
0x221: {  	s0 =	simm.s32 $0x6;
	p1 =	seq.s32 s6, $0x0  }
0x222: {  	[sflag:s0] =	ssyncpa.u1 $0x1;
	v0 =	vimm.s32 @p1 $0xFFFFFFFF  }
0x223: {  	s9 =	sadd.s32 $0xFFFFFFFF, s6;
	[tilespmem:$0x10238] =	vst @p1 v0  }
0x224: {  	v0 =	vld.msk @!p1 [tilespmem:s9+$0xF218], $0x1;
	_ =	sdelay $0x1  }
0x225: {  	v1 =	vld.msk @!p1 [tilespmem:$0xF218], $0x1;
	_ =	sdelay $0x2  }
0x226: {  	p2 =	seq.s32 @!p1 s9, $0x0;
	v0 =	vbroadcast @!p1 v0, $0x0  }
0x227: {  	vm0 =	vmmov @!p1 $0x1;
	p2 =	por !p2, p1  }
0x228: {  	v1 =	vnsel @!p1 vm0, $0xFFFFFFFF, v1;
	vm0 =	vcmask @!p1 $0x308;
	v0 =	vpsel !p2, $0xFFFFFFFF, v0  }
0x229: {  	p2 =	sne.s32 @!p1 s8, s7;
	v0 =	vsel @!p1 vm0, v1, v0  }
0x22a: {  	s0 =	simm.s32 @!p1 $0xF238;
	s3 =	simm.s32 @!p1 $0x0;
	p3 =	por !p2, p1;
	[tilespmem:$0x10238] =	vst @!p1 v0  }
0x22b: {  	[spmem:s3] =	stream.linear.scatter @!p1 [tilespmem:s0], [sflag:$0x1], $0x80, $0x38;
	[tilespmem:$0x1F6F8] =	vst v63  }
0x22c: {  	s0 =	sshll.u32 @!p3 s9, $0x9  }
0x22d: {  	s0 =	sshra.s32 @!p3 s0, $0x2  }
0x22e: {  	s3 =	simm.s32 @!p3 $0x80;
	s0 =	sadd.s32 @!p3 $0xF238, s0  }
0x22f: {  	[spmem:s3] =	stream.linear.scatter @!p3 [tilespmem:s0], [sflag:$0x1], $0x80, $0x38;
	[tilespmem:$0x1F6F8] =	vst v63  }
0x230: {  	s0 =	simm.s32 @!p3 $0x1  }
0x231: {  	_ =	swait.ge @!p3 [sflag:s0], $0x100  }
0x232: {  	p1 =	por p2, p1;
	[sflag:s0] =	ssyncset.done @!p3 $0x0  }
0x233: {  	[sflag:s0] =	ssyncadd.s32 @!p3 $0xFFFFFF00;
	s0 =	simm.s32 @!p1 $0x1  }
0x234: {  	_ =	swait.ge @!p1 [sflag:s0], $0x80  }
0x235: {  	s29 =	simm.s32 $0x10238;
	[sflag:s0] =	ssyncset.done @!p1 $0x0  }
0x236: {  	s30 =	simm.s32 $0x1000;
	s31 =	simm.s32 $0x1;
	[sflag:s0] =	ssyncadd.s32 @!p1 $0xFFFFFF80  }
0x237: {  	[spmem:s30] =	stream.linear.scatter [tilespmem:s29], [sflag:$0x1], $0x10, $0x38;
	[tilespmem:$0x1F6F8] =	vst v63  }
0x238: {  	_ =	swait.ge [sflag:s31], $0x10  }
0x239: {  	[sflag:s31] =	ssyncset.done $0x0  }
0x23a: {  	p1 =	seq.s32 s2, $0x0;
	s10 =	rddreg [dreg:$0x1];
	[sflag:s31] =	ssyncadd.s32 $0xFFFFFFF0  }
0x23b: {  	s3 =	sshll.u32 @p1 s10, $0xE;
	s8 =	rddreg [dreg:$0x2]  }
0x23c: {  	s0 =	sadd.s32 @p1 $0x15C3C, s3;
	s3 =	sshll.u32 @p1 s8, $0x11  }
0x23d: {  	_ =	sfence.stream.spmem;
	s0 =	sor.u32 @p1 s3, s0  }
0x23e: {  	[sflag:s0] =	ssyncadd.remote.s32 @p1 $0x1;
	s0 =	simm.s32 @p1 $0x4  }
0x23f: {  	s4 =	simm.s32 @!p1 $0x3C;
	s3 =	sand.u32 $0xFFFFFFFE, s10;
	_ =	swait.ge @p1 [sflag:s0], $0x22  }
0x240: {  	s5 =	simm.s32 @!p1 $0x0;
	s3 =	sadd.s32 @!p1 $0x4, s3;
	[sflag:s0] =	ssyncset.done @p1 $0x0  }
0x241: {  	s7 =	simm.s32 @!p1 $0x100;
	[sflag:s0] =	ssyncadd.s32 @p1 $0xFFFFFFDE;
	s0 =	sshll.u32 @!p1 s3, $0x1A  }
0x242: {  	s3 =	sshll.u32 @!p1 s3, $0xD;
	s0 =	sor.u32 @!p1 s0, s8;
	_ =	swait.eq @!p1 [sflag:s4], $0x1  }
0x243: {  	s3 =	sor.u32 @!p1 $0x1C04, s3;
	s4 =	simm.s32 @!p1 $0x1C03;
	s0 =	sor.u32 @!p1 $0x80004000, s0  }
0x244: {  	[spmem:s7], [sflag:s3] =	dma.general @!p1 [spmem:s5], [sflag:s4], length:$0x20, [dreg:$0x0], stride_count:$0x0, ici_dest:s0, dma_misc:DstOpCode:WRITE  }
0x245: {  	p2 =	slt.s32 s9, $0x2;
	s5 =	simm.s32 @!p1 $0x200;
	s7 =	simm.s32 @!p1 $0x202  }
0x246: {  	[spmem:s7], [sflag:s3] =	dma.general @!p1 [spmem:s5], [sflag:s4], length:$0x2, [dreg:$0x0], stride_count:$0x0, ici_dest:s0, dma_misc:DstOpCode:WRITE  }
.Ltmp35:
0x247: {  	s0 =	simm.s32 @!p1 $0x3;
	(pc) =	sbr.rel @p2 .LBB3_38-.Ltmp35, $4  }
0x248: {  	s3 =	sshll.u32 @!p1 s10, $0xE;
	_ =	swait.ge @!p1 [sflag:s0], $0x22  }
0x249: {  	s4 =	sshll.u32 @!p1 s8, $0x11;
	s3 =	sadd.s32 @!p1 $0x11C3C, s3;
	[sflag:s0] =	ssyncset.done @!p1 $0x0  }
0x24a: {  	[sflag:s0] =	ssyncadd.s32 @!p1 $0xFFFFFFDE;
	s0 =	sor.u32 @!p1 s4, s3  }
0x24b: {  	[sflag:s0] =	ssyncadd.remote.s32 @!p1 $0xFFFFFFFF;
	s0 =	simm.s32 $0x0  }
0x24c: {  	s0 =	simm.s32 $0xF219  }
0x24d: {  	v0 =	vld.msk [tilespmem:s0+$0x0], $0x1;
	_ =	sdelay $0x4  }
0x24e: {  	(v2sf) =	vpush v0, $0x0;
	_ =	sdelay $0xd  }
0x24f: {  	s3 =	sadd.s32 $0xFFFFFFFE, s6  }
0x250: {  	s5 =	sadd.s32 $0xFFFFFFFF, s3;
	s0 =	spop (v2sf)  }
0x251: {  	p2 =	sne.s32 s5, $0x0;
	p1 =	sgt.u32 s0, $0x270F0  }
.Ltmp36:
0x252: {  	s6 =	sand.u32 @!p1 $0x3FFF8, s0;
	(pc) =	sbr.rel @!p2 .LBB3_37-.Ltmp36, $4  }
0x253: {  	s4 =	simm.s32 $0xF2B8;
	s0 =	sand.u32 @!p1 $0x7, s0;
	s3 =	sadd.s32 @!p1 s1, s6  }
0x254: {  	[hbm4b:s3+s0] =	stream.linear.scatter @!p1 [tilespmem:s4], [sflag:$0x5], $0x80, $0x38;
	[tilespmem:$0x1F6F8] =	vst v63  }
0x255: {  	s0 =	simm.s32 $0x0  }
0x256: {  	s7 =	simm.s32 $0xF21A;
	s6 =	simm.s32 $0x0;
	s0 =	simm.s32 @!p1 $0x200  }
.LBB3_36:
0x257: {  	v0 =	vld.msk [tilespmem:s7+$0x0], $0x1;
	s5 =	sadd.s32 $0xFFFFFFFF, s5;
	s6 =	sadd.s32 s6, s0  }
0x258: {  	p1 =	sne.s32 s5, $0x0;
	_ =	sdelay $0x3  }
0x259: {  	(v2sf) =	vpush v0, $0x0;
	_ =	sdelay $0xe  }
.Ltmp37:
0x25a: {  	s3 =	spop (v2sf);
	(pc) =	sbr.rel @p1 .LBB3_36-.Ltmp37, $4  }
0x25b: {  	s0 =	simm.s32 $0x0;
	p2 =	sgt.u32 s3, $0x270F0  }
0x25c: {  	s4 =	sadd.s32 $0x80, s4;
	s0 =	simm.s32 @!p2 $0x200;
	s8 =	sand.u32 @!p2 $0x3FFF8, s3  }
0x25d: {  	s7 =	sadd.s32 $0x1, s7;
	s3 =	sand.u32 @!p2 $0x7, s3;
	s8 =	sadd.s32 @!p2 s1, s8  }
0x25e: {  	[hbm4b:s8+s3] =	stream.linear.scatter @!p2 [tilespmem:s4], [sflag:$0x5], $0x80, $0x38;
	[tilespmem:$0x1F6F8] =	vst v63  }
.LBB3_37:
0x25f: {  	s0 =	sadd.s32 s6, s0  }
0x260: {  	s0 =	sshrl.u32 s0, $0x2  }
.LBB3_38:
0x261: {  	s3 =	simm.s32 $0x5  }
0x262: {  	_ =	swait.ge [sflag:s3], s0  }
0x263: {  	s31 =	ssub.s32 $0x0, s0;
	[sflag:s3] =	ssyncset.done $0x0  }
0x264: {  	[sflag:s3] =	ssyncadd.s32 s31  }
0x265: {  	[sflag:s3] =	ssyncpa.u1 $0x1  }
.LBB3_39:
0x266: {  	s0 =	sor.u32 s2, s16  }
0x267: {  	p1 =	sne.s32 s0, $0x0  }
.Ltmp38:
0x268: {  	_ = 	snop;
	(pc) =	sbr.rel @p1 .LBB3_54-.Ltmp38, $3  }
0x269: {  	_ =	sdelay $0x1  }
0x26a: {  	[bflag:$0x0] =	sbarrier.arrive $0xFFFF  }
0x26b: {  	_ =	sfence  }
0x26c: {  	s0 =	simm.s32 $0x7  }
0x26d: {  	s2 =	simm.s32 $0x1000;
	s3 =	simm.s32 $0xF218;
	[sflag:s0] =	ssyncpa.u1 $0x0  }
0x26e: {  	[tilespmem:s3], [sflag:$0x7] =	stream.linear.gather [spmem:s2], $0x20, $0x38;
	[tilespmem:$0x1F6F8] =	vst v63  }
0x26f: {  	s30 =	simm.s32 $0xF238;
	s2 =	simm.s32 $0x0  }
0x270: {  	[tilespmem:s30], [sflag:$0x7] =	stream.linear.gather [spmem:s2], $0x1000, $0x38;
	[tilespmem:$0x1F6F8] =	vst v63  }
.Ltmp39:
0x271: {  	_ = 	snop;
	(pc) =	sbr.rel .LBB3_41-.Ltmp39, $4  }
0x272: {  	_ =	swait.ge [sflag:s0], $0x1020  }
0x273: {  	[sflag:s0] =	ssyncset.done $0x0  }
0x274: {  	s31 =	simm.s32 $0x8;
	[sflag:s0] =	ssyncadd.s32 $0xFFFFEFE0  }
0x275: {  	s3 =	simm.s32 $0x0;
	[sflag:s31] =	ssyncpa.u1 $0x0  }
.LBB3_47:
0x276: {  	p1 =	slt.u32 s4, $0x270F1  }
0x277: {  	s0 =	sand.u32 @p1 $0x3FFF8, s4  }
0x278: {  	s4 =	sand.u32 @p1 $0x7, s4;
	s5 =	simm.s32 @p1 $0xF188;
	s0 =	sadd.s32 @p1 s1, s0  }
0x279: {  	[tilespmem:s5], [sflag:$0x8] =	stream.linear.gather @p1 [hbm4b:s0+s4], $0x80, $0x38;
	[tilespmem:$0x1F6F8] =	vst v63  }
0x27a: {  	s0 =	simm.s32 @p1 $0x8  }
0x27b: {  	_ =	swait.ge @p1 [sflag:s0], $0x80  }
0x27c: {  	[sflag:s0] =	ssyncset.done @p1 $0x0  }
0x27d: {  	[sflag:s0] =	ssyncadd.s32 @p1 $0xFFFFFF80  }
0x27e: {  	v1 =	vld @p1 [tilespmem:$0xF188];
	_ =	sdelay $0x2  }
0x27f: {  	s0 =	sshll.u32 @p1 s3, $0x9  }
0x280: {  	s4 =	sshrl.u32 @p1 s0, $0x2  }
0x281: {  	[tilespmem:s4+$0xF238] =	vst.add.f32.msk @p1 $0xffff, v1  }
0x282: {  	v1 =	vld @p1 [tilespmem:$0xF198];
	_ =	sdelay $0x4  }
0x283: {  	[tilespmem:s4+$0xF248] =	vst.add.f32.msk @p1 $0xffff, v1  }
0x284: {  	v1 =	vld @p1 [tilespmem:$0xF1A8];
	_ =	sdelay $0x4  }
0x285: {  	[tilespmem:s4+$0xF258] =	vst.add.f32.msk @p1 $0xffff, v1  }
0x286: {  	v1 =	vld @p1 [tilespmem:$0xF1B8];
	_ =	sdelay $0x4  }
0x287: {  	[tilespmem:s4+$0xF268] =	vst.add.f32.msk @p1 $0xffff, v1  }
0x288: {  	v1 =	vld @p1 [tilespmem:$0xF1C8];
	_ =	sdelay $0x4  }
0x289: {  	[tilespmem:s4+$0xF278] =	vst.add.f32.msk @p1 $0xffff, v1  }
0x28a: {  	v1 =	vld @p1 [tilespmem:$0xF1D8];
	_ =	sdelay $0x4  }
0x28b: {  	[tilespmem:s4+$0xF288] =	vst.add.f32.msk @p1 $0xffff, v1  }
0x28c: {  	v1 =	vld @p1 [tilespmem:$0xF1E8];
	_ =	sdelay $0x4  }
0x28d: {  	[tilespmem:s4+$0xF298] =	vst.add.f32.msk @p1 $0xffff, v1  }
0x28e: {  	v1 =	vld @p1 [tilespmem:$0xF1F8];
	_ =	sdelay $0x3  }
0x28f: {  	s5 =	sshll.u32 @!p1 s3, $0x9  }
0x290: {  	s5 =	smov.u32 @p1 s0;
	[tilespmem:s4+$0xF2A8] =	vst.add.f32.msk @p1 $0xffff, v1  }
0x291: {  	s0 =	sshrl.u32 s5, $0x2;
	[tilespmem:s2+$0xF218] =	vst.msk $0x1, v0  }
0x292: {  	v0 =	vld [tilespmem:s0+$0xF238];
	_ =	sdelay $0x2  }
0x293: {  	s31 =	sshll.u32 s2, $0x9  }
0x294: {  	s4 =	sshra.s32 s31, $0x2  }
0x295: {  	[tilespmem:s4+$0xF238] =	vst v0  }
0x296: {  	v0 =	vld [tilespmem:s0+$0xF248];
	_ =	sdelay $0x4  }
0x297: {  	[tilespmem:s4+$0xF248] =	vst v0  }
0x298: {  	v0 =	vld [tilespmem:s0+$0xF258];
	_ =	sdelay $0x4  }
0x299: {  	[tilespmem:s4+$0xF258] =	vst v0  }
0x29a: {  	v0 =	vld [tilespmem:s0+$0xF268];
	_ =	sdelay $0x4  }
0x29b: {  	[tilespmem:s4+$0xF268] =	vst v0  }
0x29c: {  	v0 =	vld [tilespmem:s0+$0xF278];
	_ =	sdelay $0x4  }
0x29d: {  	[tilespmem:s4+$0xF278] =	vst v0  }
0x29e: {  	v0 =	vld [tilespmem:s0+$0xF288];
	_ =	sdelay $0x4  }
0x29f: {  	[tilespmem:s4+$0xF288] =	vst v0  }
0x2a0: {  	v0 =	vld [tilespmem:s0+$0xF298];
	_ =	sdelay $0x4  }
0x2a1: {  	[tilespmem:s4+$0xF298] =	vst v0  }
0x2a2: {  	v0 =	vld [tilespmem:s0+$0xF2A8];
	_ =	sdelay $0x4  }
0x2a3: {  	s2 =	sadd.s32 $0x1, s2;
	[tilespmem:s4+$0xF2A8] =	vst v0  }
.LBB3_48:
0x2a4: {  	s3 =	sadd.s32 $0x1, s3  }
0x2a5: {  	p1 =	sne.s32 s3, $0x20  }
.Ltmp40:
0x2a6: {  	_ = 	snop;
	(pc) =	sbr.rel @!p1 .LBB3_49-.Ltmp40, $1  }
0x2a7: {  	_ =	sdelay $0x3  }
.LBB3_41:
0x2a8: {  	v0 =	vld.msk [tilespmem:s3+$0xF218], $0x1;
	_ =	sdelay $0x4  }
0x2a9: {  	(v2sf) =	vpush v0, $0x0;
	_ =	sdelay $0xe  }
0x2aa: {  	s4 =	spop (v2sf)  }
0x2ab: {  	p1 =	seq.s32 s4, $0xFFFFFFFF  }
.Ltmp41:
0x2ac: {  	_ = 	snop;
	(pc) =	sbr.rel @p1 .LBB3_48-.Ltmp41, $1  }
0x2ad: {  	_ =	sdelay $0x3  }
0x2ae: {  	p1 =	slt.s32 s2, $0x1  }
.Ltmp42:
0x2af: {  	_ = 	snop;
	(pc) =	sbr.rel @p1 .LBB3_47-.Ltmp42, $1  }
0x2b0: {  	_ =	sdelay $0x3  }
0x2b1: {  	s5 =	simm.s32 $0xF218;
	p1 =	por $0x0, $0x0  }
0x2b2: {  	v1 =	vld.msk @!p1 [tilespmem:s5+$0x0], $0x1;
	_ =	sdelay $0x4  }
0x2b3: {  	(v2sf) =	vpush @!p1 v1, $0x0;
	_ =	sdelay $0xd  }
0x2b4: {  	p3 =	sne.s32 s2, $0x1  }
.Ltmp43:
0x2b5: {  	s0 =	spop @!p1 (v2sf);
	(pc) =	sbr.rel @!p3 .LBB3_45-.Ltmp43, $4  }
0x2b6: {  	p2 =	seq.s32 @!p1 s4, s0  }
0x2b7: {  	s6 =	simm.s32 $0x0;
	p2 =	por !p2, p1  }
0x2b8: {  	s0 =	simm.s32 $0xFFFFFFFF;
	s6 =	simm.s32 @p2 $0xFFFFFFFF  }
0x2b9: {  	s7 =	simm.s32 $0x1;
	s6 =	smov.u32 @p1 s0  }
.LBB3_44:
0x2ba: {  	s0 =	smov.u32 s6;
	p1 =	sne.s32 s6, $0xFFFFFFFF  }
0x2bb: {  	s5 =	sadd.s32 $0x1, s5;
	s6 =	smov.u32 s7;
	s7 =	sadd.s32 $0x1, s7  }
0x2bc: {  	p2 =	sne.s32 s2, s7;
	v1 =	vld.msk @!p1 [tilespmem:s5+$0x0], $0x1;
	_ =	sdelay $0x4  }
0x2bd: {  	(v2sf) =	vpush @!p1 v1, $0x0;
	_ =	sdelay $0xe  }
.Ltmp44:
0x2be: {  	s8 =	spop @!p1 (v2sf);
	(pc) =	sbr.rel @p2 .LBB3_44-.Ltmp44, $4  }
0x2bf: {  	p3 =	seq.s32 @!p1 s4, s8  }
0x2c0: {  	p3 =	por !p3, p1  }
0x2c1: {  	s6 =	simm.s32 @p3 $0xFFFFFFFF  }
0x2c2: {  	s6 =	smov.u32 @p1 s0  }
.LBB3_45:
0x2c3: {  	p1 =	seq.s32 s6, $0xFFFFFFFF  }
.Ltmp45:
0x2c4: {  	_ = 	snop;
	(pc) =	sbr.rel @p1 .LBB3_47-.Ltmp45, $1  }
0x2c5: {  	_ =	sdelay $0x3  }
0x2c6: {  	s0 =	sshll.u32 s3, $0x7  }
0x2c7: {  	s0 =	sand.u32 $0x3FFFFF80, s0  }
0x2c8: {  	v0 =	vld [tilespmem:s0+$0xF238];
	_ =	sdelay $0x2  }
0x2c9: {  	s4 =	sshll.u32 s6, $0x9  }
0x2ca: {  	s4 =	sshra.s32 s4, $0x2  }
0x2cb: {  	[tilespmem:s4+$0xF238] =	vst.add.f32.msk $0xffff, v0  }
0x2cc: {  	v0 =	vld [tilespmem:s0+$0xF248];
	_ =	sdelay $0x4  }
0x2cd: {  	[tilespmem:s4+$0xF248] =	vst.add.f32.msk $0xffff, v0  }
0x2ce: {  	v0 =	vld [tilespmem:s0+$0xF258];
	_ =	sdelay $0x4  }
0x2cf: {  	[tilespmem:s4+$0xF258] =	vst.add.f32.msk $0xffff, v0  }
0x2d0: {  	v0 =	vld [tilespmem:s0+$0xF268];
	_ =	sdelay $0x4  }
0x2d1: {  	[tilespmem:s4+$0xF268] =	vst.add.f32.msk $0xffff, v0  }
0x2d2: {  	v0 =	vld [tilespmem:s0+$0xF278];
	_ =	sdelay $0x4  }
0x2d3: {  	[tilespmem:s4+$0xF278] =	vst.add.f32.msk $0xffff, v0  }
0x2d4: {  	v0 =	vld [tilespmem:s0+$0xF288];
	_ =	sdelay $0x4  }
0x2d5: {  	[tilespmem:s4+$0xF288] =	vst.add.f32.msk $0xffff, v0  }
0x2d6: {  	v0 =	vld [tilespmem:s0+$0xF298];
	_ =	sdelay $0x4  }
0x2d7: {  	[tilespmem:s4+$0xF298] =	vst.add.f32.msk $0xffff, v0  }
0x2d8: {  	v0 =	vld [tilespmem:s0+$0xF2A8]  }
.Ltmp46:
0x2d9: {  	_ = 	snop;
	(pc) =	sbr.rel .LBB3_48-.Ltmp46, $2  }
0x2da: {  	_ =	sdelay $0x2  }
0x2db: {  	[tilespmem:s4+$0xF2A8] =	vst.add.f32.msk $0xffff, v0  }
.LBB3_49:
0x2dc: {  	p1 =	slt.s32 s2, $0x1  }
.Ltmp47:
0x2dd: {  	_ = 	snop;
	(pc) =	sbr.rel @p1 .LBB3_53-.Ltmp47, $3  }
0x2de: {  	_ =	sdelay $0x1  }
0x2df: {  	s0 =	simm.s32 $0x8  }
0x2e0: {  	s3 =	simm.s32 $0x0;
	[sflag:s0] =	ssyncpa.u1 $0x1  }
0x2e1: {  	s0 =	simm.s32 $0xF218  }
0x2e2: {  	v0 =	vld.msk [tilespmem:s0+$0x0], $0x1;
	_ =	sdelay $0x4  }
0x2e3: {  	(v2sf) =	vpush v0, $0x0;
	_ =	sdelay $0xe  }
0x2e4: {  	s2 =	sadd.s32 $0xFFFFFFFF, s2;
	s0 =	spop (v2sf)  }
0x2e5: {  	p2 =	sne.s32 s2, $0x0;
	p1 =	sgt.u32 s0, $0x270F0  }
.Ltmp48:
0x2e6: {  	s5 =	sand.u32 @!p1 $0x3FFF8, s0;
	(pc) =	sbr.rel @!p2 .LBB3_52-.Ltmp48, $4  }
0x2e7: {  	s4 =	simm.s32 $0xF238;
	s0 =	sand.u32 @!p1 $0x7, s0;
	s5 =	sadd.s32 @!p1 s1, s5  }
0x2e8: {  	[hbm4b:s5+s0] =	stream.linear.scatter @!p1 [tilespmem:s4], [sflag:$0x7], $0x80, $0x38;
	[tilespmem:$0x1F6F8] =	vst v63  }
0x2e9: {  	s0 =	simm.s32 $0x0  }
0x2ea: {  	s5 =	simm.s32 $0xF219;
	s0 =	simm.s32 @!p1 $0x200  }
.LBB3_51:
0x2eb: {  	v0 =	vld.msk [tilespmem:s5+$0x0], $0x1;
	s2 =	sadd.s32 $0xFFFFFFFF, s2;
	s3 =	sadd.s32 s3, s0  }
0x2ec: {  	p1 =	sne.s32 s2, $0x0;
	_ =	sdelay $0x3  }
0x2ed: {  	(v2sf) =	vpush v0, $0x0;
	_ =	sdelay $0xe  }
.Ltmp49:
0x2ee: {  	s6 =	spop (v2sf);
	(pc) =	sbr.rel @p1 .LBB3_51-.Ltmp49, $4  }
0x2ef: {  	s0 =	simm.s32 $0x0;
	p2 =	sgt.u32 s6, $0x270F0  }
0x2f0: {  	s4 =	sadd.s32 $0x80, s4;
	s0 =	simm.s32 @!p2 $0x200;
	s7 =	sand.u32 @!p2 $0x3FFF8, s6  }
0x2f1: {  	s5 =	sadd.s32 $0x1, s5;
	s6 =	sand.u32 @!p2 $0x7, s6;
	s7 =	sadd.s32 @!p2 s1, s7  }
0x2f2: {  	[hbm4b:s7+s6] =	stream.linear.scatter @!p2 [tilespmem:s4], [sflag:$0x7], $0x80, $0x38;
	[tilespmem:$0x1F6F8] =	vst v63  }
.LBB3_52:
0x2f3: {  	s0 =	sadd.s32 s3, s0  }
0x2f4: {  	s3 =	sshrl.u32 s0, $0x2  }
.LBB3_53:
0x2f5: {  	s0 =	simm.s32 $0x7  }
0x2f6: {  	_ =	swait.ge [sflag:s0], s3  }
0x2f7: {  	s1 =	ssub.s32 $0x0, s3;
	[sflag:s0] =	ssyncset.done $0x0  }
0x2f8: {  	[sflag:s0] =	ssyncadd.s32 s1  }
0x2f9: {  	[sflag:s0] =	ssyncpa.u1 $0x1  }
.LBB3_54:
0x2fa: {  	_ =	sfence;
	s0 =	simm.s32 $0x1  }
0x2fb: {  	[sflag:s0] =	ssyncpa.u1 $0x1  }
0x2fc: {  	_ =	strace $0x9000004D  }
0x2fd: {  	[bflag:$0x2] =	sbarrier.arrive $0xFFFF  }
0x2fe: {  	s0 =	rddreg [dreg:$0x3]  }
0x2ff: {  	s0 =	sadd.s32 @!p0 $0x100000, s0  }
0x300: {  	[sflag:s0] =	ssyncadd.tile.s32 @!p0 $0x1;
	_ =	shalt  }
.Lfunc_end3:
_tile_overlayer_lowered:
.L_overlay_start_3:
0x301: {  	(tag) =	ssettag $0x3  }
0x302: {  	s0 =	rddreg [dreg:$0x0];
	s2 =	stileid.u32  }
0x303: {  	s1 =	rddreg [dreg:$0x1];
	p0 =	sne.s32 s2, $0x0  }
0x304: {  	s3 =	rddreg [dreg:$0x2];
	[bflag:$0x3] =	sbarrier.arrive $0xFFFF;
	s2 =	simm.s32 @!p0 $0x1C01  }
0x305: {  	[timem:s3], [sflag:s2] =	dma.local @!p0 [hbm:s0], s1  }
0x306: {  	s0 =	simm.s32 @!p0 $0x1  }
0x307: {  	_ =	swait.ge @!p0 [sflag:s0], s1  }
0x308: {  	s1 =	ssub.s32 @!p0 $0x0, s1;
	[sflag:s0] =	ssyncset.done @!p0 $0x0  }
0x309: {  	[sflag:s0] =	ssyncadd.s32 @!p0 s1  }
0x30a: {  	[bflag:$0x3] =	sbarrier.arrive $0xFFFF  }
0x30b: {  	_ =	shalt  }

// kernel: scatter_offload_async_start.2
scs
__scs_entry_jumppad:
0x0: {  	(pc) =	sbr.rel $0x88, $3  }
0x1: {  	(tag) =	ssettag $0x0;
	lr =	simm.s32 $0x1  }
0x2: {  	[smem:$0x3F95] =	sst lr;
	_ =	strace $0xD0000000  }
0x3: {  	_ = 	snop  }
0x4: {  	_ = 	snop  }
0x5: {  	_ = 	snop  }
0x6: {  	_ = 	snop  }
0x7: {  	_ = 	snop  }
__scs_overlays_trampoline_lowered:
0x8: {  	[smem:$0x3FA4] =	sst s0  }
0x9: {  	[smem:$0x3FA5] =	sst s1  }
0xa: {  	[smem:$0x3FA6] =	sst s2  }
0xb: {  	[smem:$0x3FA7] =	sst s3  }
0xc: {  	[smem:$0x3FA8] =	sst s4  }
0xd: {  	[smem:$0x3FA9] =	sst s5  }
0xe: {  	[smem:$0x3FAA] =	sst s6  }
0xf: {  	[smem:$0x3FAB] =	sst s7  }
0x10: {  	[smem:$0x3FAC] =	sst s8  }
0x11: {  	[smem:$0x3FAD] =	sst s9;
	s0 =	simm.s32 @!p0 $0x0  }
0x12: {  	s1 =	sld [smem:$0x3F93];
	s0 =	simm.s32 @p0 $0x1  }
0x13: {  	[smem:$0x3FAE] =	sst s0;
	s0 =	simm.s32 @!p1 $0x0  }
0x14: {  	s2 =	sld [smem:$0x3F92];
	s0 =	simm.s32 @p1 $0x1  }
0x15: {  	[smem:$0x3FAF] =	sst s0;
	s0 =	simm.s32 @!p2 $0x0  }
0x16: {  	s3 =	sld [smem:$0x3FDB];
	s0 =	simm.s32 @p2 $0x1  }
0x17: {  	s4 =	simm.s32 $0x1BF5;
	[smem:$0x3FB1] =	sst s0  }
0x18: {  	s0 =	sld [smem:$0x3F94];
	_ =	swait.ge [sflag:s4], $0x0  }
0x19: {  	s7 =	sld [smem:$0x3F95]  }
0x1a: {  	s8 =	sadd.s32 $0xFFFFE003, lr  }
0x1b: {  	s9 =	sadd.s32 $0xFFFFFEF7, lr;
	s5 =	simm.s32 $0xFFFFFFFF;
	p2 =	slt.u32 s8, $0xFFFFF086  }
0x1c: {  	p1 =	slt.u32 s9, $0xF7A;
	s5 =	simm.s32 @!p2 $0x0  }
0x1d: {  	s5 =	simm.s32 @p1 $0x1;
	p0 =	seq.s32 s7, s2  }
0x1e: {  	s7 =	smul.u32 @!p0 $0xF7A, s2;
	p2 =	seq.s32 @!p0 s5, $0x0  }
0x1f: {  	s9 =	smul.u32 $0xF7A, s1;
	s8 =	simm.s32 @!p0 $0x1BF5;
	p2 =	por !p2, p0  }
0x20: {  	[sflag:s8] =	ssyncset.s32 @!p0 $0xFFFFF086;
	s6 =	sadd.s32 @!p0 s3, s7;
	s7 =	simm.s32 @!p0 $0x108  }
0x21: {  	s3 =	sadd.s32 s3, s9;
	s6 =	sadd.s32 @!p0 $0x88, s6;
	s7 =	simm.s32 @p2 $0x1082  }
0x22: {  	[simem:s7], [sflag:s8] =	dma.local @!p0 [hbm:s6], $0xF7A  }
0x23: {  	s9 =	sor.u32 $0xD0000000, s2;
	s6 =	simm.s32 $0x108;
	_ =	swait.ge @!p0 [sflag:s8], $0x0  }
0x24: {  	s3 =	sadd.s32 $0x88, s3;
	s6 =	simm.s32 @!p1 $0x1082;
	[sflag:s4] =	ssyncset.s32 $0xFFFFF086  }
0x25: {  	[simem:s6], [sflag:s4] =	dma.local [hbm:s3], $0xF7A  }
0x26: {  	[smem:$0x3F95] =	sst s1;
	(tag) =	ssettag s2;
	_ =	strace s9  }
0x27: {  	s1 =	sld [smem:$0x3FA5]  }
0x28: {  	s2 =	sld [smem:$0x3FA6]  }
0x29: {  	s4 =	sld [smem:$0x3FA8]  }
0x2a: {  	p0 =	seq.s32 s5, $0x0;
	s5 =	sld [smem:$0x3FA9]  }
0x2b: {  	s6 =	sld [smem:$0x3FAA]  }
0x2c: {  	s7 =	sld [smem:$0x3FAB]  }
0x2d: {  	s3 =	simm.s32 $0x108;
	s8 =	sld [smem:$0x3FAC]  }
0x2e: {  	s3 =	simm.s32 @!p0 $0x1082;
	s9 =	sld [smem:$0x3FAD]  }
0x2f: {  	lr =	sadd.s32 s0, s3;
	s0 =	sld [smem:$0x3FA4]  }
0x30: {  	s3 =	sld [smem:$0x3FA7]  }
0x31: {  	[smem:$0x3FB0] =	sst s10  }
0x32: {  	s10 =	sld [smem:$0x3FAE];
	_ =	sdelay $0x3  }
0x33: {  	p0 =	seq.s32 s10, $0x1;
	s10 =	sld [smem:$0x3FB0];
	_ =	sdelay $0x3  }
0x34: {  	[smem:$0x3FB0] =	sst s10  }
0x35: {  	s10 =	sld [smem:$0x3FAF];
	_ =	sdelay $0x3  }
0x36: {  	p1 =	seq.s32 s10, $0x1;
	s10 =	sld [smem:$0x3FB0];
	_ =	sdelay $0x3  }
0x37: {  	[smem:$0x3FB0] =	sst s10  }
0x38: {  	s10 =	sld [smem:$0x3FB1]  }
0x39: {  	_ = 	snop;
	(pc) =	sbr.ind lr, $3  }
0x3a: {  	_ = 	snop  }
0x3b: {  	_ = 	snop  }
0x3c: {  	p2 =	seq.s32 s10, $0x1;
	s10 =	sld [smem:$0x3FB0]  }
0x3d: {  	_ =	shalt  }
0x3e: {  	_ =	shalt  }
0x3f: {  	_ =	shalt  }
0x40: {  	_ =	shalt  }
0x41: {  	_ =	shalt  }
0x42: {  	_ =	shalt  }
0x43: {  	_ =	shalt  }
0x44: {  	_ =	shalt  }
0x45: {  	_ =	shalt  }
0x46: {  	_ =	shalt  }
0x47: {  	_ =	shalt  }
0x48: {  	_ =	shalt  }
0x49: {  	_ =	shalt  }
0x4a: {  	_ =	shalt  }
0x4b: {  	_ =	shalt  }
0x4c: {  	_ =	shalt  }
0x4d: {  	_ =	shalt  }
0x4e: {  	_ =	shalt  }
0x4f: {  	_ =	shalt  }
0x50: {  	_ =	shalt  }
0x51: {  	_ =	shalt  }
0x52: {  	_ =	shalt  }
0x53: {  	_ =	shalt  }
0x54: {  	_ =	shalt  }
0x55: {  	_ =	shalt  }
0x56: {  	_ =	shalt  }
0x57: {  	_ =	shalt  }
0x58: {  	_ =	shalt  }
0x59: {  	_ =	shalt  }
0x5a: {  	_ =	shalt  }
0x5b: {  	_ =	shalt  }
0x5c: {  	_ =	shalt  }
0x5d: {  	_ =	shalt  }
0x5e: {  	_ =	shalt  }
0x5f: {  	_ =	shalt  }
0x60: {  	_ =	shalt  }
0x61: {  	_ =	shalt  }
0x62: {  	_ =	shalt  }
0x63: {  	_ =	shalt  }
0x64: {  	_ =	shalt  }
0x65: {  	_ =	shalt  }
0x66: {  	_ =	shalt  }
0x67: {  	_ =	shalt  }
0x68: {  	_ =	shalt  }
0x69: {  	_ =	shalt  }
0x6a: {  	_ =	shalt  }
0x6b: {  	_ =	shalt  }
0x6c: {  	_ =	shalt  }
0x6d: {  	_ =	shalt  }
0x6e: {  	_ =	shalt  }
0x6f: {  	_ =	shalt  }
0x70: {  	_ =	shalt  }
0x71: {  	_ =	shalt  }
0x72: {  	_ =	shalt  }
0x73: {  	_ =	shalt  }
0x74: {  	_ =	shalt  }
0x75: {  	_ =	shalt  }
0x76: {  	_ =	shalt  }
0x77: {  	_ =	shalt  }
0x78: {  	_ =	shalt  }
0x79: {  	_ =	shalt  }
0x7a: {  	_ =	shalt  }
0x7b: {  	_ =	shalt  }
0x7c: {  	_ =	shalt  }
0x7d: {  	_ =	shalt  }
0x7e: {  	_ =	shalt  }
0x7f: {  	_ =	shalt  }
0x80: {  	_ =	shalt  }
0x81: {  	_ =	shalt  }
0x82: {  	_ =	shalt  }
0x83: {  	_ =	shalt  }
0x84: {  	_ =	shalt  }
0x85: {  	_ =	shalt  }
0x86: {  	_ =	shalt  }
0x87: {  	_ =	shalt  }
.Lfunc_end0:
.L_simem_size_0:
called_computation.2_lowered:
.L_overlay_start_0:
0x88: {  	s2 =	sld [smem:$0x3FD9]  }
0x89: {  	s3 =	sld [smem:$0x3FFE];
	_ =	sdelay $0x1  }
0x8a: {  	s1 =	srdreg.scid  }
0x8b: {  	s0 =	sand.u32 $0x1, s1  }
0x8c: {  	s15 =	sshll.u32 s0, $0xA;
	s2 =	sadd.s32 s3, s2  }
0x8d: {  	s2 =	sadd.s32 s2, s15  }
0x8e: {  	[smem:$0x3FBC] =	sst s2  }
0x8f: {  	_ = 	snop  }
0x90: {  	(tm) =	ssettm $0x1  }
0x91: {  	s16 =	sld [smem:$0x3FFB];
	_ =	sdelay $0x3  }
0x92: {  	_ =	strace s16  }
0x93: {  	s2 =	sld [smem:$0x3FFC];
	_ =	sdelay $0x3  }
0x94: {  	_ =	strace s2  }
0x95: {  	s2 =	sld [smem:$0x3FFD];
	_ =	sdelay $0x3  }
0x96: {  	_ =	strace s2  }
0x97: {  	_ =	strace $0x8FFFFFFF  }
0x98: {  	s17 =	sld [smem:$0x3FDB];
	_ =	sdelay $0x1  }
0x99: {  	s18 =	simm.s32 $_scs_section_size  }
0x9a: {  	s4 =	simm.s32 $_size__tile_overlayer_lowered;
	s5 =	simm.s32 $_tile_overlayer_lowered  }
0x9b: {  	s21 =	simm.s32 $0x1BFF;
	s20 =	sshll.u32 s5, $0x1;
	s2 =	sadd.s32 s18, s17  }
0x9c: {  	s6 =	simm.s32 $0x0;
	s19 =	sshll.u32 s4, $0x1;
	s4 =	sadd.s32 s20, s2  }
0x9d: {  	[timem:s6], [sflag:s21] =	dma.local [hbm:s4], s19  }
0x9e: {  	_ =	swait.ge [sflag:s21], s19  }
0x9f: {  	s3 =	ssub.s32 $0x0, s19;
	[sflag:s21] =	ssyncset.done $0x0  }
0xa0: {  	[sflag:s21] =	ssyncadd.s32 s3;
	_ =	sdelay $0x1  }
0xa1: {  	s22 =	simm.s32 $0x1B8B  }
0xa2: {  	_ =	swait.ge [sflag:s22], $0x1  }
0xa3: {  	[sflag:s22] =	ssyncset.done $0x0  }
0xa4: {  	s23 =	sld [smem:$0x3FFE];
	[sflag:s22] =	ssyncadd.s32 $0xFFFFFFFF  }
0xa5: {  	s25 =	simm.s32 $0x1B8E;
	s24 =	sld [smem:$0x0]  }
0xa6: {  	s26 =	simm.s32 $execute0_lowered;
	[smem:$0x3FD2] =	sst s25  }
0xa7: {  	s5 =	sshll.u32 s26, $0x1;
	_ =	strace $0x8000004F;
	[dreg:$0x1] =	wrdreg $0xFFFFFFFF  }
0xa8: {  	s28 =	simm.s32 $_size_execute0_lowered;
	s2 =	sadd.s32 s2, s5;
	[dreg:$0x0] =	wrdreg $0x0  }
0xa9: {  	s5 =	sshll.u32 s28, $0x1;
	[dreg:$0x2] =	wrdreg s2  }
0xaa: {  	[dreg:$0x3] =	wrdreg s5  }
0xab: {  	[dreg:$0x4] =	wrdreg $0xC0  }
0xac: {  	_ =	task [dreg:s6], $0x5FFFF  }
0xad: {  	[dreg:$0x1] =	wrdreg $0xFFFFFFFF  }
0xae: {  	[dreg:$0x0] =	wrdreg $0x60  }
0xaf: {  	[dreg:$0x2] =	wrdreg s23  }
0xb0: {  	[dreg:$0x3] =	wrdreg s1  }
0xb1: {  	[dreg:$0x4] =	wrdreg s24  }
0xb2: {  	[dreg:$0x5] =	wrdreg $0x9  }
0xb3: {  	_ =	task.clear_ibuf [dreg:s6], $0x6FFFF;
	_ =	strace $0x9000004F  }
0xb4: {  	s29 =	simm.s32 $0x9;
	_ =	strace $0x80000051  }
0xb5: {  	_ =	swait.ge [sflag:s29], $0x1  }
0xb6: {  	[sflag:s29] =	ssyncadd.s32 $0xFFFFFFFF  }
0xb7: {  	_ =	strace $0x90000051  }
0xb8: {  	_ =	sfence  }
0xb9: {  	s30 =	sld [smem:$0x0];
	_ =	sdelay $0x2  }
0xba: {  	s31 =	sshll.u32 s1, $0xD;
	s1 =	sshrl.u32 s1, $0x2  }
0xbb: {  	s3 =	sand.u32 $0x4000, s31;
	s1 =	sadd.s32 s1, s30  }
0xbc: {  	s0 =	sor.u32 s3, s0;
	s1 =	sshll.u32 s1, $0x11  }
0xbd: {  	s0 =	sor.u32 s1, s0  }
0xbe: {  	s0 =	sadd.s32 $0x8F2B, s0  }
0xbf: {  	[sflag:s0] =	ssyncadd.remote.s32 $0x1  }
0xc0: {  	_ =	sfence.sel $0xFFFF  }
0xc1: {  	[dreg:$0x0] =	wrdreg $0xFFFFFFFF;
	(pc) =	sbr.abs _section_cstart, $3  }
0xc2: {  	[dreg:$0x1] =	wrdreg $0xFFFFFFFF  }
0xc3: {  	_ =	task.clear_ibuf [dreg:s6], $0x2FFFF;
	_ =	strace $0x9FFFFFFF  }
0xc4: {  	(tm) =	ssettm $0x7FFFFFFF  }
0xc5: {  	_ =	shalt  }
tec
execute0_lowered:
.L_overlay_start_1:
0x0: {  	(tag) =	ssettag $0x1  }
0x1: {  	s0 =	rddreg [dreg:$0x0]  }
0x2: {  	s2 =	rddreg [dreg:$0x1];
	_ =	strace $0x80000050;
	s1 =	simm.s32 $0x1  }
0x3: {  	s3 =	simm.s32 $0x108;
	v0 =	vimm.s32 $0x0;
	[sflag:s1] =	ssyncpa.u1 $0x0  }
0x4: {  	[tilespmem:s3+$0x70] =	vst v0  }
0x5: {  	[tilespmem:s3+$0x60] =	vst v0  }
0x6: {  	[tilespmem:s3+$0x50] =	vst v0  }
0x7: {  	[tilespmem:s3+$0x40] =	vst v0  }
0x8: {  	[tilespmem:s3+$0x30] =	vst v0  }
0x9: {  	s1 =	sadd.s32 $0x57AC00, s0;
	s13 =	sadd.s32 $0x5C800, s0;
	s6 =	sadd.s32 $0x70C00, s0;
	[tilespmem:s3+$0x20] =	vst v0  }
0xa: {  	s12 =	sadd.s32 $0x66A00, s0;
	s2 =	sand.u32 $0x1, s2;
	s0 =	simm.s32 $0x40;
	[tilespmem:s3+$0x10] =	vst v0  }
.LBB2_1:
0xb: {  	s0 =	sadd.s32 $0x40, s0;
	[tilespmem:s3+$0x0] =	vst v0;
	s3 =	sadd.s32 $0x80, s3  }
0xc: {  	p0 =	slt.u32 s0, $0x3C40;
	[tilespmem:s3+$0x70] =	vst v0  }
0xd: {  	[tilespmem:s3+$0x60] =	vst v0  }
.Ltmp0:
0xe: {  	[tilespmem:s3+$0x50] =	vst v0;
	(pc) =	sbr.rel @p0 .LBB2_1-.Ltmp0, $4  }
0xf: {  	[tilespmem:s3+$0x40] =	vst v0  }
0x10: {  	[tilespmem:s3+$0x30] =	vst v0  }
0x11: {  	[tilespmem:s3+$0x20] =	vst v0  }
0x12: {  	[tilespmem:s3+$0x10] =	vst v0  }
0x13: {  	s7 =	simm.s32 $0x2;
	s30 =	stileid.u32  }
0x14: {  	s8 =	simm.s32 $0x9;
	s0 =	simm.s32 $0xA;
	s10 =	simm.s32 $0xB  }
0x15: {  	s31 =	smul.u32 $0x50A0, s2;
	s20 =	simm.s32 $0x0;
	p0 =	por $0x0, $0x0  }
.Ltmp1:
0x16: {  	s15 =	simm.s32 $0x1;
	s16 =	simm.s32 $0xC;
	(pc) =	sbr.rel .LBB2_3-.Ltmp1, $4  }
0x17: {  	[tilespmem:s3+$0x0] =	vst v0;
	v0 =	vimm.s32 $0xFFFFFFFF;
	s18 =	simm.s32 $0x0;
	s17 =	simm.s32 $0x0;
	[sflag:s7] =	ssyncpa.u1 $0x0  }
0x18: {  	s9 =	smul.u32 $0x2850, s30;
	s14 =	sshll.u32 s30, $0x8;
	[tilespmem:$0xF208] =	vst v0;
	[sflag:s8] =	ssyncpa.u1 $0x0  }
0x19: {  	s12 =	sadd.s32 s31, s12;
	s13 =	sadd.s32 s31, s13;
	[sflag:s0] =	ssyncpa.u1 $0x0  }
0x1a: {  	v0 =	vlaneseq.u32;
	s11 =	sadd.s32 $0x2850, s9;
	s19 =	smov.u32 s9;
	[sflag:s10] =	ssyncpa.u1 $0x0  }
.LBB2_18:
0x1b: {  	s0 =	sshrl.u32 s29, $0x2  }
.LBB2_20:
0x1c: {  	_ =	swait.ge [sflag:s16], s0  }
0x1d: {  	s31 =	ssub.s32 $0x0, s0;
	v1 =	vmov s23;
	vm0 =	veq.s32 v0, $0x0;
	[sflag:s16] =	ssyncset.done $0x0  }
0x1e: {  	vm15 =	veq.s32 v0, $0x2;
	v1 =	vsel vm0, s28, v1;
	[sflag:s16] =	ssyncadd.s32 s31  }
0x1f: {  	v1 =	vsel vm15, s20, v1;
	[sflag:s16] =	ssyncpa.u1 $0x1  }
0x20: {  	[tilespmem:$0xF208] =	vst v1  }
.LBB2_21:
0x21: {  	s0 =	sadd.s32 $0xF0, s19  }
0x22: {  	s3 =	smov.u32 s9;
	s17 =	sadd.s32 $0x1, s17;
	p1 =	slt.s32 s0, s11  }
0x23: {  	s3 =	smov.u32 @p1 s0;
	p1 =	sne.s32 s17, $0x2D  }
.Ltmp2:
0x24: {  	_ = 	snop;
	(pc) =	sbr.rel @!p1 .LBB2_22-.Ltmp2, $3  }
0x25: {  	_ =	sdelay $0x1  }
0x26: {  	s20 =	smov.u32 s18  }
0x27: {  	s18 =	smov.u32 s19;
	p0 =	por !p0, !p0;
	s19 =	smov.u32 s3  }
.LBB2_3:
0x28: {  	p1 =	sgt.u32 s17, $0x2A  }
0x29: {  	s0 =	smul.u32 @!p1 $0xAB, s17;
	_ =	sdelay $0x1  }
0x2a: {  	s0 =	sshrl.u32 @!p1 s0, $0x9  }
0x2b: {  	s4 =	smov.u32 s19;
	p2 =	sgt.s32 @!p1 s19, $0x28410;
	s0 =	sand.u32 @!p1 $0x7F, s0  }
0x2c: {  	s5 =	sshra.s32 @!p1 s19, $0x1F;
	p2 =	por !p2, p1;
	s0 =	smul.u32 @!p1 $0x3, s0  }
0x2d: {  	s5 =	sand.u32 @!p1 s5, s19;
	s4 =	simm.s32 @p2 $0x28410  }
0x2e: {  	s4 =	ssub.s32 @!p1 s4, s5;
	s0 =	ssub.s32 @!p1 s17, s0  }
0x2f: {  	s4 =	sadd.s32 @!p1 $0xFFFD7BF0, s4;
	s0 =	sand.u32 @!p1 $0xFF, s0  }
0x30: {  	s5 =	sshll.u32 @!p1 s4, $0x2;
	p2 =	sgt.s32 @!p1 s4, $0xEF;
	s0 =	smul.u32 @!p1 $0x3C0, s0  }
0x31: {  	s21 =	sand.u32 @!p1 $0x7, s19;
	s4 =	ssub.s32 @!p1 $0x3C0, s5;
	p2 =	por !p2, p1  }
0x32: {  	s5 =	sshrl.u32 @!p1 s19, $0x3;
	s4 =	sshrl.u32 @!p1 s4, $0x2;
	s0 =	sshrl.u32 @!p1 s0, $0x2  }
0x33: {  	s5 =	sadd.s32 @!p1 s5, s12;
	s4 =	simm.s32 @!p2 $0x0;
	s0 =	sadd.s32 @!p1 $0x10248, s0  }
0x34: {  	[tilespmem:s0], [sflag:$0xA] =	stream.linear.gather @!p1 [hbm4b:s5+s21], s4, $0x38;
	[tilespmem:$0x1F6F8] =	vst v63  }
0x35: {  	s0 =	sadd.s32 $0xFFFFFFFF, s17  }
0x36: {  	p1 =	sgt.u32 s0, $0x2A  }
0x37: {  	p2 =	sgt.s32 @!p1 s18, $0x28410  }
0x38: {  	s4 =	smov.u32 s18;
	s5 =	sshra.s32 @!p1 s18, $0x1F;
	p2 =	por !p2, p1  }
0x39: {  	s21 =	smul.u32 @!p1 $0xAB, s0;
	s5 =	sand.u32 @!p1 s5, s18;
	s4 =	simm.s32 @p2 $0x28410  }
0x3a: {  	s4 =	ssub.s32 @!p1 s4, s5  }
0x3b: {  	s5 =	sshrl.u32 @!p1 s21, $0x9;
	s4 =	sadd.s32 @!p1 $0xFFFD7BF0, s4  }
0x3c: {  	s22 =	sand.u32 @!p1 $0x1, s0;
	s5 =	sand.u32 @!p1 $0x7F, s5;
	s21 =	sshll.u32 @!p1 s4, $0x2  }
0x3d: {  	p2 =	sgt.s32 @!p1 s4, $0xEF;
	s5 =	smul.u32 @!p1 $0x3, s5;
	s4 =	ssub.s32 @!p1 $0x3C0, s21  }
0x3e: {  	s23 =	smul.u32 @!p1 $0x3C0, s22;
	p2 =	por !p2, p1;
	s4 =	sshrl.u32 @!p1 s4, $0x2  }
0x3f: {  	s21 =	simm.s32 @!p1 $0xA;
	s0 =	ssub.s32 @!p1 s0, s5;
	s4 =	simm.s32 @!p2 $0x0  }
0x40: {  	s22 =	smul.u32 @!p1 $0x1E000, s22;
	s0 =	sand.u32 @!p1 $0xFF, s0;
	_ =	swait.ge @!p1 [sflag:s21], s4  }
0x41: {  	s5 =	ssub.s32 @!p1 $0x0, s4;
	s0 =	smul.u32 @!p1 $0x3C0, s0;
	[sflag:s21] =	ssyncset.done @!p1 $0x0  }
0x42: {  	[sflag:s21] =	ssyncadd.s32 @!p1 s5;
	s5 =	sshrl.u32 @!p1 s18, $0x3;
	s21 =	sshrl.u32 @!p1 s23, $0x2  }
0x43: {  	s23 =	sand.u32 @!p1 $0x7, s18;
	s5 =	sadd.s32 @!p1 s5, s13;
	s21 =	sadd.s32 @!p1 $0x10518, s21  }
0x44: {  	[tilespmem:s21], [sflag:$0xB] =	stream.linear.gather @!p1 [hbm4b:s5+s23], s4, $0x38;
	[tilespmem:$0x1F6F8] =	vst v63  }
0x45: {  	s0 =	sshrl.u32 @!p1 s0, $0x2;
	s4 =	sshrl.u32 @!p1 s22, $0x2  }
0x46: {  	s0 =	sadd.s32 @!p1 $0x10248, s0;
	s5 =	simm.s32 @!p1 $0xF0;
	s4 =	sor.u32 @!p1 $0x106F8, s4  }
0x47: {  	[tilespmem:s4], [sflag:$0x9] =	stream.indirect.gather @!p1 [hbm4b:s6+s5], $0x80, s0, s5, $0xb8;
	[tilespmem:$0x1F6F8] =	vst v63  }
0x48: {  	p1 =	slt.u32 s17, $0x2  }
.Ltmp3:
0x49: {  	_ = 	snop;
	(pc) =	sbr.rel @p1 .LBB2_21-.Ltmp3, $1  }
0x4a: {  	_ =	sdelay $0x3  }
0x4b: {  	p1 =	sgt.s32 s20, $0x28410;
	s0 =	smov.u32 s20;
	s4 =	sshra.s32 s20, $0x1F  }
0x4c: {  	s0 =	simm.s32 @!p1 $0x28410;
	s4 =	sand.u32 s4, s20  }
0x4d: {  	s0 =	ssub.s32 s0, s4  }
0x4e: {  	s0 =	sadd.s32 $0xFFFD7BF0, s0  }
0x4f: {  	s30 =	sshll.u32 s0, $0x2  }
0x50: {  	_ =	swait.ge [sflag:s8], $0x7800;
	s4 =	ssub.s32 $0x3C0, s30  }
0x51: {  	[sflag:s8] =	ssyncset.done $0x0;
	p1 =	sgt.s32 s0, $0xEF;
	s0 =	sshrl.u32 s4, $0x2  }
0x52: {  	[sflag:s8] =	ssyncadd.s32 $0xFFFF8800;
	s0 =	simm.s32 @p1 $0x0  }
0x53: {  	_ =	swait.ge [sflag:s10], s0  }
0x54: {  	s0 =	ssub.s32 $0x0, s0;
	[sflag:s10] =	ssyncset.done $0x0  }
0x55: {  	[sflag:s10] =	ssyncadd.s32 s0  }
0x56: {  	v1 =	vld [tilespmem:$0xF208];
	_ =	sdelay $0x4  }
0x57: {  	(v2sf) =	vpush v1, $0x0  }
0x58: {  	(v2sf) =	vpush v1, $0x1  }
0x59: {  	(v2sf) =	vpush v1, $0x2;
	_ =	sdelay $0x3  }
0x5a: {  	s0 =	sadd.s32 $0xF0, s20  }
0x5b: {  	s4 =	ssub.s32 $0x50A00, s20;
	p1 =	slt.s32 s11, s0  }
0x5c: {  	s0 =	smov.u32 @p1 s11;
	p1 =	sgt.s32 s4, $0x0  }
0x5d: {  	s21 =	ssub.s32 s0, s20;
	s4 =	simm.s32 @!p1 $0x0  }
0x5e: {  	p1 =	slt.s32 s4, s21  }
0x5f: {  	s21 =	smov.u32 @p1 s4  }
0x60: {  	s24 =	simm.s32 $0x1;
	p1 =	slt.s32 s21, $0x1  }
.Ltmp4:
0x61: {  	s24 =	simm.s32 @!p0 $0x0;
	(pc) =	sbr.rel @p1 .LBB2_8-.Ltmp4, $4  }
0x62: {  	s31 =	smul.u32 $0x3C0, s24  }
0x63: {  	s25 =	spop (v2sf)  }
0x64: {  	s0 =	sshrl.u32 s31, $0x2;
	s28 =	spop (v2sf)  }
0x65: {  	s22 =	sadd.s32 $0x10518, s0;
	s20 =	spop (v2sf)  }
0x66: {  	s0 =	smin.u32 s21, $0x10  }
0x67: {  	v1 =	vmov s0  }
0x68: {  	p2 =	sgt.s32 s21, $0x10;
	vm1 =	vgt.u32 v1, v0  }
.Ltmp5:
0x69: {  	_ = 	snop;
	(pc) =	sbr.rel @!p2 .LBB2_7-.Ltmp5, $2  }
0x6a: {  	_ =	sdelay $0x2  }
0x6b: {  	s26 =	simm.s32 $0x10;
	s29 =	sadd.s32 $0xFFFFFFF0, s21;
	s23 =	smov.u32 s22;
	vm0 =	vmmov vm1  }
.LBB2_6:
0x6c: {  	s0 =	smin.u32 s29, $0x10;
	s26 =	sadd.s32 $0x10, s26;
	v1 =	vld.msk [tilespmem:s23+$0x0 ss:$0x1], vm1  }
0x6d: {  	v2 =	vmov s0;
	p2 =	slt.s32 s26, s21  }
0x6e: {  	vm1 =	vgt.u32 v2, v0  }
.Ltmp6:
0x6f: {  	(pc) =	sbr.rel @p2 .LBB2_6-.Ltmp6, $3  }
0x70: {  	_ =	sdelay $0x1  }
0x71: {  	v1 =	vshll.u32 v1, $0x4  }
0x72: {  	s29 =	sadd.s32 $0xFFFFFFF0, s29;
	[tilespmem:s23+$0x0] =	vst.msk vm0, v1;
	s23 =	sadd.s32 $0x10, s23;
	vm0 =	vmmov vm1  }
.LBB2_7:
0x73: {  	_ =	sdelay $0x4  }
0x74: {  	v1 =	vld.msk [tilespmem:s23+$0x0 ss:$0x1], vm1;
	_ =	sdelay $0x4  }
0x75: {  	v1 =	vshll.u32 v1, $0x4  }
0x76: {  	[tilespmem:s23+$0x0] =	vst.msk vm0, v1  }
.LBB2_8:
0x77: {  	s0 =	sand.u32 $0x1, s17  }
0x78: {  	s0 =	smul.u32 $0xF0, s0  }
0x79: {  	p2 =	sne.s32 s28, $0xFFFFFFFF  }
0x7a: {  	v1 =	vld.msk @!p2 [tilespmem:s0+$0x10518], $0x1;
	_ =	sdelay $0x4  }
0x7b: {  	(v2sf) =	vpush @!p2 v1, $0x0;
	_ =	sdelay $0xc  }
.Ltmp7:
0x7c: {  	_ = 	snop;
	(pc) =	sbr.rel @p1 .LBB2_19-.Ltmp7, $4  }
0x7d: {  	_ = 	snop  }
0x7e: {  	s26 =	spop @!p2 (v2sf)  }
0x7f: {  	s20 =	simm.s32 @!p2 $0x0;
	s23 =	smov.u32 s26  }
0x80: {  	[sflag:s16] =	ssyncpa.u1 $0x0;
	s26 =	smov.u32 @p2 s25;
	s23 =	smov.u32 @p2 s28  }
0x81: {  	v1 =	vld.msk [tilespmem:s22+$0x0], $0x1;
	_ =	sdelay $0x4  }
0x82: {  	(v2sf) =	vpush v1, $0x0;
	_ =	sdelay $0xe  }
0x83: {  	s0 =	smul.u32 $0x1E000, s24;
	s30 =	spop (v2sf)  }
0x84: {  	p1 =	seq.s32 s26, s30  }
0x85: {  	s28 =	sadd.s32 $0xFFFFFFFF, s21;
	s0 =	sshrl.u32 s0, $0x2;
	p2 =	sgt.s32 @!p1 s26, $0x0  }
0x86: {  	s24 =	sor.u32 $0x10738, s0;
	s0 =	smov.u32 s26;
	p2 =	por !p2, p1  }
0x87: {  	s0 =	simm.s32 @p2 $0x0;
	p2 =	sne.s32 s28, $0x0  }
.Ltmp8:
0x88: {  	_ = 	snop;
	(pc) =	sbr.rel @!p2 .LBB2_11-.Ltmp8, $4  }
0x89: {  	_ = 	snop  }
0x8a: {  	s25 =	simm.s32 $0x0;
	s31 =	simm.s32 @!p1 $0x1;
	s4 =	smin.u32 @!p1 s0, $0x270F0  }
0x8b: {  	s29 =	sadd.s32 $0x1, s22;
	s31 =	smov.u32 @p1 s25;
	s5 =	sand.u32 @!p1 $0x3FFF8, s4  }
0x8c: {  	s0 =	simm.s32 @!p1 $0x7988;
	s4 =	sand.u32 @!p1 $0x7, s4;
	s5 =	sadd.s32 @!p1 s1, s5  }
.LBB2_10:
0x8d: {  	s3 =	smov.u32 s31  }
0x8e: {  	[tilespmem:s0], [sflag:$0x2] =	stream.linear.gather @!p1 [hbm4b:s5+s4], $0x80, $0x38;
	[tilespmem:$0x1F6F8] =	vst v63  }
0x8f: {  	s28 =	sadd.s32 $0xFFFFFFFF, s28;
	s4 =	smov.u32 s30;
	v1 =	vld.msk [tilespmem:s29+$0x0], $0x1  }
0x90: {  	p2 =	sne.s32 s28, $0x0;
	_ =	sdelay $0x3  }
0x91: {  	(v2sf) =	vpush v1, $0x0;
	_ =	sdelay $0xe  }
0x92: {  	s30 =	spop (v2sf)  }
0x93: {  	p1 =	seq.s32 s4, s30  }
0x94: {  	p3 =	sgt.s32 @!p1 s4, $0x0;
	s0 =	sshll.u32 @!p1 s31, $0x9;
	s31 =	sadd.s32 @!p1 $0x1, s31  }
.Ltmp9:
0x95: {  	p3 =	por !p3, p1;
	s0 =	sshra.s32 @!p1 s0, $0x2;
	(pc) =	sbr.rel @p2 .LBB2_10-.Ltmp9, $4  }
0x96: {  	s31 =	smov.u32 @p1 s3;
	s4 =	simm.s32 @p3 $0x0;
	s0 =	sadd.s32 @!p1 $0x7988, s0  }
0x97: {  	s3 =	smin.u32 @!p1 s4, $0x270F0  }
0x98: {  	s5 =	sand.u32 @!p1 $0x3FFF8, s3;
	s4 =	sand.u32 @!p1 $0x7, s3  }
0x99: {  	s29 =	sadd.s32 $0x1, s29;
	s5 =	sadd.s32 @!p1 s1, s5  }
.LBB2_11:
0x9a: {  	[tilespmem:s0], [sflag:$0x2] =	stream.linear.gather @!p1 [hbm4b:s5+s4], $0x80, $0x38;
	[tilespmem:$0x1F6F8] =	vst v63  }
.Ltmp10:
0x9b: {  	s31 =	sshll.u32 s31, $0x7;
	(pc) =	sbr.rel .LBB2_12-.Ltmp10, $4  }
0x9c: {  	s0 =	sand.u32 $0x3FFFFF80, s31  }
0x9d: {  	_ =	swait.ge [sflag:s7], s0  }
0x9e: {  	s0 =	ssub.s32 $0x0, s0;
	[sflag:s7] =	ssyncset.done $0x0  }
0x9f: {  	s29 =	simm.s32 $0x0;
	[sflag:s7] =	ssyncadd.s32 s0  }
.LBB2_13:
0xa0: {  	v1 =	vld [tilespmem:s24+$0xFFFFFFC0];
	_ =	sdelay $0x3  }
0xa1: {  	s0 =	sshra.s32 s0, $0x2  }
0xa2: {  	[tilespmem:s0+$0x108] =	vst.add.f32.msk $0xffff, v1  }
0xa3: {  	v1 =	vld [tilespmem:s24+$0xFFFFFFD0];
	_ =	sdelay $0x4  }
0xa4: {  	[tilespmem:s0+$0x118] =	vst.add.f32.msk $0xffff, v1  }
0xa5: {  	v1 =	vld [tilespmem:s24+$0xFFFFFFE0];
	_ =	sdelay $0x4  }
0xa6: {  	[tilespmem:s0+$0x128] =	vst.add.f32.msk $0xffff, v1  }
0xa7: {  	v1 =	vld [tilespmem:s24+$0xFFFFFFF0];
	_ =	sdelay $0x4  }
0xa8: {  	[tilespmem:s0+$0x138] =	vst.add.f32.msk $0xffff, v1  }
0xa9: {  	v1 =	vld [tilespmem:s24+$0x0];
	_ =	sdelay $0x4  }
0xaa: {  	[tilespmem:s0+$0x148] =	vst.add.f32.msk $0xffff, v1  }
0xab: {  	v1 =	vld [tilespmem:s24+$0x10];
	_ =	sdelay $0x4  }
0xac: {  	[tilespmem:s0+$0x158] =	vst.add.f32.msk $0xffff, v1  }
0xad: {  	v1 =	vld [tilespmem:s24+$0x20];
	_ =	sdelay $0x4  }
0xae: {  	[tilespmem:s0+$0x168] =	vst.add.f32.msk $0xffff, v1  }
0xaf: {  	v1 =	vld [tilespmem:s24+$0x30];
	_ =	sdelay $0x4  }
0xb0: {  	[tilespmem:s0+$0x178] =	vst.add.f32.msk $0xffff, v1  }
.LBB2_17:
0xb1: {  	s21 =	sadd.s32 $0xFFFFFFFF, s21  }
0xb2: {  	p1 =	sne.s32 s21, $0x0  }
.Ltmp11:
0xb3: {  	_ = 	snop;
	(pc) =	sbr.rel @!p1 .LBB2_18-.Ltmp11, $2  }
0xb4: {  	_ =	sdelay $0x2  }
0xb5: {  	s22 =	sadd.s32 $0x1, s22;
	s24 =	sadd.s32 $0x80, s24;
	s26 =	smov.u32 s28  }
.LBB2_12:
0xb6: {  	v1 =	vld.msk [tilespmem:s22+$0x0], $0x1;
	_ =	sdelay $0x4  }
0xb7: {  	(v2sf) =	vpush v1, $0x0;
	_ =	sdelay $0xe  }
0xb8: {  	s28 =	spop (v2sf)  }
0xb9: {  	p1 =	sne.s32 s26, s28  }
.Ltmp12:
0xba: {  	_ = 	snop;
	(pc) =	sbr.rel @!p1 .LBB2_13-.Ltmp12, $2  }
0xbb: {  	_ =	sdelay $0x2  }
0xbc: {  	s0 =	sshll.u32 s20, $0x9  }
0xbd: {  	p1 =	seq.s32 s26, s23  }
.Ltmp13:
0xbe: {  	_ = 	snop;
	(pc) =	sbr.rel @!p1 .LBB2_15-.Ltmp13, $1  }
0xbf: {  	_ =	sdelay $0x3  }
0xc0: {  	s0 =	sshra.s32 s0, $0x2  }
.Ltmp14:
0xc1: {  	s0 =	sadd.s32 $0x108, s0;
	(pc) =	sbr.rel .LBB2_16-.Ltmp14, $4  }
0xc2: {  	[spmem:s14] =	stream.linear.scatter [tilespmem:s0], [sflag:$0x1], $0x80, $0x38;
	[tilespmem:$0x1F6F8] =	vst v63  }
0xc3: {  	_ =	swait.ge [sflag:s15], $0x80  }
0xc4: {  	[sflag:s15] =	ssyncset.done $0x0  }
0xc5: {  	[sflag:s15] =	ssyncadd.s32 $0xFFFFFF80  }
.LBB2_15:
0xc6: {  	s3 =	sshll.u32 s25, $0x9  }
0xc7: {  	s3 =	sshra.s32 s3, $0x2  }
0xc8: {  	v1 =	vld [tilespmem:s3+$0x7988];
	_ =	sdelay $0x3  }
0xc9: {  	s0 =	sshra.s32 s0, $0x2  }
0xca: {  	[tilespmem:s0+$0x108] =	vst.add.f32.msk $0xffff, v1  }
0xcb: {  	v1 =	vld [tilespmem:s3+$0x7998];
	_ =	sdelay $0x4  }
0xcc: {  	[tilespmem:s0+$0x118] =	vst.add.f32.msk $0xffff, v1  }
0xcd: {  	v1 =	vld [tilespmem:s3+$0x79A8];
	_ =	sdelay $0x4  }
0xce: {  	[tilespmem:s0+$0x128] =	vst.add.f32.msk $0xffff, v1  }
0xcf: {  	v1 =	vld [tilespmem:s3+$0x79B8];
	_ =	sdelay $0x4  }
0xd0: {  	[tilespmem:s0+$0x138] =	vst.add.f32.msk $0xffff, v1  }
0xd1: {  	v1 =	vld [tilespmem:s3+$0x79C8];
	_ =	sdelay $0x4  }
0xd2: {  	[tilespmem:s0+$0x148] =	vst.add.f32.msk $0xffff, v1  }
0xd3: {  	v1 =	vld [tilespmem:s3+$0x79D8];
	_ =	sdelay $0x4  }
0xd4: {  	[tilespmem:s0+$0x158] =	vst.add.f32.msk $0xffff, v1  }
0xd5: {  	v1 =	vld [tilespmem:s3+$0x79E8];
	_ =	sdelay $0x4  }
0xd6: {  	[tilespmem:s0+$0x168] =	vst.add.f32.msk $0xffff, v1  }
0xd7: {  	v1 =	vld [tilespmem:s3+$0x79F8];
	_ =	sdelay $0x2  }
0xd8: {  	p1 =	sgt.u32 s26, $0x270F0  }
0xd9: {  	s3 =	sand.u32 @!p1 $0x3FFF8, s26  }
0xda: {  	s4 =	sadd.s32 $0x108, s0;
	[tilespmem:s0+$0x178] =	vst.add.f32.msk $0xffff, v1;
	s0 =	sadd.s32 @!p1 s1, s3;
	s3 =	sand.u32 @!p1 $0x7, s26  }
0xdb: {  	[hbm4b:s0+s3] =	stream.linear.scatter @!p1 [tilespmem:s4], [sflag:$0xC], $0x80, $0x38;
	[tilespmem:$0x1F6F8] =	vst v63  }
0xdc: {  	s0 =	simm.s32 $0x0  }
0xdd: {  	s0 =	simm.s32 @!p1 $0x200  }
0xde: {  	s29 =	sadd.s32 s0, s29  }
.LBB2_16:
0xdf: {  	s0 =	sadd.s32 $0x1, s20  }
0xe0: {  	s3 =	smulhi.u32 $0x88888889, s0;
	_ =	sdelay $0x1  }
0xe1: {  	v1 =	vld [tilespmem:s24+$0xFFFFFFC0];
	s3 =	sshrl.u32 s3, $0x7  }
0xe2: {  	s3 =	smul.u32 $0xF0, s3;
	_ =	sdelay $0x1  }
0xe3: {  	s20 =	ssub.s32 s0, s3  }
0xe4: {  	s0 =	sshll.u32 s20, $0x7  }
0xe5: {  	[tilespmem:s0+$0x108] =	vst v1  }
0xe6: {  	v1 =	vld [tilespmem:s24+$0xFFFFFFD0];
	_ =	sdelay $0x4  }
0xe7: {  	[tilespmem:s0+$0x118] =	vst v1  }
0xe8: {  	v1 =	vld [tilespmem:s24+$0xFFFFFFE0];
	_ =	sdelay $0x4  }
0xe9: {  	[tilespmem:s0+$0x128] =	vst v1  }
0xea: {  	v1 =	vld [tilespmem:s24+$0xFFFFFFF0];
	_ =	sdelay $0x4  }
0xeb: {  	[tilespmem:s0+$0x138] =	vst v1  }
0xec: {  	v1 =	vld [tilespmem:s24+$0x0];
	_ =	sdelay $0x4  }
0xed: {  	[tilespmem:s0+$0x148] =	vst v1  }
0xee: {  	v1 =	vld [tilespmem:s24+$0x10];
	_ =	sdelay $0x4  }
0xef: {  	[tilespmem:s0+$0x158] =	vst v1  }
0xf0: {  	v1 =	vld [tilespmem:s24+$0x20];
	_ =	sdelay $0x4  }
0xf1: {  	[tilespmem:s0+$0x168] =	vst v1  }
0xf2: {  	v1 =	vld [tilespmem:s24+$0x30]  }
.Ltmp15:
0xf3: {  	_ = 	snop;
	(pc) =	sbr.rel .LBB2_17-.Ltmp15, $2  }
0xf4: {  	_ =	sdelay $0x2  }
0xf5: {  	s25 =	sadd.s32 $0x1, s25;
	[tilespmem:s0+$0x178] =	vst v1  }
.LBB2_19:
.Ltmp16:
0xf6: {  	(pc) =	sbr.rel .LBB2_20-.Ltmp16, $3  }
0xf7: {  	_ =	sdelay $0x1  }
0xf8: {  	_ =	swait.ge [sflag:s7], $0x0  }
0xf9: {  	s0 =	simm.s32 $0x0;
	s28 =	smov.u32 s26;
	[sflag:s7] =	ssyncset.done $0x0  }
.LBB2_22:
0xfa: {  	_ =	sfence.sel $0x180000  }
0xfb: {  	s0 =	simm.s32 $0x9;
	[bflag:$0x0] =	sbarrier.arrive $0xFFFF  }
0xfc: {  	s24 =	simm.s32 $0xA;
	[sflag:s0] =	ssyncpa.u1 $0x1  }
0xfd: {  	s25 =	simm.s32 $0xB;
	[sflag:s24] =	ssyncpa.u1 $0x1  }
0xfe: {  	s26 =	simm.s32 $0x2;
	[sflag:s25] =	ssyncpa.u1 $0x1  }
0xff: {  	[sflag:s26] =	ssyncpa.u1 $0x1  }
0x100: {  	v0 =	vld [tilespmem:$0xF208];
	_ =	sdelay $0x4  }
0x101: {  	(v2sf) =	vpush v0, $0x0  }
0x102: {  	(v2sf) =	vpush v0, $0x1;
	_ =	sdelay $0x1  }
0x103: {  	(v2sf) =	vpush v0, $0x2;
	_ =	sdelay $0xb  }
0x104: {  	s0 =	spop (v2sf)  }
0x105: {  	s3 =	spop (v2sf)  }
0x106: {  	s4 =	smov.u32 s0;
	p0 =	sne.s32 s0, s3  }
0x107: {  	s5 =	spop (v2sf);
	s4 =	simm.s32 @!p0 $0xFFFFFFFF  }
0x108: {  	v2 =	vimm.s32 $0x1;
	v3 =	vlaneseq.u32;
	p0 =	seq.s32 s5, $0xFFFFFFFF;
	v1 =	vmov s4  }
0x109: {  	s16 =	stileid.u32;
	v0 =	vperm.xlane v0, v2;
	p1 =	sne.s32 @!p0 s0, s3;
	v1 =	vperm.xlane v1, v3  }
0x10a: {  	vm0 =	vcmask $0x3F04;
	s7 =	simm.s32 $0xF208;
	s0 =	simm.s32 @!p0 $0x1;
	p1 =	por !p1, p0  }
0x10b: {  	s4 =	sshll.u32 s16, $0x1;
	s3 =	sshll.u32 @!p0 s5, $0x9;
	s0 =	simm.s32 @p1 $0x0;
	v0 =	vsel vm0, v1, v0  }
0x10c: {  	s6 =	sor.u32 $0x1000, s4;
	s3 =	sshra.s32 @!p0 s3, $0x2;
	s0 =	sor.u32 @!p0 s0, s4;
	[tilespmem:$0xF208] =	vst v0  }
0x10d: {  	[spmem:s6] =	stream.linear.scatter [tilespmem:s7], [sflag:$0x1], $0x2, $0x38;
	[tilespmem:$0x1F6F8] =	vst v63  }
0x10e: {  	s3 =	sadd.s32 @!p0 $0x108, s3;
	s0 =	sshll.u32 @!p0 s0, $0x7  }
0x10f: {  	[spmem:s0] =	stream.linear.scatter @!p0 [tilespmem:s3], [sflag:$0x1], $0x80, $0x38;
	[tilespmem:$0x1F6F8] =	vst v63  }
0x110: {  	s0 =	simm.s32 @!p0 $0x82  }
0x111: {  	s28 =	simm.s32 $0x1;
	s0 =	simm.s32 @p0 $0x2  }
0x112: {  	_ =	swait.ge [sflag:s28], s0  }
0x113: {  	s0 =	ssub.s32 $0x0, s0;
	[sflag:s28] =	ssyncset.done $0x0  }
0x114: {  	p0 =	sne.s32 s16, $0x0;
	[sflag:s28] =	ssyncadd.s32 s0  }
.Ltmp17:
0x115: {  	_ =	sfence.stream.spmem;
	(pc) =	sbr.rel @p0 .LBB2_39-.Ltmp17, $4  }
0x116: {  	s29 =	simm.s32 $0x3;
	[bflag:$0x0] =	sbarrier.arrive $0xFFFF  }
0x117: {  	s30 =	simm.s32 $0x4;
	[sflag:s29] =	ssyncpa.u1 $0x1  }
0x118: {  	s31 =	simm.s32 $0x3C;
	[sflag:s30] =	ssyncpa.u1 $0x1  }
0x119: {  	[sflag:s31] =	ssyncpa.u1 $0x1  }
0x11a: {  	_ =	sfence.stream.spmem;
	s0 =	simm.s32 $0x5  }
0x11b: {  	s3 =	simm.s32 $0x1000;
	s4 =	simm.s32 $0xF218;
	[sflag:s0] =	ssyncpa.u1 $0x0  }
0x11c: {  	[tilespmem:s4], [sflag:$0x5] =	stream.linear.gather [spmem:s3], $0x20, $0x38;
	[tilespmem:$0x1F6F8] =	vst v63  }
0x11d: {  	s26 =	simm.s32 $0x0;
	s28 =	simm.s32 $0xF238  }
0x11e: {  	[tilespmem:s28], [sflag:$0x5] =	stream.linear.gather [spmem:s26], $0x1000, $0x38;
	[tilespmem:$0x1F6F8] =	vst v63  }
0x11f: {  	_ =	swait.ge [sflag:s0], $0x1020  }
0x120: {  	[sflag:s0] =	ssyncset.done $0x0  }
0x121: {  	s29 =	simm.s32 $0x0;
	[sflag:s0] =	ssyncadd.s32 $0xFFFFEFE0  }
0x122: {  	v0 =	vld.msk [tilespmem:s29+$0xF218], $0x1;
	_ =	sdelay $0x1  }
0x123: {  	s30 =	simm.s32 $0x1  }
0x124: {  	v1 =	vld.msk [tilespmem:s30+$0xF218], $0x1;
	_ =	sdelay $0x1  }
0x125: {  	(v2sf) =	vpush v0, $0x0;
	_ =	sdelay $0x2  }
0x126: {  	(v2sf) =	vpush v1, $0x0;
	_ =	sdelay $0x2  }
0x127: {  	s31 =	simm.s32 $0x2  }
0x128: {  	v0 =	vld.msk [tilespmem:s31+$0xF218], $0x1;
	_ =	sdelay $0x2  }
0x129: {  	s6 =	simm.s32 $0xC;
	s7 =	simm.s32 $0xFFFFFFFF;
	s0 =	simm.s32 $0xFFFFFFFF  }
.LBB2_24:
0x12a: {  	s3 =	smov.u32 s7;
	s4 =	smov.u32 s0  }
0x12b: {  	s0 =	sshra.s32 s6, $0x2;
	p1 =	sne.s32 s6, $0x7C;
	s6 =	sadd.s32 $0x4, s6;
	(v2sf) =	vpush v0, $0x0  }
0x12c: {  	v0 =	vld.msk [tilespmem:s0+$0xF218], $0x1  }
.Ltmp18:
0x12d: {  	(pc) =	sbr.rel @p1 .LBB2_24-.Ltmp18, $4  }
0x12e: {  	s7 =	spop (v2sf)  }
0x12f: {  	p2 =	sne.s32 s4, $0xFFFFFFFF;
	s0 =	smov.u32 s7  }
0x130: {  	p3 =	seq.s32 s7, $0xFFFFFFFF;
	s0 =	smov.u32 @p2 s4  }
0x131: {  	s7 =	smov.u32 @p3 s3;
	s0 =	smov.u32 @p3 s4  }
0x132: {  	(v2sf) =	vpush v0, $0x0;
	_ =	sdelay $0x8  }
0x133: {  	s3 =	spop (v2sf)  }
0x134: {  	p1 =	sne.s32 s0, $0xFFFFFFFF;
	s4 =	smov.u32 s3  }
0x135: {  	s9 =	simm.s32 $0x6;
	p2 =	seq.s32 s3, $0xFFFFFFFF;
	s4 =	smov.u32 @p1 s0  }
0x136: {  	s6 =	simm.s32 $0x0;
	s4 =	smov.u32 @p2 s0;
	s0 =	spop (v2sf)  }
0x137: {  	s3 =	smov.u32 @p2 s7;
	p1 =	sne.s32 s4, $0xFFFFFFFF;
	s5 =	smov.u32 s0  }
.Ltmp19:
0x138: {  	p2 =	seq.s32 s0, $0xFFFFFFFF;
	s5 =	smov.u32 @p1 s4;
	(pc) =	sbr.rel .LBB2_26-.Ltmp19, $4  }
0x139: {  	s10 =	simm.s32 $0xF188;
	s5 =	smov.u32 @p2 s4;
	s7 =	spop (v2sf)  }
0x13a: {  	s11 =	simm.s32 $0x0;
	p1 =	sne.s32 s5, $0xFFFFFFFF;
	s8 =	smov.u32 s7  }
0x13b: {  	s0 =	smov.u32 @p2 s3;
	p2 =	seq.s32 s7, $0xFFFFFFFF;
	s8 =	smov.u32 @p1 s5  }
0x13c: {  	[sflag:s9] =	ssyncpa.u1 $0x0;
	s7 =	smov.u32 @p2 s0;
	s8 =	smov.u32 @p2 s5  }
.LBB2_32:
0x13d: {  	p1 =	sgt.u32 s12, $0x270F0  }
0x13e: {  	p2 =	seq.s32 @!p1 s12, s8  }
0x13f: {  	p1 =	por p1, p2  }
0x140: {  	p2 =	sne.s32 @!p1 s12, s7  }
0x141: {  	p1 =	por p1, !p2  }
0x142: {  	s0 =	sshll.u32 @p1 s11, $0x9  }
0x143: {  	s0 =	sand.u32 @!p1 $0x3FFF8, s12  }
0x144: {  	s3 =	sand.u32 @!p1 $0x7, s12;
	s0 =	sadd.s32 @!p1 s1, s0  }
0x145: {  	[tilespmem:s10], [sflag:$0x6] =	stream.linear.gather @!p1 [hbm4b:s0+s3], $0x80, $0x38;
	[tilespmem:$0x1F6F8] =	vst v63  }
0x146: {  	_ =	swait.ge @!p1 [sflag:s9], $0x80  }
0x147: {  	[sflag:s9] =	ssyncset.done @!p1 $0x0  }
0x148: {  	[sflag:s9] =	ssyncadd.s32 @!p1 $0xFFFFFF80  }
0x149: {  	v1 =	vld @!p1 [tilespmem:$0xF188];
	_ =	sdelay $0x2  }
0x14a: {  	s0 =	sshll.u32 @!p1 s11, $0x9  }
0x14b: {  	s3 =	sshrl.u32 @!p1 s0, $0x2  }
0x14c: {  	[tilespmem:s3+$0xF238] =	vst.add.f32.msk @!p1 $0xffff, v1  }
0x14d: {  	v1 =	vld @!p1 [tilespmem:$0xF198];
	_ =	sdelay $0x4  }
0x14e: {  	[tilespmem:s3+$0xF248] =	vst.add.f32.msk @!p1 $0xffff, v1  }
0x14f: {  	v1 =	vld @!p1 [tilespmem:$0xF1A8];
	_ =	sdelay $0x4  }
0x150: {  	[tilespmem:s3+$0xF258] =	vst.add.f32.msk @!p1 $0xffff, v1  }
0x151: {  	v1 =	vld @!p1 [tilespmem:$0xF1B8];
	_ =	sdelay $0x4  }
0x152: {  	[tilespmem:s3+$0xF268] =	vst.add.f32.msk @!p1 $0xffff, v1  }
0x153: {  	v1 =	vld @!p1 [tilespmem:$0xF1C8];
	_ =	sdelay $0x4  }
0x154: {  	[tilespmem:s3+$0xF278] =	vst.add.f32.msk @!p1 $0xffff, v1  }
0x155: {  	v1 =	vld @!p1 [tilespmem:$0xF1D8];
	_ =	sdelay $0x4  }
0x156: {  	[tilespmem:s3+$0xF288] =	vst.add.f32.msk @!p1 $0xffff, v1  }
0x157: {  	v1 =	vld @!p1 [tilespmem:$0xF1E8];
	_ =	sdelay $0x4  }
0x158: {  	[tilespmem:s3+$0xF298] =	vst.add.f32.msk @!p1 $0xffff, v1  }
0x159: {  	v1 =	vld @!p1 [tilespmem:$0xF1F8];
	_ =	sdelay $0x4  }
0x15a: {  	[tilespmem:s3+$0xF2A8] =	vst.add.f32.msk @!p1 $0xffff, v1  }
0x15b: {  	s0 =	sshrl.u32 s0, $0x2;
	[tilespmem:s6+$0xF218] =	vst.msk $0x1, v0  }
0x15c: {  	v0 =	vld [tilespmem:s0+$0xF238];
	_ =	sdelay $0x2  }
0x15d: {  	s31 =	sshll.u32 s6, $0x9  }
0x15e: {  	s3 =	sshra.s32 s31, $0x2  }
0x15f: {  	[tilespmem:s3+$0xF238] =	vst v0  }
0x160: {  	v0 =	vld [tilespmem:s0+$0xF248];
	_ =	sdelay $0x4  }
0x161: {  	[tilespmem:s3+$0xF248] =	vst v0  }
0x162: {  	v0 =	vld [tilespmem:s0+$0xF258];
	_ =	sdelay $0x4  }
0x163: {  	[tilespmem:s3+$0xF258] =	vst v0  }
0x164: {  	v0 =	vld [tilespmem:s0+$0xF268];
	_ =	sdelay $0x4  }
0x165: {  	[tilespmem:s3+$0xF268] =	vst v0  }
0x166: {  	v0 =	vld [tilespmem:s0+$0xF278];
	_ =	sdelay $0x4  }
0x167: {  	[tilespmem:s3+$0xF278] =	vst v0  }
0x168: {  	v0 =	vld [tilespmem:s0+$0xF288];
	_ =	sdelay $0x4  }
0x169: {  	[tilespmem:s3+$0xF288] =	vst v0  }
0x16a: {  	v0 =	vld [tilespmem:s0+$0xF298];
	_ =	sdelay $0x4  }
0x16b: {  	[tilespmem:s3+$0xF298] =	vst v0  }
0x16c: {  	v0 =	vld [tilespmem:s0+$0xF2A8];
	_ =	sdelay $0x4  }
0x16d: {  	s6 =	sadd.s32 $0x1, s6;
	[tilespmem:s3+$0xF2A8] =	vst v0  }
.LBB2_33:
0x16e: {  	s11 =	sadd.s32 $0x1, s11  }
0x16f: {  	p1 =	sne.s32 s11, $0x20  }
.Ltmp20:
0x170: {  	_ = 	snop;
	(pc) =	sbr.rel @!p1 .LBB2_34-.Ltmp20, $1  }
0x171: {  	_ =	sdelay $0x3  }
.LBB2_26:
0x172: {  	v0 =	vld.msk [tilespmem:s11+$0xF218], $0x1;
	_ =	sdelay $0x4  }
0x173: {  	(v2sf) =	vpush v0, $0x0;
	_ =	sdelay $0xe  }
0x174: {  	s12 =	spop (v2sf)  }
0x175: {  	p1 =	seq.s32 s12, $0xFFFFFFFF  }
.Ltmp21:
0x176: {  	_ = 	snop;
	(pc) =	sbr.rel @p1 .LBB2_33-.Ltmp21, $1  }
0x177: {  	_ =	sdelay $0x3  }
0x178: {  	p1 =	slt.s32 s6, $0x1  }
.Ltmp22:
0x179: {  	_ = 	snop;
	(pc) =	sbr.rel @p1 .LBB2_32-.Ltmp22, $1  }
0x17a: {  	_ =	sdelay $0x3  }
0x17b: {  	s13 =	simm.s32 $0xF218;
	p1 =	por $0x0, $0x0  }
0x17c: {  	v1 =	vld.msk @!p1 [tilespmem:s13+$0x0], $0x1;
	_ =	sdelay $0x4  }
0x17d: {  	(v2sf) =	vpush @!p1 v1, $0x0;
	_ =	sdelay $0xd  }
0x17e: {  	p3 =	sne.s32 s6, $0x1  }
.Ltmp23:
0x17f: {  	s0 =	spop @!p1 (v2sf);
	(pc) =	sbr.rel @!p3 .LBB2_30-.Ltmp23, $4  }
0x180: {  	p2 =	seq.s32 @!p1 s12, s0  }
0x181: {  	s14 =	simm.s32 $0x0;
	p2 =	por !p2, p1  }
0x182: {  	s0 =	simm.s32 $0xFFFFFFFF;
	s14 =	simm.s32 @p2 $0xFFFFFFFF  }
0x183: {  	s15 =	simm.s32 $0x1;
	s14 =	smov.u32 @p1 s0  }
.LBB2_29:
0x184: {  	s0 =	smov.u32 s14;
	p1 =	sne.s32 s14, $0xFFFFFFFF  }
0x185: {  	s13 =	sadd.s32 $0x1, s13;
	s14 =	smov.u32 s15;
	s15 =	sadd.s32 $0x1, s15  }
0x186: {  	p2 =	sne.s32 s6, s15;
	v1 =	vld.msk @!p1 [tilespmem:s13+$0x0], $0x1;
	_ =	sdelay $0x4  }
0x187: {  	(v2sf) =	vpush @!p1 v1, $0x0;
	_ =	sdelay $0xe  }
.Ltmp24:
0x188: {  	s3 =	spop @!p1 (v2sf);
	(pc) =	sbr.rel @p2 .LBB2_29-.Ltmp24, $4  }
0x189: {  	p3 =	seq.s32 @!p1 s12, s3  }
0x18a: {  	p3 =	por !p3, p1  }
0x18b: {  	s14 =	simm.s32 @p3 $0xFFFFFFFF  }
0x18c: {  	s14 =	smov.u32 @p1 s0  }
.LBB2_30:
0x18d: {  	p1 =	seq.s32 s14, $0xFFFFFFFF  }
.Ltmp25:
0x18e: {  	_ = 	snop;
	(pc) =	sbr.rel @p1 .LBB2_32-.Ltmp25, $1  }
0x18f: {  	_ =	sdelay $0x3  }
0x190: {  	s0 =	sshll.u32 s11, $0x7  }
0x191: {  	s0 =	sand.u32 $0x3FFFFF80, s0  }
0x192: {  	v0 =	vld [tilespmem:s0+$0xF238];
	_ =	sdelay $0x2  }
0x193: {  	s3 =	sshll.u32 s14, $0x9  }
0x194: {  	s3 =	sshra.s32 s3, $0x2  }
0x195: {  	[tilespmem:s3+$0xF238] =	vst.add.f32.msk $0xffff, v0  }
0x196: {  	v0 =	vld [tilespmem:s0+$0xF248];
	_ =	sdelay $0x4  }
0x197: {  	[tilespmem:s3+$0xF248] =	vst.add.f32.msk $0xffff, v0  }
0x198: {  	v0 =	vld [tilespmem:s0+$0xF258];
	_ =	sdelay $0x4  }
0x199: {  	[tilespmem:s3+$0xF258] =	vst.add.f32.msk $0xffff, v0  }
0x19a: {  	v0 =	vld [tilespmem:s0+$0xF268];
	_ =	sdelay $0x4  }
0x19b: {  	[tilespmem:s3+$0xF268] =	vst.add.f32.msk $0xffff, v0  }
0x19c: {  	v0 =	vld [tilespmem:s0+$0xF278];
	_ =	sdelay $0x4  }
0x19d: {  	[tilespmem:s3+$0xF278] =	vst.add.f32.msk $0xffff, v0  }
0x19e: {  	v0 =	vld [tilespmem:s0+$0xF288];
	_ =	sdelay $0x4  }
0x19f: {  	[tilespmem:s3+$0xF288] =	vst.add.f32.msk $0xffff, v0  }
0x1a0: {  	v0 =	vld [tilespmem:s0+$0xF298];
	_ =	sdelay $0x4  }
0x1a1: {  	[tilespmem:s3+$0xF298] =	vst.add.f32.msk $0xffff, v0  }
0x1a2: {  	v0 =	vld [tilespmem:s0+$0xF2A8]  }
.Ltmp26:
0x1a3: {  	_ = 	snop;
	(pc) =	sbr.rel .LBB2_33-.Ltmp26, $2  }
0x1a4: {  	_ =	sdelay $0x2  }
0x1a5: {  	[tilespmem:s3+$0xF2A8] =	vst.add.f32.msk $0xffff, v0  }
.LBB2_34:
0x1a6: {  	s0 =	simm.s32 $0x6;
	p1 =	seq.s32 s6, $0x0  }
0x1a7: {  	[sflag:s0] =	ssyncpa.u1 $0x1;
	v0 =	vimm.s32 @p1 $0xFFFFFFFF  }
0x1a8: {  	s9 =	sadd.s32 $0xFFFFFFFF, s6;
	[tilespmem:$0x10238] =	vst @p1 v0  }
0x1a9: {  	v0 =	vld.msk @!p1 [tilespmem:s9+$0xF218], $0x1;
	_ =	sdelay $0x1  }
0x1aa: {  	v1 =	vld.msk @!p1 [tilespmem:$0xF218], $0x1;
	_ =	sdelay $0x2  }
0x1ab: {  	p2 =	seq.s32 @!p1 s9, $0x0;
	v0 =	vbroadcast @!p1 v0, $0x0  }
0x1ac: {  	vm0 =	vmmov @!p1 $0x1;
	p2 =	por !p2, p1  }
0x1ad: {  	v1 =	vnsel @!p1 vm0, $0xFFFFFFFF, v1;
	vm0 =	vcmask @!p1 $0x308;
	v0 =	vpsel !p2, $0xFFFFFFFF, v0  }
0x1ae: {  	p2 =	sne.s32 @!p1 s8, s7;
	v0 =	vsel @!p1 vm0, v1, v0  }
0x1af: {  	s0 =	simm.s32 @!p1 $0xF238;
	s3 =	simm.s32 @!p1 $0x0;
	p3 =	por !p2, p1;
	[tilespmem:$0x10238] =	vst @!p1 v0  }
0x1b0: {  	[spmem:s3] =	stream.linear.scatter @!p1 [tilespmem:s0], [sflag:$0x1], $0x80, $0x38;
	[tilespmem:$0x1F6F8] =	vst v63  }
0x1b1: {  	s0 =	sshll.u32 @!p3 s9, $0x9  }
0x1b2: {  	s0 =	sshra.s32 @!p3 s0, $0x2  }
0x1b3: {  	s3 =	simm.s32 @!p3 $0x80;
	s0 =	sadd.s32 @!p3 $0xF238, s0  }
0x1b4: {  	[spmem:s3] =	stream.linear.scatter @!p3 [tilespmem:s0], [sflag:$0x1], $0x80, $0x38;
	[tilespmem:$0x1F6F8] =	vst v63  }
0x1b5: {  	s0 =	simm.s32 @!p3 $0x1  }
0x1b6: {  	_ =	swait.ge @!p3 [sflag:s0], $0x100  }
0x1b7: {  	p1 =	por p2, p1;
	[sflag:s0] =	ssyncset.done @!p3 $0x0  }
0x1b8: {  	[sflag:s0] =	ssyncadd.s32 @!p3 $0xFFFFFF00;
	s0 =	simm.s32 @!p1 $0x1  }
0x1b9: {  	_ =	swait.ge @!p1 [sflag:s0], $0x80  }
0x1ba: {  	s29 =	simm.s32 $0x10238;
	[sflag:s0] =	ssyncset.done @!p1 $0x0  }
0x1bb: {  	s30 =	simm.s32 $0x1000;
	s31 =	simm.s32 $0x1;
	[sflag:s0] =	ssyncadd.s32 @!p1 $0xFFFFFF80  }
0x1bc: {  	[spmem:s30] =	stream.linear.scatter [tilespmem:s29], [sflag:$0x1], $0x10, $0x38;
	[tilespmem:$0x1F6F8] =	vst v63  }
0x1bd: {  	_ =	swait.ge [sflag:s31], $0x10  }
0x1be: {  	[sflag:s31] =	ssyncset.done $0x0  }
0x1bf: {  	p1 =	seq.s32 s2, $0x0;
	s10 =	rddreg [dreg:$0x1];
	[sflag:s31] =	ssyncadd.s32 $0xFFFFFFF0  }
0x1c0: {  	s3 =	sshll.u32 @p1 s10, $0xE;
	s8 =	rddreg [dreg:$0x2]  }
0x1c1: {  	s0 =	sadd.s32 @p1 $0x15C3C, s3;
	s3 =	sshll.u32 @p1 s8, $0x11  }
0x1c2: {  	_ =	sfence.stream.spmem;
	s0 =	sor.u32 @p1 s3, s0  }
0x1c3: {  	[sflag:s0] =	ssyncadd.remote.s32 @p1 $0x1;
	s0 =	simm.s32 @p1 $0x4  }
0x1c4: {  	s4 =	simm.s32 @!p1 $0x3C;
	s3 =	sand.u32 $0xFFFFFFFE, s10;
	_ =	swait.ge @p1 [sflag:s0], $0x22  }
0x1c5: {  	s5 =	simm.s32 @!p1 $0x0;
	s3 =	sadd.s32 @!p1 $0x4, s3;
	[sflag:s0] =	ssyncset.done @p1 $0x0  }
0x1c6: {  	s7 =	simm.s32 @!p1 $0x100;
	[sflag:s0] =	ssyncadd.s32 @p1 $0xFFFFFFDE;
	s0 =	sshll.u32 @!p1 s3, $0x1A  }
0x1c7: {  	s3 =	sshll.u32 @!p1 s3, $0xD;
	s0 =	sor.u32 @!p1 s0, s8;
	_ =	swait.eq @!p1 [sflag:s4], $0x1  }
0x1c8: {  	s3 =	sor.u32 @!p1 $0x1C04, s3;
	s4 =	simm.s32 @!p1 $0x1C03;
	s0 =	sor.u32 @!p1 $0x80004000, s0  }
0x1c9: {  	[spmem:s7], [sflag:s3] =	dma.general @!p1 [spmem:s5], [sflag:s4], length:$0x20, [dreg:$0x0], stride_count:$0x0, ici_dest:s0, dma_misc:DstOpCode:WRITE  }
0x1ca: {  	p2 =	slt.s32 s9, $0x2;
	s5 =	simm.s32 @!p1 $0x200;
	s7 =	simm.s32 @!p1 $0x202  }
0x1cb: {  	[spmem:s7], [sflag:s3] =	dma.general @!p1 [spmem:s5], [sflag:s4], length:$0x2, [dreg:$0x0], stride_count:$0x0, ici_dest:s0, dma_misc:DstOpCode:WRITE  }
.Ltmp27:
0x1cc: {  	s0 =	simm.s32 @!p1 $0x3;
	(pc) =	sbr.rel @p2 .LBB2_38-.Ltmp27, $4  }
0x1cd: {  	s3 =	sshll.u32 @!p1 s10, $0xE;
	_ =	swait.ge @!p1 [sflag:s0], $0x22  }
0x1ce: {  	s4 =	sshll.u32 @!p1 s8, $0x11;
	s3 =	sadd.s32 @!p1 $0x11C3C, s3;
	[sflag:s0] =	ssyncset.done @!p1 $0x0  }
0x1cf: {  	[sflag:s0] =	ssyncadd.s32 @!p1 $0xFFFFFFDE;
	s0 =	sor.u32 @!p1 s4, s3  }
0x1d0: {  	[sflag:s0] =	ssyncadd.remote.s32 @!p1 $0xFFFFFFFF;
	s0 =	simm.s32 $0x0  }
0x1d1: {  	s0 =	simm.s32 $0xF219  }
0x1d2: {  	v0 =	vld.msk [tilespmem:s0+$0x0], $0x1;
	_ =	sdelay $0x4  }
0x1d3: {  	(v2sf) =	vpush v0, $0x0;
	_ =	sdelay $0xd  }
0x1d4: {  	s3 =	sadd.s32 $0xFFFFFFFE, s6  }
0x1d5: {  	s5 =	sadd.s32 $0xFFFFFFFF, s3;
	s0 =	spop (v2sf)  }
0x1d6: {  	p2 =	sne.s32 s5, $0x0;
	p1 =	sgt.u32 s0, $0x270F0  }
.Ltmp28:
0x1d7: {  	s6 =	sand.u32 @!p1 $0x3FFF8, s0;
	(pc) =	sbr.rel @!p2 .LBB2_37-.Ltmp28, $4  }
0x1d8: {  	s4 =	simm.s32 $0xF2B8;
	s0 =	sand.u32 @!p1 $0x7, s0;
	s3 =	sadd.s32 @!p1 s1, s6  }
0x1d9: {  	[hbm4b:s3+s0] =	stream.linear.scatter @!p1 [tilespmem:s4], [sflag:$0x5], $0x80, $0x38;
	[tilespmem:$0x1F6F8] =	vst v63  }
0x1da: {  	s0 =	simm.s32 $0x0  }
0x1db: {  	s7 =	simm.s32 $0xF21A;
	s6 =	simm.s32 $0x0;
	s0 =	simm.s32 @!p1 $0x200  }
.LBB2_36:
0x1dc: {  	v0 =	vld.msk [tilespmem:s7+$0x0], $0x1;
	s5 =	sadd.s32 $0xFFFFFFFF, s5;
	s6 =	sadd.s32 s6, s0  }
0x1dd: {  	p1 =	sne.s32 s5, $0x0;
	_ =	sdelay $0x3  }
0x1de: {  	(v2sf) =	vpush v0, $0x0;
	_ =	sdelay $0xe  }
.Ltmp29:
0x1df: {  	s3 =	spop (v2sf);
	(pc) =	sbr.rel @p1 .LBB2_36-.Ltmp29, $4  }
0x1e0: {  	s0 =	simm.s32 $0x0;
	p2 =	sgt.u32 s3, $0x270F0  }
0x1e1: {  	s4 =	sadd.s32 $0x80, s4;
	s0 =	simm.s32 @!p2 $0x200;
	s8 =	sand.u32 @!p2 $0x3FFF8, s3  }
0x1e2: {  	s7 =	sadd.s32 $0x1, s7;
	s3 =	sand.u32 @!p2 $0x7, s3;
	s8 =	sadd.s32 @!p2 s1, s8  }
0x1e3: {  	[hbm4b:s8+s3] =	stream.linear.scatter @!p2 [tilespmem:s4], [sflag:$0x5], $0x80, $0x38;
	[tilespmem:$0x1F6F8] =	vst v63  }
.LBB2_37:
0x1e4: {  	s0 =	sadd.s32 s6, s0  }
0x1e5: {  	s0 =	sshrl.u32 s0, $0x2  }
.LBB2_38:
0x1e6: {  	s3 =	simm.s32 $0x5  }
0x1e7: {  	_ =	swait.ge [sflag:s3], s0  }
0x1e8: {  	s31 =	ssub.s32 $0x0, s0;
	[sflag:s3] =	ssyncset.done $0x0  }
0x1e9: {  	[sflag:s3] =	ssyncadd.s32 s31  }
0x1ea: {  	[sflag:s3] =	ssyncpa.u1 $0x1  }
.LBB2_39:
0x1eb: {  	s0 =	sor.u32 s2, s16  }
0x1ec: {  	p1 =	sne.s32 s0, $0x0  }
.Ltmp30:
0x1ed: {  	_ = 	snop;
	(pc) =	sbr.rel @p1 .LBB2_54-.Ltmp30, $3  }
0x1ee: {  	_ =	sdelay $0x1  }
0x1ef: {  	[bflag:$0x0] =	sbarrier.arrive $0xFFFF  }
0x1f0: {  	_ =	sfence  }
0x1f1: {  	s0 =	simm.s32 $0x7  }
0x1f2: {  	s2 =	simm.s32 $0x1000;
	s3 =	simm.s32 $0xF218;
	[sflag:s0] =	ssyncpa.u1 $0x0  }
0x1f3: {  	[tilespmem:s3], [sflag:$0x7] =	stream.linear.gather [spmem:s2], $0x20, $0x38;
	[tilespmem:$0x1F6F8] =	vst v63  }
0x1f4: {  	s30 =	simm.s32 $0xF238;
	s2 =	simm.s32 $0x0  }
0x1f5: {  	[tilespmem:s30], [sflag:$0x7] =	stream.linear.gather [spmem:s2], $0x1000, $0x38;
	[tilespmem:$0x1F6F8] =	vst v63  }
.Ltmp31:
0x1f6: {  	_ = 	snop;
	(pc) =	sbr.rel .LBB2_41-.Ltmp31, $4  }
0x1f7: {  	_ =	swait.ge [sflag:s0], $0x1020  }
0x1f8: {  	[sflag:s0] =	ssyncset.done $0x0  }
0x1f9: {  	s31 =	simm.s32 $0x8;
	[sflag:s0] =	ssyncadd.s32 $0xFFFFEFE0  }
0x1fa: {  	s3 =	simm.s32 $0x0;
	[sflag:s31] =	ssyncpa.u1 $0x0  }
.LBB2_47:
0x1fb: {  	p1 =	slt.u32 s4, $0x270F1  }
0x1fc: {  	s0 =	sand.u32 @p1 $0x3FFF8, s4  }
0x1fd: {  	s4 =	sand.u32 @p1 $0x7, s4;
	s5 =	simm.s32 @p1 $0xF188;
	s0 =	sadd.s32 @p1 s1, s0  }
0x1fe: {  	[tilespmem:s5], [sflag:$0x8] =	stream.linear.gather @p1 [hbm4b:s0+s4], $0x80, $0x38;
	[tilespmem:$0x1F6F8] =	vst v63  }
0x1ff: {  	s0 =	simm.s32 @p1 $0x8  }
0x200: {  	_ =	swait.ge @p1 [sflag:s0], $0x80  }
0x201: {  	[sflag:s0] =	ssyncset.done @p1 $0x0  }
0x202: {  	[sflag:s0] =	ssyncadd.s32 @p1 $0xFFFFFF80  }
0x203: {  	v1 =	vld @p1 [tilespmem:$0xF188];
	_ =	sdelay $0x2  }
0x204: {  	s0 =	sshll.u32 @p1 s3, $0x9  }
0x205: {  	s4 =	sshrl.u32 @p1 s0, $0x2  }
0x206: {  	[tilespmem:s4+$0xF238] =	vst.add.f32.msk @p1 $0xffff, v1  }
0x207: {  	v1 =	vld @p1 [tilespmem:$0xF198];
	_ =	sdelay $0x4  }
0x208: {  	[tilespmem:s4+$0xF248] =	vst.add.f32.msk @p1 $0xffff, v1  }
0x209: {  	v1 =	vld @p1 [tilespmem:$0xF1A8];
	_ =	sdelay $0x4  }
0x20a: {  	[tilespmem:s4+$0xF258] =	vst.add.f32.msk @p1 $0xffff, v1  }
0x20b: {  	v1 =	vld @p1 [tilespmem:$0xF1B8];
	_ =	sdelay $0x4  }
0x20c: {  	[tilespmem:s4+$0xF268] =	vst.add.f32.msk @p1 $0xffff, v1  }
0x20d: {  	v1 =	vld @p1 [tilespmem:$0xF1C8];
	_ =	sdelay $0x4  }
0x20e: {  	[tilespmem:s4+$0xF278] =	vst.add.f32.msk @p1 $0xffff, v1  }
0x20f: {  	v1 =	vld @p1 [tilespmem:$0xF1D8];
	_ =	sdelay $0x4  }
0x210: {  	[tilespmem:s4+$0xF288] =	vst.add.f32.msk @p1 $0xffff, v1  }
0x211: {  	v1 =	vld @p1 [tilespmem:$0xF1E8];
	_ =	sdelay $0x4  }
0x212: {  	[tilespmem:s4+$0xF298] =	vst.add.f32.msk @p1 $0xffff, v1  }
0x213: {  	v1 =	vld @p1 [tilespmem:$0xF1F8];
	_ =	sdelay $0x3  }
0x214: {  	s5 =	sshll.u32 @!p1 s3, $0x9  }
0x215: {  	s5 =	smov.u32 @p1 s0;
	[tilespmem:s4+$0xF2A8] =	vst.add.f32.msk @p1 $0xffff, v1  }
0x216: {  	s0 =	sshrl.u32 s5, $0x2;
	[tilespmem:s2+$0xF218] =	vst.msk $0x1, v0  }
0x217: {  	v0 =	vld [tilespmem:s0+$0xF238];
	_ =	sdelay $0x2  }
0x218: {  	s31 =	sshll.u32 s2, $0x9  }
0x219: {  	s4 =	sshra.s32 s31, $0x2  }
0x21a: {  	[tilespmem:s4+$0xF238] =	vst v0  }
0x21b: {  	v0 =	vld [tilespmem:s0+$0xF248];
	_ =	sdelay $0x4  }
0x21c: {  	[tilespmem:s4+$0xF248] =	vst v0  }
0x21d: {  	v0 =	vld [tilespmem:s0+$0xF258];
	_ =	sdelay $0x4  }
0x21e: {  	[tilespmem:s4+$0xF258] =	vst v0  }
0x21f: {  	v0 =	vld [tilespmem:s0+$0xF268];
	_ =	sdelay $0x4  }
0x220: {  	[tilespmem:s4+$0xF268] =	vst v0  }
0x221: {  	v0 =	vld [tilespmem:s0+$0xF278];
	_ =	sdelay $0x4  }
0x222: {  	[tilespmem:s4+$0xF278] =	vst v0  }
0x223: {  	v0 =	vld [tilespmem:s0+$0xF288];
	_ =	sdelay $0x4  }
0x224: {  	[tilespmem:s4+$0xF288] =	vst v0  }
0x225: {  	v0 =	vld [tilespmem:s0+$0xF298];
	_ =	sdelay $0x4  }
0x226: {  	[tilespmem:s4+$0xF298] =	vst v0  }
0x227: {  	v0 =	vld [tilespmem:s0+$0xF2A8];
	_ =	sdelay $0x4  }
0x228: {  	s2 =	sadd.s32 $0x1, s2;
	[tilespmem:s4+$0xF2A8] =	vst v0  }
.LBB2_48:
0x229: {  	s3 =	sadd.s32 $0x1, s3  }
0x22a: {  	p1 =	sne.s32 s3, $0x20  }
.Ltmp32:
0x22b: {  	_ = 	snop;
	(pc) =	sbr.rel @!p1 .LBB2_49-.Ltmp32, $1  }
0x22c: {  	_ =	sdelay $0x3  }
.LBB2_41:
0x22d: {  	v0 =	vld.msk [tilespmem:s3+$0xF218], $0x1;
	_ =	sdelay $0x4  }
0x22e: {  	(v2sf) =	vpush v0, $0x0;
	_ =	sdelay $0xe  }
0x22f: {  	s4 =	spop (v2sf)  }
0x230: {  	p1 =	seq.s32 s4, $0xFFFFFFFF  }
.Ltmp33:
0x231: {  	_ = 	snop;
	(pc) =	sbr.rel @p1 .LBB2_48-.Ltmp33, $1  }
0x232: {  	_ =	sdelay $0x3  }
0x233: {  	p1 =	slt.s32 s2, $0x1  }
.Ltmp34:
0x234: {  	_ = 	snop;
	(pc) =	sbr.rel @p1 .LBB2_47-.Ltmp34, $1  }
0x235: {  	_ =	sdelay $0x3  }
0x236: {  	s5 =	simm.s32 $0xF218;
	p1 =	por $0x0, $0x0  }
0x237: {  	v1 =	vld.msk @!p1 [tilespmem:s5+$0x0], $0x1;
	_ =	sdelay $0x4  }
0x238: {  	(v2sf) =	vpush @!p1 v1, $0x0;
	_ =	sdelay $0xd  }
0x239: {  	p3 =	sne.s32 s2, $0x1  }
.Ltmp35:
0x23a: {  	s0 =	spop @!p1 (v2sf);
	(pc) =	sbr.rel @!p3 .LBB2_45-.Ltmp35, $4  }
0x23b: {  	p2 =	seq.s32 @!p1 s4, s0  }
0x23c: {  	s6 =	simm.s32 $0x0;
	p2 =	por !p2, p1  }
0x23d: {  	s0 =	simm.s32 $0xFFFFFFFF;
	s6 =	simm.s32 @p2 $0xFFFFFFFF  }
0x23e: {  	s7 =	simm.s32 $0x1;
	s6 =	smov.u32 @p1 s0  }
.LBB2_44:
0x23f: {  	s0 =	smov.u32 s6;
	p1 =	sne.s32 s6, $0xFFFFFFFF  }
0x240: {  	s5 =	sadd.s32 $0x1, s5;
	s6 =	smov.u32 s7;
	s7 =	sadd.s32 $0x1, s7  }
0x241: {  	p2 =	sne.s32 s2, s7;
	v1 =	vld.msk @!p1 [tilespmem:s5+$0x0], $0x1;
	_ =	sdelay $0x4  }
0x242: {  	(v2sf) =	vpush @!p1 v1, $0x0;
	_ =	sdelay $0xe  }
.Ltmp36:
0x243: {  	s8 =	spop @!p1 (v2sf);
	(pc) =	sbr.rel @p2 .LBB2_44-.Ltmp36, $4  }
0x244: {  	p3 =	seq.s32 @!p1 s4, s8  }
0x245: {  	p3 =	por !p3, p1  }
0x246: {  	s6 =	simm.s32 @p3 $0xFFFFFFFF  }
0x247: {  	s6 =	smov.u32 @p1 s0  }
.LBB2_45:
0x248: {  	p1 =	seq.s32 s6, $0xFFFFFFFF  }
.Ltmp37:
0x249: {  	_ = 	snop;
	(pc) =	sbr.rel @p1 .LBB2_47-.Ltmp37, $1  }
0x24a: {  	_ =	sdelay $0x3  }
0x24b: {  	s0 =	sshll.u32 s3, $0x7  }
0x24c: {  	s0 =	sand.u32 $0x3FFFFF80, s0  }
0x24d: {  	v0 =	vld [tilespmem:s0+$0xF238];
	_ =	sdelay $0x2  }
0x24e: {  	s4 =	sshll.u32 s6, $0x9  }
0x24f: {  	s4 =	sshra.s32 s4, $0x2  }
0x250: {  	[tilespmem:s4+$0xF238] =	vst.add.f32.msk $0xffff, v0  }
0x251: {  	v0 =	vld [tilespmem:s0+$0xF248];
	_ =	sdelay $0x4  }
0x252: {  	[tilespmem:s4+$0xF248] =	vst.add.f32.msk $0xffff, v0  }
0x253: {  	v0 =	vld [tilespmem:s0+$0xF258];
	_ =	sdelay $0x4  }
0x254: {  	[tilespmem:s4+$0xF258] =	vst.add.f32.msk $0xffff, v0  }
0x255: {  	v0 =	vld [tilespmem:s0+$0xF268];
	_ =	sdelay $0x4  }
0x256: {  	[tilespmem:s4+$0xF268] =	vst.add.f32.msk $0xffff, v0  }
0x257: {  	v0 =	vld [tilespmem:s0+$0xF278];
	_ =	sdelay $0x4  }
0x258: {  	[tilespmem:s4+$0xF278] =	vst.add.f32.msk $0xffff, v0  }
0x259: {  	v0 =	vld [tilespmem:s0+$0xF288];
	_ =	sdelay $0x4  }
0x25a: {  	[tilespmem:s4+$0xF288] =	vst.add.f32.msk $0xffff, v0  }
0x25b: {  	v0 =	vld [tilespmem:s0+$0xF298];
	_ =	sdelay $0x4  }
0x25c: {  	[tilespmem:s4+$0xF298] =	vst.add.f32.msk $0xffff, v0  }
0x25d: {  	v0 =	vld [tilespmem:s0+$0xF2A8]  }
.Ltmp38:
0x25e: {  	_ = 	snop;
	(pc) =	sbr.rel .LBB2_48-.Ltmp38, $2  }
0x25f: {  	_ =	sdelay $0x2  }
0x260: {  	[tilespmem:s4+$0xF2A8] =	vst.add.f32.msk $0xffff, v0  }
.LBB2_49:
0x261: {  	p1 =	slt.s32 s2, $0x1  }
.Ltmp39:
0x262: {  	_ = 	snop;
	(pc) =	sbr.rel @p1 .LBB2_53-.Ltmp39, $3  }
0x263: {  	_ =	sdelay $0x1  }
0x264: {  	s0 =	simm.s32 $0x8  }
0x265: {  	s3 =	simm.s32 $0x0;
	[sflag:s0] =	ssyncpa.u1 $0x1  }
0x266: {  	s0 =	simm.s32 $0xF218  }
0x267: {  	v0 =	vld.msk [tilespmem:s0+$0x0], $0x1;
	_ =	sdelay $0x4  }
0x268: {  	(v2sf) =	vpush v0, $0x0;
	_ =	sdelay $0xe  }
0x269: {  	s2 =	sadd.s32 $0xFFFFFFFF, s2;
	s0 =	spop (v2sf)  }
0x26a: {  	p2 =	sne.s32 s2, $0x0;
	p1 =	sgt.u32 s0, $0x270F0  }
.Ltmp40:
0x26b: {  	s5 =	sand.u32 @!p1 $0x3FFF8, s0;
	(pc) =	sbr.rel @!p2 .LBB2_52-.Ltmp40, $4  }
0x26c: {  	s4 =	simm.s32 $0xF238;
	s0 =	sand.u32 @!p1 $0x7, s0;
	s5 =	sadd.s32 @!p1 s1, s5  }
0x26d: {  	[hbm4b:s5+s0] =	stream.linear.scatter @!p1 [tilespmem:s4], [sflag:$0x7], $0x80, $0x38;
	[tilespmem:$0x1F6F8] =	vst v63  }
0x26e: {  	s0 =	simm.s32 $0x0  }
0x26f: {  	s5 =	simm.s32 $0xF219;
	s0 =	simm.s32 @!p1 $0x200  }
.LBB2_51:
0x270: {  	v0 =	vld.msk [tilespmem:s5+$0x0], $0x1;
	s2 =	sadd.s32 $0xFFFFFFFF, s2;
	s3 =	sadd.s32 s3, s0  }
0x271: {  	p1 =	sne.s32 s2, $0x0;
	_ =	sdelay $0x3  }
0x272: {  	(v2sf) =	vpush v0, $0x0;
	_ =	sdelay $0xe  }
.Ltmp41:
0x273: {  	s6 =	spop (v2sf);
	(pc) =	sbr.rel @p1 .LBB2_51-.Ltmp41, $4  }
0x274: {  	s0 =	simm.s32 $0x0;
	p2 =	sgt.u32 s6, $0x270F0  }
0x275: {  	s4 =	sadd.s32 $0x80, s4;
	s0 =	simm.s32 @!p2 $0x200;
	s7 =	sand.u32 @!p2 $0x3FFF8, s6  }
0x276: {  	s5 =	sadd.s32 $0x1, s5;
	s6 =	sand.u32 @!p2 $0x7, s6;
	s7 =	sadd.s32 @!p2 s1, s7  }
0x277: {  	[hbm4b:s7+s6] =	stream.linear.scatter @!p2 [tilespmem:s4], [sflag:$0x7], $0x80, $0x38;
	[tilespmem:$0x1F6F8] =	vst v63  }
.LBB2_52:
0x278: {  	s0 =	sadd.s32 s3, s0  }
0x279: {  	s3 =	sshrl.u32 s0, $0x2  }
.LBB2_53:
0x27a: {  	s0 =	simm.s32 $0x7  }
0x27b: {  	_ =	swait.ge [sflag:s0], s3  }
0x27c: {  	s1 =	ssub.s32 $0x0, s3;
	[sflag:s0] =	ssyncset.done $0x0  }
0x27d: {  	[sflag:s0] =	ssyncadd.s32 s1  }
0x27e: {  	[sflag:s0] =	ssyncpa.u1 $0x1  }
.LBB2_54:
0x27f: {  	_ =	sfence;
	s0 =	simm.s32 $0x1  }
0x280: {  	[sflag:s0] =	ssyncpa.u1 $0x1  }
0x281: {  	_ =	strace $0x90000050  }
0x282: {  	[bflag:$0x2] =	sbarrier.arrive $0xFFFF  }
0x283: {  	s0 =	rddreg [dreg:$0x3]  }
0x284: {  	s0 =	sadd.s32 @!p0 $0x100000, s0  }
0x285: {  	[sflag:s0] =	ssyncadd.tile.s32 @!p0 $0x1;
	_ =	shalt  }
.Lfunc_end2:
_tile_overlayer_lowered:
.L_overlay_start_2:
0x286: {  	(tag) =	ssettag $0x2  }
0x287: {  	s0 =	rddreg [dreg:$0x0];
	s2 =	stileid.u32  }
0x288: {  	s1 =	rddreg [dreg:$0x1];
	p0 =	sne.s32 s2, $0x0  }
0x289: {  	s3 =	rddreg [dreg:$0x2];
	[bflag:$0x3] =	sbarrier.arrive $0xFFFF;
	s2 =	simm.s32 @!p0 $0x1C01  }
0x28a: {  	[timem:s3], [sflag:s2] =	dma.local @!p0 [hbm:s0], s1  }
0x28b: {  	s0 =	simm.s32 @!p0 $0x1  }
0x28c: {  	_ =	swait.ge @!p0 [sflag:s0], s1  }
0x28d: {  	s1 =	ssub.s32 @!p0 $0x0, s1;
	[sflag:s0] =	ssyncset.done @!p0 $0x0  }
0x28e: {  	[sflag:s0] =	ssyncadd.s32 @!p0 s1  }
0x28f: {  	[bflag:$0x3] =	sbarrier.arrive $0xFFFF  }
0x290: {  	_ =	shalt  }

// kernel: scatter_offload_async_start
scs
__scs_entry_jumppad:
0x0: {  	(pc) =	sbr.rel $0x88, $3  }
0x1: {  	(tag) =	ssettag $0x0;
	lr =	simm.s32 $0x1  }
0x2: {  	[smem:$0x3F95] =	sst lr;
	_ =	strace $0xD0000000  }
0x3: {  	_ = 	snop  }
0x4: {  	_ = 	snop  }
0x5: {  	_ = 	snop  }
0x6: {  	_ = 	snop  }
0x7: {  	_ = 	snop  }
__scs_overlays_trampoline_lowered:
0x8: {  	[smem:$0x3FA4] =	sst s0  }
0x9: {  	[smem:$0x3FA5] =	sst s1  }
0xa: {  	[smem:$0x3FA6] =	sst s2  }
0xb: {  	[smem:$0x3FA7] =	sst s3  }
0xc: {  	[smem:$0x3FA8] =	sst s4  }
0xd: {  	[smem:$0x3FA9] =	sst s5  }
0xe: {  	[smem:$0x3FAA] =	sst s6  }
0xf: {  	[smem:$0x3FAB] =	sst s7  }
0x10: {  	[smem:$0x3FAC] =	sst s8  }
0x11: {  	[smem:$0x3FAD] =	sst s9;
	s0 =	simm.s32 @!p0 $0x0  }
0x12: {  	s1 =	sld [smem:$0x3F93];
	s0 =	simm.s32 @p0 $0x1  }
0x13: {  	[smem:$0x3FAE] =	sst s0;
	s0 =	simm.s32 @!p1 $0x0  }
0x14: {  	s2 =	sld [smem:$0x3F92];
	s0 =	simm.s32 @p1 $0x1  }
0x15: {  	[smem:$0x3FAF] =	sst s0;
	s0 =	simm.s32 @!p2 $0x0  }
0x16: {  	s3 =	sld [smem:$0x3FDB];
	s0 =	simm.s32 @p2 $0x1  }
0x17: {  	s4 =	simm.s32 $0x1BF5;
	[smem:$0x3FB1] =	sst s0  }
0x18: {  	s0 =	sld [smem:$0x3F94];
	_ =	swait.ge [sflag:s4], $0x0  }
0x19: {  	s7 =	sld [smem:$0x3F95]  }
0x1a: {  	s8 =	sadd.s32 $0xFFFFE003, lr  }
0x1b: {  	s9 =	sadd.s32 $0xFFFFFEF7, lr;
	s5 =	simm.s32 $0xFFFFFFFF;
	p2 =	slt.u32 s8, $0xFFFFF086  }
0x1c: {  	p1 =	slt.u32 s9, $0xF7A;
	s5 =	simm.s32 @!p2 $0x0  }
0x1d: {  	s5 =	simm.s32 @p1 $0x1;
	p0 =	seq.s32 s7, s2  }
0x1e: {  	s7 =	smul.u32 @!p0 $0xF7A, s2;
	p2 =	seq.s32 @!p0 s5, $0x0  }
0x1f: {  	s9 =	smul.u32 $0xF7A, s1;
	s8 =	simm.s32 @!p0 $0x1BF5;
	p2 =	por !p2, p0  }
0x20: {  	[sflag:s8] =	ssyncset.s32 @!p0 $0xFFFFF086;
	s6 =	sadd.s32 @!p0 s3, s7;
	s7 =	simm.s32 @!p0 $0x108  }
0x21: {  	s3 =	sadd.s32 s3, s9;
	s6 =	sadd.s32 @!p0 $0x88, s6;
	s7 =	simm.s32 @p2 $0x1082  }
0x22: {  	[simem:s7], [sflag:s8] =	dma.local @!p0 [hbm:s6], $0xF7A  }
0x23: {  	s9 =	sor.u32 $0xD0000000, s2;
	s6 =	simm.s32 $0x108;
	_ =	swait.ge @!p0 [sflag:s8], $0x0  }
0x24: {  	s3 =	sadd.s32 $0x88, s3;
	s6 =	simm.s32 @!p1 $0x1082;
	[sflag:s4] =	ssyncset.s32 $0xFFFFF086  }
0x25: {  	[simem:s6], [sflag:s4] =	dma.local [hbm:s3], $0xF7A  }
0x26: {  	[smem:$0x3F95] =	sst s1;
	(tag) =	ssettag s2;
	_ =	strace s9  }
0x27: {  	s1 =	sld [smem:$0x3FA5]  }
0x28: {  	s2 =	sld [smem:$0x3FA6]  }
0x29: {  	s4 =	sld [smem:$0x3FA8]  }
0x2a: {  	p0 =	seq.s32 s5, $0x0;
	s5 =	sld [smem:$0x3FA9]  }
0x2b: {  	s6 =	sld [smem:$0x3FAA]  }
0x2c: {  	s7 =	sld [smem:$0x3FAB]  }
0x2d: {  	s3 =	simm.s32 $0x108;
	s8 =	sld [smem:$0x3FAC]  }
0x2e: {  	s3 =	simm.s32 @!p0 $0x1082;
	s9 =	sld [smem:$0x3FAD]  }
0x2f: {  	lr =	sadd.s32 s0, s3;
	s0 =	sld [smem:$0x3FA4]  }
0x30: {  	s3 =	sld [smem:$0x3FA7]  }
0x31: {  	[smem:$0x3FB0] =	sst s10  }
0x32: {  	s10 =	sld [smem:$0x3FAE];
	_ =	sdelay $0x3  }
0x33: {  	p0 =	seq.s32 s10, $0x1;
	s10 =	sld [smem:$0x3FB0];
	_ =	sdelay $0x3  }
0x34: {  	[smem:$0x3FB0] =	sst s10  }
0x35: {  	s10 =	sld [smem:$0x3FAF];
	_ =	sdelay $0x3  }
0x36: {  	p1 =	seq.s32 s10, $0x1;
	s10 =	sld [smem:$0x3FB0];
	_ =	sdelay $0x3  }
0x37: {  	[smem:$0x3FB0] =	sst s10  }
0x38: {  	s10 =	sld [smem:$0x3FB1]  }
0x39: {  	_ = 	snop;
	(pc) =	sbr.ind lr, $3  }
0x3a: {  	_ = 	snop  }
0x3b: {  	_ = 	snop  }
0x3c: {  	p2 =	seq.s32 s10, $0x1;
	s10 =	sld [smem:$0x3FB0]  }
0x3d: {  	_ =	shalt  }
0x3e: {  	_ =	shalt  }
0x3f: {  	_ =	shalt  }
0x40: {  	_ =	shalt  }
0x41: {  	_ =	shalt  }
0x42: {  	_ =	shalt  }
0x43: {  	_ =	shalt  }
0x44: {  	_ =	shalt  }
0x45: {  	_ =	shalt  }
0x46: {  	_ =	shalt  }
0x47: {  	_ =	shalt  }
0x48: {  	_ =	shalt  }
0x49: {  	_ =	shalt  }
0x4a: {  	_ =	shalt  }
0x4b: {  	_ =	shalt  }
0x4c: {  	_ =	shalt  }
0x4d: {  	_ =	shalt  }
0x4e: {  	_ =	shalt  }
0x4f: {  	_ =	shalt  }
0x50: {  	_ =	shalt  }
0x51: {  	_ =	shalt  }
0x52: {  	_ =	shalt  }
0x53: {  	_ =	shalt  }
0x54: {  	_ =	shalt  }
0x55: {  	_ =	shalt  }
0x56: {  	_ =	shalt  }
0x57: {  	_ =	shalt  }
0x58: {  	_ =	shalt  }
0x59: {  	_ =	shalt  }
0x5a: {  	_ =	shalt  }
0x5b: {  	_ =	shalt  }
0x5c: {  	_ =	shalt  }
0x5d: {  	_ =	shalt  }
0x5e: {  	_ =	shalt  }
0x5f: {  	_ =	shalt  }
0x60: {  	_ =	shalt  }
0x61: {  	_ =	shalt  }
0x62: {  	_ =	shalt  }
0x63: {  	_ =	shalt  }
0x64: {  	_ =	shalt  }
0x65: {  	_ =	shalt  }
0x66: {  	_ =	shalt  }
0x67: {  	_ =	shalt  }
0x68: {  	_ =	shalt  }
0x69: {  	_ =	shalt  }
0x6a: {  	_ =	shalt  }
0x6b: {  	_ =	shalt  }
0x6c: {  	_ =	shalt  }
0x6d: {  	_ =	shalt  }
0x6e: {  	_ =	shalt  }
0x6f: {  	_ =	shalt  }
0x70: {  	_ =	shalt  }
0x71: {  	_ =	shalt  }
0x72: {  	_ =	shalt  }
0x73: {  	_ =	shalt  }
0x74: {  	_ =	shalt  }
0x75: {  	_ =	shalt  }
0x76: {  	_ =	shalt  }
0x77: {  	_ =	shalt  }
0x78: {  	_ =	shalt  }
0x79: {  	_ =	shalt  }
0x7a: {  	_ =	shalt  }
0x7b: {  	_ =	shalt  }
0x7c: {  	_ =	shalt  }
0x7d: {  	_ =	shalt  }
0x7e: {  	_ =	shalt  }
0x7f: {  	_ =	shalt  }
0x80: {  	_ =	shalt  }
0x81: {  	_ =	shalt  }
0x82: {  	_ =	shalt  }
0x83: {  	_ =	shalt  }
0x84: {  	_ =	shalt  }
0x85: {  	_ =	shalt  }
0x86: {  	_ =	shalt  }
0x87: {  	_ =	shalt  }
.Lfunc_end0:
.L_simem_size_0:
called_computation_lowered:
.L_overlay_start_0:
0x88: {  	s0 =	sld [smem:$0x3FD9]  }
0x89: {  	s1 =	sld [smem:$0x3FFE];
	_ =	sdelay $0x3  }
0x8a: {  	s0 =	sadd.s32 s1, s0  }
0x8b: {  	[smem:$0x3FBC] =	sst s0  }
0x8c: {  	_ = 	snop  }
0x8d: {  	(tm) =	ssettm $0x1  }
0x8e: {  	s15 =	sld [smem:$0x3FFB];
	_ =	sdelay $0x3  }
0x8f: {  	_ =	strace s15  }
0x90: {  	s0 =	sld [smem:$0x3FFC];
	_ =	sdelay $0x3  }
0x91: {  	_ =	strace s0  }
0x92: {  	s0 =	sld [smem:$0x3FFD];
	_ =	sdelay $0x3  }
0x93: {  	_ =	strace s0  }
0x94: {  	_ =	strace $0x8FFFFFFF  }
0x95: {  	s16 =	sld [smem:$0x3FDB];
	_ =	sdelay $0x1  }
0x96: {  	s17 =	simm.s32 $_scs_section_size  }
0x97: {  	s2 =	simm.s32 $_size__tile_overlayer_lowered;
	s3 =	simm.s32 $_tile_overlayer_lowered  }
0x98: {  	s20 =	simm.s32 $0x1BFF;
	s19 =	sshll.u32 s3, $0x1;
	s0 =	sadd.s32 s17, s16  }
0x99: {  	s4 =	simm.s32 $0x0;
	s18 =	sshll.u32 s2, $0x1;
	s2 =	sadd.s32 s19, s0  }
0x9a: {  	[timem:s4], [sflag:s20] =	dma.local [hbm:s2], s18  }
0x9b: {  	_ =	swait.ge [sflag:s20], s18  }
0x9c: {  	s1 =	ssub.s32 $0x0, s18;
	[sflag:s20] =	ssyncset.done $0x0  }
0x9d: {  	[sflag:s20] =	ssyncadd.s32 s1;
	_ =	sdelay $0x1  }
0x9e: {  	s21 =	simm.s32 $0x1B8B  }
0x9f: {  	_ =	swait.ge [sflag:s21], $0x1  }
0xa0: {  	[sflag:s21] =	ssyncset.done $0x0  }
0xa1: {  	s23 =	simm.s32 $0x1B8E;
	s22 =	sld [smem:$0x3FFE];
	[sflag:s21] =	ssyncadd.s32 $0xFFFFFFFF  }
0xa2: {  	s24 =	simm.s32 $execute0_lowered;
	[smem:$0x3FD2] =	sst s23  }
0xa3: {  	s2 =	sshll.u32 s24, $0x1;
	_ =	strace $0x80000046;
	[dreg:$0x1] =	wrdreg $0xFFFFFFFF  }
0xa4: {  	s25 =	simm.s32 $_size_execute0_lowered;
	s0 =	sadd.s32 s0, s2;
	[dreg:$0x0] =	wrdreg $0x0  }
0xa5: {  	s2 =	sshll.u32 s25, $0x1;
	[dreg:$0x2] =	wrdreg s0  }
0xa6: {  	[dreg:$0x3] =	wrdreg s2  }
0xa7: {  	[dreg:$0x4] =	wrdreg $0xC0  }
0xa8: {  	_ =	task [dreg:s4], $0x5FFFF  }
0xa9: {  	[dreg:$0x1] =	wrdreg $0xFFFFFFFF  }
0xaa: {  	[dreg:$0x0] =	wrdreg $0x60  }
0xab: {  	[dreg:$0x2] =	wrdreg s22  }
0xac: {  	[dreg:$0x3] =	wrdreg $0x9  }
0xad: {  	_ =	task.clear_ibuf [dreg:s4], $0x4FFFF;
	_ =	strace $0x90000046  }
0xae: {  	s26 =	simm.s32 $0x9;
	_ =	strace $0x80000048  }
0xaf: {  	_ =	swait.ge [sflag:s26], $0x1  }
0xb0: {  	[sflag:s26] =	ssyncadd.s32 $0xFFFFFFFF  }
0xb1: {  	_ =	strace $0x90000048  }
0xb2: {  	_ =	sfence  }
0xb3: {  	s28 =	sld [smem:$0x0];
	_ =	sdelay $0x1  }
0xb4: {  	s29 =	srdreg.scid  }
0xb5: {  	s30 =	sshll.u32 s29, $0xD;
	s31 =	sshrl.u32 s29, $0x2  }
0xb6: {  	s1 =	sand.u32 $0x1, s29;
	s2 =	sand.u32 $0x4000, s30;
	s0 =	sadd.s32 s31, s28  }
0xb7: {  	s1 =	sor.u32 s2, s1;
	s0 =	sshll.u32 s0, $0x11  }
0xb8: {  	s0 =	sor.u32 s0, s1  }
0xb9: {  	s0 =	sadd.s32 $0x8F2B, s0  }
0xba: {  	[sflag:s0] =	ssyncadd.remote.s32 $0x1  }
0xbb: {  	_ =	sfence.sel $0xFFFF  }
0xbc: {  	[dreg:$0x0] =	wrdreg $0xFFFFFFFF;
	(pc) =	sbr.abs _section_cstart, $3  }
0xbd: {  	[dreg:$0x1] =	wrdreg $0xFFFFFFFF  }
0xbe: {  	_ =	task.clear_ibuf [dreg:s4], $0x2FFFF;
	_ =	strace $0x9FFFFFFF  }
0xbf: {  	(tm) =	ssettm $0x7FFFFFFF  }
tec
execute0_lowered:
.L_overlay_start_1:
0x0: {  	(tag) =	ssettag $0x1  }
0x1: {  	s0 =	rddreg [dreg:$0x0];
	_ =	strace $0x80000047;
	s15 =	stileid.u32  }
0x2: {  	s2 =	simm.s32 $0x1;
	s1 =	smin.u32 s15, $0xB;
	s3 =	sshll.u32 s15, $0x1  }
0x3: {  	v1 =	vimm.s32 $0xFFFFFFFF;
	[sflag:s2] =	ssyncpa.u1 $0x0;
	s1 =	sadd.s32 s1, s3  }
0x4: {  	p0 =	slt.u32 s15, $0xB;
	[tilespmem:$0x10] =	vst v1;
	s4 =	smul.u32 $0x1E00, s1;
	s1 =	simm.s32 $0x5A00  }
0x5: {  	v0 =	vimm.f32 $0.0e+00;
	[tilespmem:$0x20] =	vst v1;
	s1 =	simm.s32 @!p0 $0x3C00  }
0x6: {  	[tilespmem:$0x30] =	vst v0;
	s1 =	sadd.s32 s1, s4  }
0x7: {  	[tilespmem:$0x40] =	vst v0;
	s5 =	smin.u32 s1, $0x50A00  }
0x8: {  	s7 =	simm.s32 $0x2;
	s8 =	simm.s32 $0x8;
	[tilespmem:$0x50] =	vst v0;
	s9 =	ssub.s32 s5, s4  }
0x9: {  	s31 =	simm.s32 $0x9;
	s16 =	simm.s32 $0x0;
	[tilespmem:$0x60] =	vst v1;
	p0 =	sgt.s32 s9, $0x0  }
0xa: {  	s17 =	simm.s32 $0xF0;
	s18 =	simm.s32 $0xFFFFFFFF;
	[tilespmem:$0x70] =	vst v1;
	s9 =	simm.s32 @!p0 $0x0  }
0xb: {  	s19 =	simm.s32 $0xFFFFC500;
	s20 =	simm.s32 $0xFFFFFFFE;
	[tilespmem:$0x80] =	vst v1;
	s30 =	smulhi.u32 $0x88888889, s9  }
0xc: {  	s21 =	simm.s32 $0xF;
	s25 =	simm.s32 $0x0;
	s24 =	simm.s32 $0x0;
	v1 =	vimm.s32 $0x0;
	[tilespmem:$0xB0] =	vst v0  }
0xd: {  	s6 =	sadd.s32 $0x47E00, s0;
	s15 =	sshllo.u32 s15, $0x1;
	[tilespmem:$0x90] =	vst v1;
	s10 =	sshrl.u32 s30, $0xC  }
0xe: {  	[tilespmem:$0xA0] =	vst v1;
	[sflag:s7] =	ssyncpa.u1 $0x0;
	s7 =	simm.s32 $0x7;
	s11 =	smul.u32 $0x1E00, s10  }
.Ltmp0:
0xf: {  	s13 =	sor.u32 $0x80, s3;
	[sflag:s7] =	ssyncpa.u1 $0x0;
	(pc) =	sbr.rel .LBB2_1-.Ltmp0, $4  }
0x10: {  	s14 =	sor.u32 $0x81, s3;
	[sflag:s8] =	ssyncpa.u1 $0x0;
	p0 =	sne.s32 s9, s11  }
0x11: {  	s23 =	smov.u32 s4;
	s1 =	sadd.s32 $0x5C200, s0;
	s2 =	simm.s32 @!p0 $0x0  }
0x12: {  	vm0 =	vmmov $0xffff;
	v2 =	vlaneseq.u32;
	[sflag:s31] =	ssyncpa.u1 $0x0;
	s9 =	sadd.s32 $0x52000, s0;
	s10 =	sadd.s32 s2, s10  }
0x13: {  	vm1 =	vmxor vm1, vm1;
	vm2 =	vmmov $0x1;
	vm3 =	vcmask $0x3F3C;
	p0 =	por $0x0, $0x0;
	s11 =	sadd.s32 $0x1, s10;
	s12 =	sadd.s32 $0x2, s10  }
.LBB2_9:
0x14: {  	p1 =	slt.u32 s24, $0x3  }
0x15: {  	s0 =	simm.s32 @!p1 $0x2  }
0x16: {  	_ =	swait.ge @!p1 [sflag:s0], $0x1E00  }
0x17: {  	[sflag:s0] =	ssyncset.done @!p1 $0x0  }
0x18: {  	[sflag:s0] =	ssyncadd.s32 @!p1 $0xFFFFE200;
	s0 =	simm.s32 @!p1 $0x9  }
0x19: {  	_ =	swait.ge @!p1 [sflag:s0], $0x10  }
0x1a: {  	[sflag:s0] =	ssyncset.done @!p1 $0x0  }
0x1b: {  	[sflag:s0] =	ssyncadd.s32 @!p1 $0xFFFFFFF0;
	p1 =	sne.s32 s24, s12  }
.Ltmp1:
0x1c: {  	s2 =	sadd.s32 $0x1E00, s23;
	(pc) =	sbr.rel @!p1 .LBB2_10-.Ltmp1, $4  }
0x1d: {  	s22 =	smov.u32 s4;
	s31 =	sadd.s32 $0x1, s24;
	s17 =	sadd.s32 $0x1E00, s17  }
0x1e: {  	s18 =	sadd.s32 $0x1, s18;
	s25 =	smov.u32 s23;
	p2 =	slt.s32 s2, s5  }
0x1f: {  	p0 =	por !p0, !p0;
	s19 =	sadd.s32 $0x1E00, s19;
	s22 =	smov.u32 @p2 s2  }
0x20: {  	s20 =	sadd.s32 $0x1, s20;
	s23 =	smov.u32 s22;
	s24 =	smov.u32 s31  }
.LBB2_1:
0x21: {  	p1 =	sge.u32 s24, s10  }
0x22: {  	s0 =	smulhi.u32 @!p1 $0xAAAAAAAB, s24;
	_ =	sdelay $0x1  }
0x23: {  	s0 =	sshrl.u32 @!p1 s0, $0x1  }
0x24: {  	s0 =	smul.u32 @!p1 $0x3, s0;
	_ =	sdelay $0x1  }
0x25: {  	s0 =	ssub.s32 @!p1 s24, s0  }
0x26: {  	s0 =	smul.u32 @!p1 $0x7800, s0;
	_ =	sdelay $0x1  }
0x27: {  	s2 =	sshrl.u32 @!p1 s23, $0x3;
	s0 =	sshrl.u32 @!p1 s0, $0x2  }
0x28: {  	s22 =	sand.u32 @!p1 $0x7, s23;
	s2 =	sadd.s32 @!p1 s6, s2;
	s0 =	sor.u32 @!p1 $0x100, s0  }
0x29: {  	[tilespmem:s0], [sflag:$0x7] =	stream.linear.gather @!p1 [hbm4b:s2+s22], $0x1E00, $0x38;
	[tilespmem:$0x10F20] =	vst v63  }
0x2a: {  	s0 =	sadd.s32 $0xFFFFFFFF, s24  }
0x2b: {  	p1 =	sge.u32 s0, s10  }
.Ltmp2:
0x2c: {  	_ = 	snop;
	(pc) =	sbr.rel @p1 .LBB2_5-.Ltmp2, $1  }
0x2d: {  	_ =	sdelay $0x3  }
0x2e: {  	s2 =	smulhi.u32 $0xAAAAAAAB, s0;
	_ =	sdelay $0x1  }
0x2f: {  	s2 =	sshrl.u32 s2, $0x1  }
0x30: {  	s2 =	smul.u32 $0x3, s2;
	_ =	sdelay $0x1  }
0x31: {  	s2 =	ssub.s32 s0, s2  }
0x32: {  	s2 =	smul.u32 $0x7800, s2;
	_ =	sdelay $0x1  }
0x33: {  	_ =	swait.ge [sflag:s7], $0x1E00;
	s2 =	sshrl.u32 s2, $0x2  }
0x34: {  	[sflag:s7] =	ssyncset.done $0x0;
	s2 =	sor.u32 $0x100, s2  }
0x35: {  	[sflag:s7] =	ssyncadd.s32 $0xFFFFE200;
	(ifvalue) =	ssetifvalue $0xFFFFFFFF;
	v3 =	vld.msk [tilespmem:s2+$0x0 ss:$0x1], $0xffff;
	_ =	sdelay $0x2  }
0x36: {  	s30 =	smulhi.u32 $0xAAAAAAAB, s18;
	p1 =	sne.s32 s24, $0x1  }
0x37: {  	v4 =	vimm.s32 @!p1 $0x0  }
0x38: {  	s2 =	sshrl.u32 s30, $0x1;
	v4 =	vperm.xlane @!p1 v3, v4  }
0x39: {  	s22 =	sshll.u32 s24, $0x4;
	s2 =	smul.u32 $0xFFFE9800, s2;
	vm4 =	vlt.u32 v3, $0x2800  }
0x3a: {  	s22 =	sand.u32 $0x10, s22;
	v3 =	vnsel vm4, $0xFFFFFFFE, v3;
	vm4 =	vlt.u32 @!p1 v4, $0x2800  }
0x3b: {  	s2 =	sshra.s32 s2, $0x2;
	[tilespmem:s22+$0x60] =	vst v3;
	v3 =	vnsel @!p1 vm4, $0xFFFFFFFE, v4  }
0x3c: {  	s28 =	sadd.s32 s2, s17;
	[tilespmem:$0x80] =	vst @!p1 v3  }
0x3d: {  	v3 =	vld.msk [tilespmem:s28+$0x0 ss:$0x1], $0xffff;
	_ =	sdelay $0x4  }
0x3e: {  	(xrf1) =	vunique.msk.u32 $0xffff, v3;
	_ =	sdelay $0xd  }
0x3f: {  	v4 =	vimm.s32 $0xFFFFFFFF;
	v5, _, _ =	vpop (xrf1)  }
0x40: {  	vm5 =	vne.s32 v3, v4;
	vm4 =	veq.s32 v5, v2  }
0x41: {  	vm6 =	vlt.u32 v3, $0x2800;
	vm4 =	vmand vm5, vm4  }
0x42: {  	vm4 =	vmand vm6, vm4  }
0x43: {  	v4 =	vnsel vm4, $0xFFFFFFFF, v3  }
0x44: {  	s31 =	sand.u32 $0x1, s0  }
0x45: {  	s0 =	simm.s32 $0x1E00;
	p1 =	seq.s32 s31, $0x1  }
0x46: {  	s0 =	simm.s32 @!p1 $0x0  }
0x47: {  	s26 =	sadd.s32 $0x78F0, s0;
	(ifvalue) =	ssetifvalue $0xFFFFFFFF  }
0x48: {  	v3 =	vperm.xlane v3, v1;
	[tilespmem:s26], [sflag:$0x8] =	stream.indirect_vreg.gather [hbm4b:s1+s16], $0x1, v4, vm0, $0x4038;
	v4 =	vnsel vm6, $0xFFFFFFFE, v4;
	[tilespmem:$0x10F20] =	vst v63  }
0x49: {  	s2 =	simm.s32 $0x0;
	s22 =	sadd.s32 $0xFFFFFFF0, s28;
	[tilespmem:s28+$0x0] =	vst v4  }
.LBB2_3:
0x4a: {  	v4 =	vld.msk [tilespmem:s22+$0x0 ss:$0x1], $0xffff;
	s2 =	sadd.s32 $0x10, s2;
	v5 =	vmov v3;
	s28 =	smov.u32 s22  }
0x4b: {  	p1 =	slt.u32 s2, $0x1DF0;
	_ =	sdelay $0x4  }
0x4c: {  	v3 =	vperm.xlane v4, v1;
	(xrf1) =	vunique.msk.u32 $0xffff, v4;
	_ =	sdelay $0xd  }
0x4d: {  	v6, _, _ =	vpop (xrf1)  }
0x4e: {  	vm5 =	vne.s32 v4, v5;
	vm4 =	veq.s32 v6, v2  }
0x4f: {  	vm6 =	vlt.u32 v4, $0x2800;
	vm4 =	vmand vm5, vm4  }
0x50: {  	vm4 =	vmand vm6, vm4  }
0x51: {  	v4 =	vnsel vm4, $0xFFFFFFFF, v4  }
.Ltmp3:
0x52: {  	v5 =	vnsel vm6, $0xFFFFFFFE, v4;
	(pc) =	sbr.rel @p1 .LBB2_3-.Ltmp3, $3  }
0x53: {  	_ =	sdelay $0x1  }
0x54: {  	s22 =	sadd.s32 $0xFFFFFFF0, s22;
	s26 =	sadd.s32 $0xFFFFFFF0, s26;
	(ifvalue) =	ssetifvalue $0xFFFFFFFF  }
0x55: {  	[tilespmem:s26], [sflag:$0x8] =	stream.indirect_vreg.gather [hbm4b:s1+s16], $0x1, v4, vm0, $0x4038;
	[tilespmem:s28+$0x0] =	vst v5  }
0x56: {  	s2 =	sshrl.u32 s25, $0x3  }
0x57: {  	s0 =	sadd.s32 $0x9700, s0;
	s2 =	sadd.s32 s9, s2  }
0x58: {  	[tilespmem:s0], [sflag:$0x8] =	stream.linear.gather [hbm:s2], $0x1E00, $0x38;
	[tilespmem:$0x10F20] =	vst v63  }
.LBB2_5:
0x59: {  	p1 =	slt.u32 s24, $0x2  }
0x5a: {  	p2 =	sge.u32 @!p1 s24, s12  }
0x5b: {  	p1 =	por p1, p2  }
.Ltmp4:
0x5c: {  	_ = 	snop;
	(pc) =	sbr.rel @p1 .LBB2_9-.Ltmp4, $1  }
0x5d: {  	_ =	sdelay $0x3  }
0x5e: {  	s0 =	sadd.s32 $0xFFFFFFFE, s24  }
0x5f: {  	s2 =	smulhi.u32 $0xAAAAAAAB, s0;
	_ =	sdelay $0x1  }
0x60: {  	s2 =	sshrl.u32 s2, $0x1  }
0x61: {  	s2 =	smul.u32 $0x3, s2;
	_ =	sdelay $0x1  }
0x62: {  	s0 =	ssub.s32 s0, s2  }
0x63: {  	_ =	swait.ge [sflag:s8], $0x3C00;
	s0 =	smul.u32 $0x1E00, s0  }
0x64: {  	p1 =	sne.s32 s24, s11;
	[sflag:s8] =	ssyncset.done $0x0  }
0x65: {  	[sflag:s8] =	ssyncadd.s32 $0xFFFFC400;
	s2 =	sadd.s32 @!p1 $0x1EFF, s0  }
0x66: {  	[spmem:s14] =	stream.linear.scatter @!p1 [tilespmem:s2], [sflag:$0x1], $0x1, $0x38;
	[tilespmem:$0x10F20] =	vst v63  }
0x67: {  	s2 =	simm.s32 @!p1 $0x1  }
0x68: {  	_ =	swait.ge @!p1 [sflag:s2], $0x1  }
0x69: {  	s22 =	sshll.u32 s24, $0x4;
	[sflag:s2] =	ssyncset.done @!p1 $0x0  }
0x6a: {  	s25 =	sand.u32 $0x10, s22;
	[sflag:s2] =	ssyncadd.s32 @!p1 $0xFFFFFFFF  }
0x6b: {  	s2 =	sxor.u32 $0x10, s25;
	v4 =	vld [tilespmem:s25+$0x10]  }
0x6c: {  	v5 =	vld [tilespmem:s2+$0x60]  }
0x6d: {  	v3 =	vld [tilespmem:$0x80];
	_ =	sdelay $0x2  }
0x6e: {  	(v2sf) =	vpush v4, $0x0  }
0x6f: {  	(v2sf) =	vpush v5, $0x0  }
0x70: {  	(v2sf) =	vpush v3, $0x0;
	_ =	sdelay $0xc  }
0x71: {  	s22 =	spop (v2sf)  }
0x72: {  	s26 =	spop (v2sf)  }
0x73: {  	s28 =	spop (v2sf)  }
0x74: {  	p2 =	seq.s32 s22, s26;
	p3 =	seq.s32 s28, s22  }
0x75: {  	p3 =	por p2, p3  }
0x76: {  	s26 =	sand.u32 $0x1, s24;
	v4 =	vpsel p3, $0xFFFFFFFF, v4  }
0x77: {  	s29 =	smul.u32 $0x1E00, s26;
	[tilespmem:s25+$0x10] =	vst.msk $0x1, v4  }
0x78: {  	v4 =	vld [tilespmem:$0x30]  }
0x79: {  	v5 =	vld [tilespmem:s29+$0x9700]  }
0x7a: {  	v6 =	vld [tilespmem:s25+$0x40];
	_ =	sdelay $0x3  }
0x7b: {  	vm4 =	vmmov vm1;
	v5 =	vadd.f32 v5, v4  }
0x7c: {  	vm5 =	vmmov vm2;
	vm4 =	vmmov @p2 vm2;
	s22 =	sshll.u32 s26, $0x4;
	v4 =	vadd.f32 v6, v4  }
0x7d: {  	s26 =	sor.u32 $0x10F00, s22;
	vm5 =	vmmov @p3 vm1;
	[tilespmem:s29+$0x9700] =	vst.msk vm4, v5  }
0x7e: {  	[tilespmem:s26+$0x0] =	vst.msk vm5, v4  }
0x7f: {  	v4 =	vld [tilespmem:s29+$0x78F0];
	_ =	sdelay $0x3  }
0x80: {  	v5 =	vimm.f32 $0.0e+00  }
0x81: {  	v4 =	vshift.insert v4, v5, s21  }
0x82: {  	s22 =	sor.u32 $0x40, s2  }
0x83: {  	[tilespmem:s22+$0x0] =	vst.msk $0x1, v4  }
0x84: {  	[tilespmem:s29+$0x78FF] =	vst.msk $0x1, v5  }
0x85: {  	v4 =	vld [tilespmem:s0+$0x1EF0];
	_ =	sdelay $0x1  }
0x86: {  	s22 =	smulhi.u32 $0xAAAAAAAB, s20;
	s0 =	simm.s32 $0x1  }
0x87: {  	s0 =	simm.s32 @!p0 $0x0  }
0x88: {  	s22 =	sshrl.u32 s22, $0x1;
	s0 =	smul.u32 $0x7800, s0  }
0x89: {  	s22 =	smul.u32 $0xFFFE9800, s22;
	v4 =	vshift.insert v4, v1, s21  }
0x8a: {  	s0 =	sshrl.u32 s0, $0x2  }
0x8b: {  	s22 =	sshra.s32 s22, $0x2;
	s30 =	sadd.s32 $0x9700, s0;
	[tilespmem:s2+$0x10] =	vst.msk $0x1, v4  }
0x8c: {  	s22 =	sadd.s32 s22, s19;
	v6 =	vld [tilespmem:s30+$0x0]  }
0x8d: {  	v7 =	vld [tilespmem:s22+$0x0];
	_ =	sdelay $0x3  }
0x8e: {  	v5 =	vadd.f32 v6, v5  }
0x8f: {  	vm4 =	vne.s32 v7, $0xFFFFFFFF  }
0x90: {  	(xrf2) =	vadd.seg.scan.f32 vm4, v5;
	_ =	sdelay $0x3  }
0x91: {  	s31 =	sadd.s32 $0x5B00, s0;
	v5 =	vperm.xlane v4, v1  }
0x92: {  	v6 =	vld [tilespmem:s31+$0x0]  }
0x93: {  	vm5 =	veq.s32 v7, v3;
	vm6 =	veq.s32 v7, v5  }
0x94: {  	vm7 =	vgt.u32 v7, $0xFFFFFFFD;
	vm6 =	vmor vm6, vm5  }
0x95: {  	vm6 =	vmor vm6, vm7  }
0x96: {  	v9 =	vld [tilespmem:$0xA0];
	v7 =	vsel vm6, $0xFFFFFFFF, v7  }
0x97: {  	v10 =	vld [tilespmem:$0x90];
	v6 =	vsel vm5, $0x0, v6;
	v8, _, _ =	vpop (xrf2)  }
0x98: {  	v6 =	vadd.f32 v8, v6  }
0x99: {  	s0 =	sadd.s32 $0xD300, s0  }
0x9a: {  	vm4 =	vmand vm4, vm3;
	[tilespmem:s0+$0x0] =	vst v6;
	(ifvalue) =	ssetifvalue $0xFFFFFFFF  }
0x9b: {  	vm6 =	veq.s32 v9, $0x1;
	[hbm4b:s1+s16] =	stream.indirect_vreg.scatter [tilespmem:s0], [sflag:$0x2], $0x1, v7, vm0, $0x4038;
	v7 =	vsel vm4, $0x0, v8;
	[tilespmem:$0x10F20] =	vst v63  }
0x9c: {  	s2 =	simm.s32 $0x0;
	s22 =	sadd.s32 $0x10, s22;
	vm4 =	vmor vm6, vm5;
	v6 =	vsel vm5, v8, v10;
	v7 =	vshift.insert v7, v0, s21  }
.LBB2_7:
0x9d: {  	v8 =	vld [tilespmem:s22+$0x0];
	s30 =	sadd.s32 $0x10, s30  }
0x9e: {  	s31 =	sadd.s32 $0x10, s31;
	v9 =	vld [tilespmem:s30+$0x0]  }
0x9f: {  	s2 =	sadd.s32 $0x10, s2;
	v10 =	vld [tilespmem:s31+$0x0]  }
0xa0: {  	p2 =	slt.u32 s2, $0x1DF0;
	_ =	sdelay $0x2  }
0xa1: {  	v7 =	vadd.f32 v9, v7  }
0xa2: {  	vm5 =	vne.s32 v8, $0xFFFFFFFF  }
0xa3: {  	vm6 =	vmand vm5, vm3;
	(xrf2) =	vadd.seg.scan.f32 vm5, v7;
	_ =	sdelay $0x5  }
0xa4: {  	vm7 =	veq.s32 v8, v5;
	vm5 =	veq.s32 v8, v3  }
0xa5: {  	vm8 =	vgt.u32 v8, $0xFFFFFFFD;
	vm4 =	vmor vm4, vm5;
	vm7 =	vmor vm7, vm5  }
0xa6: {  	vm7 =	vmor vm7, vm8  }
0xa7: {  	v8 =	vsel vm7, $0xFFFFFFFF, v8  }
.Ltmp5:
0xa8: {  	v7 =	vsel vm5, $0x0, v10;
	v9, _, _ =	vpop (xrf2);
	(pc) =	sbr.rel @p2 .LBB2_7-.Ltmp5, $4  }
0xa9: {  	v6 =	vsel vm5, v9, v6;
	v10 =	vadd.f32 v9, v7;
	v7 =	vsel vm6, $0x0, v9  }
0xaa: {  	s0 =	sadd.s32 $0x10, s0;
	v7 =	vshift.insert v7, v0, s21  }
0xab: {  	s22 =	sadd.s32 $0x10, s22;
	[tilespmem:s0+$0x0] =	vst v10;
	(ifvalue) =	ssetifvalue $0xFFFFFFFF  }
0xac: {  	[hbm4b:s1+s16] =	stream.indirect_vreg.scatter [tilespmem:s0], [sflag:$0x2], $0x1, v8, vm0, $0x4038;
	[tilespmem:$0x10F20] =	vst v63  }
0xad: {  	v3 =	vld [tilespmem:s29+$0xF0F0];
	_ =	sdelay $0x4  }
0xae: {  	v3 =	vshift.insert v3, v0, s21  }
0xaf: {  	s0 =	simm.s32 $0x30  }
0xb0: {  	[tilespmem:s0+$0x0] =	vst.msk $0x1, v3  }
0xb1: {  	v3 =	vsel vm4, $0x1, v1;
	[tilespmem:$0x90] =	vst v6  }
0xb2: {  	s0 =	sadd.s32 @!p1 $0xF0FF, s29;
	[tilespmem:$0xA0] =	vst v3  }
0xb3: {  	[spmem:s15] =	stream.linear.scatter @!p1 [tilespmem:s0], [sflag:$0x1], $0x1, $0x38;
	[tilespmem:$0x10F20] =	vst v63  }
0xb4: {  	s0 =	simm.s32 @!p1 $0x1  }
0xb5: {  	v3 =	vmctz.xlane @!p1 vm4;
	_ =	swait.ge @!p1 [sflag:s0], $0x1  }
0xb6: {  	(v2sf) =	vpush @!p1 v4, $0x0  }
0xb7: {  	(v2sf) =	vpush @!p1 v3, $0x0;
	_ =	sdelay $0xd  }
0xb8: {  	s2 =	spop @!p1 (v2sf)  }
0xb9: {  	s22 =	spop @!p1 (v2sf)  }
0xba: {  	p2 =	sne.s32 @!p1 s28, s2;
	p3 =	slt.s32 @!p1 s22, $0xF  }
0xbb: {  	[sflag:s0] =	ssyncset.done @!p1 $0x0;
	p2 =	por p2, p1;
	p3 =	por !p3, p1  }
0xbc: {  	[sflag:s0] =	ssyncadd.s32 @!p1 $0xFFFFFFFF;
	v3 =	vimm.s32 @!p2 $0xFFFFFFFF;
	s22 =	simm.s32 @p3 $0xF  }
0xbd: {  	[tilespmem:$0x80] =	vst @!p2 v3;
	s2 =	sadd.s32 @!p1 $0x90, s22  }
0xbe: {  	[spmem:s3] =	stream.linear.scatter @!p1 [tilespmem:s2], [sflag:$0x1], $0x1, $0x38;
	[tilespmem:$0x10F20] =	vst v63  }
0xbf: {  	_ =	swait.ge @!p1 [sflag:s0], $0x1  }
0xc0: {  	[sflag:s0] =	ssyncset.done @!p1 $0x0  }
0xc1: {  	s2 =	simm.s32 @!p1 $0x80;
	[sflag:s0] =	ssyncadd.s32 @!p1 $0xFFFFFFFF  }
0xc2: {  	[spmem:s13] =	stream.linear.scatter @!p1 [tilespmem:s2], [sflag:$0x1], $0x1, $0x38;
	[tilespmem:$0x10F20] =	vst v63  }
0xc3: {  	_ =	swait.ge @!p1 [sflag:s0], $0x1  }
0xc4: {  	[sflag:s0] =	ssyncset.done @!p1 $0x0  }
0xc5: {  	[sflag:s0] =	ssyncadd.s32 @!p1 $0xFFFFFFFF;
	(ifvalue) =	ssetifvalue $0xFFFFFFFF;
	v3 =	vld [tilespmem:s25+$0x10];
	_ =	sdelay $0x3  }
.Ltmp6:
0xc6: {  	_ = 	snop;
	(pc) =	sbr.rel .LBB2_9-.Ltmp6, $3  }
0xc7: {  	_ =	sdelay $0x1  }
0xc8: {  	(ifvalue) =	ssetifvalue $0xFFFFFFFF  }
0xc9: {  	[hbm4b:s1+s16] =	stream.indirect_vreg.scatter [tilespmem:s26], [sflag:$0x9], $0x1, v3, vm0, $0x4038;
	[tilespmem:$0x10F20] =	vst v63  }
.LBB2_10:
0xca: {  	_ =	sfence.sel $0x180000  }
0xcb: {  	s0 =	simm.s32 $0x7;
	[bflag:$0x0] =	sbarrier.arrive $0xFFFF  }
0xcc: {  	s26 =	simm.s32 $0x8;
	[sflag:s0] =	ssyncpa.u1 $0x1  }
0xcd: {  	s28 =	simm.s32 $0x9;
	[sflag:s26] =	ssyncpa.u1 $0x1  }
0xce: {  	[sflag:s28] =	ssyncpa.u1 $0x1  }
0xcf: {  	_ =	sfence.stream.spmem  }
0xd0: {  	s29 =	simm.s32 $0x3;
	[bflag:$0x0] =	sbarrier.arrive $0xFFFF  }
0xd1: {  	s30 =	simm.s32 $0x4;
	[sflag:s29] =	ssyncpa.u1 $0x1  }
0xd2: {  	s31 =	simm.s32 $0x3C;
	s2 =	stileid.u32;
	[sflag:s30] =	ssyncpa.u1 $0x1  }
0xd3: {  	p0 =	sne.s32 s2, $0x0;
	[sflag:s31] =	ssyncpa.u1 $0x1  }
0xd4: {  	s0 =	simm.s32 @p0 $0x1;
	_ =	sfence @p0  }
0xd5: {  	[sflag:s0] =	ssyncpa.u1 @p0 $0x1;
	s0 =	simm.s32 @p0 $0x2  }
0xd6: {  	[sflag:s0] =	ssyncpa.u1 @p0 $0x1  }
0xd7: {  	_ =	strace @p0 $0x90000047  }
0xd8: {  	[bflag:$0x2] =	sbarrier.arrive @p0 $0xFFFF  }
0xd9: {  	_ =	shalt @p0  }
.LBB2_11:
0xda: {  	_ =	sfence.stream.spmem;
	s0 =	simm.s32 $0x5  }
0xdb: {  	s2 =	simm.s32 $0x80;
	s3 =	simm.s32 $0xC0;
	[sflag:s0] =	ssyncpa.u1 $0x0  }
0xdc: {  	[tilespmem:s3], [sflag:$0x5] =	stream.linear.gather [spmem:s2], $0x20, $0x38;
	[tilespmem:$0x10F20] =	vst v63  }
0xdd: {  	s2 =	simm.s32 $0x0;
	s3 =	simm.s32 $0xE0  }
0xde: {  	[tilespmem:s3], [sflag:$0x5] =	stream.linear.gather [spmem:s2], $0x20, $0x38;
	[tilespmem:$0x10F20] =	vst v63  }
.Ltmp7:
0xdf: {  	_ = 	snop;
	(pc) =	sbr.rel .LBB2_12-.Ltmp7, $4  }
0xe0: {  	_ =	swait.ge [sflag:s0], $0x40  }
0xe1: {  	[sflag:s0] =	ssyncset.done $0x0  }
0xe2: {  	s31 =	simm.s32 $0x6;
	[sflag:s0] =	ssyncadd.s32 $0xFFFFFFC0  }
0xe3: {  	s4 =	simm.s32 $0x0;
	[sflag:s31] =	ssyncpa.u1 $0x0  }
.LBB2_17:
0xe4: {  	p0 =	sgt.u32 s5, $0x27FF  }
0xe5: {  	s0 =	sshrl.u32 @!p0 s5, $0x3  }
0xe6: {  	s5 =	sand.u32 @!p0 $0x7, s5;
	s6 =	simm.s32 @!p0 $0xB0;
	s0 =	sadd.s32 @!p0 s1, s0  }
0xe7: {  	[tilespmem:s6], [sflag:$0x6] =	stream.linear.gather @!p0 [hbm4b:s0+s5], $0x1, $0x38;
	[tilespmem:$0x10F20] =	vst v63  }
0xe8: {  	s0 =	simm.s32 @!p0 $0x6  }
0xe9: {  	_ =	swait.ge @!p0 [sflag:s0], $0x1  }
0xea: {  	[sflag:s0] =	ssyncset.done @!p0 $0x0  }
0xeb: {  	[sflag:s0] =	ssyncadd.s32 @!p0 $0xFFFFFFFF  }
0xec: {  	v2 =	vmov @!p0 s4;
	v1 =	vld.msk @!p0 [tilespmem:$0xB0], $0x1;
	_ =	sdelay $0x3  }
0xed: {  	s0 =	simm.s32 @!p0 $0xE0  }
0xee: {  	[tilespmem:v2+s0+$0x0], v1 =	vst.idx.ret.add.f32.msk @!p0 $0x1, v1  }
0xef: {  	[tilespmem:s2+$0xC0] =	vst.msk $0x1, v0  }
0xf0: {  	v0 =	vld.msk [tilespmem:s4+$0xE0], $0x1;
	_ =	sdelay $0x4  }
0xf1: {  	[tilespmem:s2+$0xE0] =	vst.msk $0x1, v0;
	s2 =	sadd.s32 $0x1, s2  }
.LBB2_19:
0xf2: {  	s4 =	sadd.s32 $0x1, s4  }
0xf3: {  	p0 =	sne.s32 s4, $0x20  }
.Ltmp8:
0xf4: {  	_ = 	snop;
	(pc) =	sbr.rel @!p0 .LBB2_20-.Ltmp8, $1  }
0xf5: {  	_ =	sdelay $0x3  }
.LBB2_12:
0xf6: {  	v0 =	vld.msk [tilespmem:s4+$0xC0], $0x1;
	_ =	sdelay $0x4  }
0xf7: {  	(v2sf) =	vpush v0, $0x0;
	_ =	sdelay $0xe  }
0xf8: {  	s5 =	spop (v2sf)  }
0xf9: {  	p0 =	seq.s32 s5, $0xFFFFFFFF  }
.Ltmp9:
0xfa: {  	_ = 	snop;
	(pc) =	sbr.rel @p0 .LBB2_19-.Ltmp9, $1  }
0xfb: {  	_ =	sdelay $0x3  }
0xfc: {  	p0 =	slt.s32 s2, $0x1  }
.Ltmp10:
0xfd: {  	_ = 	snop;
	(pc) =	sbr.rel @p0 .LBB2_17-.Ltmp10, $1  }
0xfe: {  	_ =	sdelay $0x3  }
0xff: {  	s0 =	simm.s32 $0xC0;
	p0 =	por $0x0, $0x0  }
0x100: {  	v1 =	vld.msk @!p0 [tilespmem:s0+$0x0], $0x1;
	_ =	sdelay $0x4  }
0x101: {  	(v2sf) =	vpush @!p0 v1, $0x0;
	_ =	sdelay $0xd  }
0x102: {  	p2 =	sne.s32 s2, $0x1  }
.Ltmp11:
0x103: {  	s6 =	spop @!p0 (v2sf);
	(pc) =	sbr.rel @!p2 .LBB2_16-.Ltmp11, $4  }
0x104: {  	p1 =	seq.s32 @!p0 s5, s6  }
0x105: {  	s6 =	simm.s32 $0x0;
	p1 =	por !p1, p0  }
0x106: {  	s8 =	simm.s32 $0xFFFFFFFF;
	s6 =	simm.s32 @p1 $0xFFFFFFFF  }
0x107: {  	s7 =	simm.s32 $0x1;
	s6 =	smov.u32 @p0 s8  }
.LBB2_15:
0x108: {  	s8 =	smov.u32 s6;
	p0 =	sne.s32 s6, $0xFFFFFFFF  }
0x109: {  	s0 =	sadd.s32 $0x1, s0;
	s6 =	smov.u32 s7;
	s7 =	sadd.s32 $0x1, s7  }
0x10a: {  	p1 =	sne.s32 s2, s7;
	v1 =	vld.msk @!p0 [tilespmem:s0+$0x0], $0x1;
	_ =	sdelay $0x4  }
0x10b: {  	(v2sf) =	vpush @!p0 v1, $0x0;
	_ =	sdelay $0xe  }
.Ltmp12:
0x10c: {  	s9 =	spop @!p0 (v2sf);
	(pc) =	sbr.rel @p1 .LBB2_15-.Ltmp12, $4  }
0x10d: {  	p2 =	seq.s32 @!p0 s5, s9  }
0x10e: {  	p2 =	por !p2, p0  }
0x10f: {  	s6 =	simm.s32 @p2 $0xFFFFFFFF  }
0x110: {  	s6 =	smov.u32 @p0 s8  }
.LBB2_16:
0x111: {  	p0 =	sne.s32 s6, $0xFFFFFFFF  }
.Ltmp13:
0x112: {  	_ = 	snop;
	(pc) =	sbr.rel @!p0 .LBB2_17-.Ltmp13, $1  }
0x113: {  	_ =	sdelay $0x3  }
0x114: {  	v0 =	vld.msk [tilespmem:s4+$0xE0], $0x1;
	v1 =	vmov s6  }
.Ltmp14:
0x115: {  	_ = 	snop;
	(pc) =	sbr.rel .LBB2_19-.Ltmp14, $2  }
0x116: {  	_ =	sdelay $0x2  }
0x117: {  	[tilespmem:v1+s3+$0x0], v0 =	vst.idx.ret.add.f32.msk $0x1, v0  }
.LBB2_20:
0x118: {  	p0 =	slt.s32 s2, $0x1  }
.Ltmp15:
0x119: {  	_ = 	snop;
	(pc) =	sbr.rel @p0 .LBB2_24-.Ltmp15, $3  }
0x11a: {  	_ =	sdelay $0x1  }
0x11b: {  	s0 =	simm.s32 $0x6  }
0x11c: {  	s3 =	simm.s32 $0x0;
	[sflag:s0] =	ssyncpa.u1 $0x1  }
0x11d: {  	s0 =	simm.s32 $0xC0  }
0x11e: {  	v0 =	vld.msk [tilespmem:s0+$0x0], $0x1;
	_ =	sdelay $0x4  }
0x11f: {  	(v2sf) =	vpush v0, $0x0;
	_ =	sdelay $0xe  }
0x120: {  	s2 =	sadd.s32 $0xFFFFFFFF, s2;
	s4 =	spop (v2sf)  }
0x121: {  	p1 =	sne.s32 s2, $0x0;
	p0 =	sgt.u32 s4, $0x27FF  }
.Ltmp16:
0x122: {  	s5 =	sshrl.u32 @!p0 s4, $0x3;
	(pc) =	sbr.rel @!p1 .LBB2_23-.Ltmp16, $4  }
0x123: {  	s0 =	simm.s32 $0xE0;
	s4 =	sand.u32 @!p0 $0x7, s4;
	s5 =	sadd.s32 @!p0 s1, s5  }
0x124: {  	[hbm4b:s5+s4] =	stream.linear.scatter @!p0 [tilespmem:s0], [sflag:$0x5], $0x1, $0x38;
	[tilespmem:$0x10F20] =	vst v63  }
0x125: {  	s5 =	simm.s32 $0x0  }
0x126: {  	s4 =	simm.s32 $0xC1;
	s5 =	simm.s32 @!p0 $0x4  }
.LBB2_22:
0x127: {  	v0 =	vld.msk [tilespmem:s4+$0x0], $0x1;
	s2 =	sadd.s32 $0xFFFFFFFF, s2;
	s3 =	sadd.s32 s3, s5  }
0x128: {  	p0 =	sne.s32 s2, $0x0;
	_ =	sdelay $0x3  }
0x129: {  	(v2sf) =	vpush v0, $0x0;
	_ =	sdelay $0xe  }
.Ltmp17:
0x12a: {  	s6 =	spop (v2sf);
	(pc) =	sbr.rel @p0 .LBB2_22-.Ltmp17, $4  }
0x12b: {  	s5 =	simm.s32 $0x0;
	p1 =	sgt.u32 s6, $0x27FF  }
0x12c: {  	s0 =	sadd.s32 $0x1, s0;
	s5 =	simm.s32 @!p1 $0x4;
	s7 =	sshrl.u32 @!p1 s6, $0x3  }
0x12d: {  	s4 =	sadd.s32 $0x1, s4;
	s6 =	sand.u32 @!p1 $0x7, s6;
	s7 =	sadd.s32 @!p1 s1, s7  }
0x12e: {  	[hbm4b:s7+s6] =	stream.linear.scatter @!p1 [tilespmem:s0], [sflag:$0x5], $0x1, $0x38;
	[tilespmem:$0x10F20] =	vst v63  }
.LBB2_23:
0x12f: {  	s0 =	sadd.s32 s3, s5  }
0x130: {  	s3 =	sshrl.u32 s0, $0x2  }
.LBB2_24:
0x131: {  	s0 =	simm.s32 $0x5  }
0x132: {  	_ =	swait.ge [sflag:s0], s3  }
0x133: {  	s1 =	ssub.s32 $0x0, s3;
	[sflag:s0] =	ssyncset.done $0x0  }
0x134: {  	[sflag:s0] =	ssyncadd.s32 s1  }
0x135: {  	[sflag:s0] =	ssyncpa.u1 $0x1  }
0x136: {  	s29 =	simm.s32 $0x1;
	_ =	sfence  }
0x137: {  	s30 =	simm.s32 $0x2;
	[sflag:s29] =	ssyncpa.u1 $0x1  }
0x138: {  	[sflag:s30] =	ssyncpa.u1 $0x1  }
0x139: {  	_ =	strace $0x90000047  }
0x13a: {  	[bflag:$0x2] =	sbarrier.arrive $0xFFFF  }
0x13b: {  	s31 =	rddreg [dreg:$0x1]  }
0x13c: {  	s0 =	sadd.s32 $0x100000, s31  }
0x13d: {  	[sflag:s0] =	ssyncadd.tile.s32 $0x1;
	_ =	shalt  }
.Lfunc_end2:
_tile_overlayer_lowered:
.L_overlay_start_2:
0x13e: {  	(tag) =	ssettag $0x2  }
0x13f: {  	s0 =	rddreg [dreg:$0x0];
	s2 =	stileid.u32  }
0x140: {  	s1 =	rddreg [dreg:$0x1];
	p0 =	sne.s32 s2, $0x0  }
0x141: {  	s3 =	rddreg [dreg:$0x2];
	[bflag:$0x3] =	sbarrier.arrive $0xFFFF;
	s2 =	simm.s32 @!p0 $0x1C01  }
0x142: {  	[timem:s3], [sflag:s2] =	dma.local @!p0 [hbm:s0], s1  }
0x143: {  	s0 =	simm.s32 @!p0 $0x1  }
0x144: {  	_ =	swait.ge @!p0 [sflag:s0], s1  }
0x145: {  	s1 =	ssub.s32 @!p0 $0x0, s1;
	[sflag:s0] =	ssyncset.done @!p0 $0x0  }
0x146: {  	[sflag:s0] =	ssyncadd.s32 @!p0 s1  }
0x147: {  	[bflag:$0x3] =	sbarrier.arrive $0xFFFF  }
0x148: {  	_ =	shalt  }

</sc_bundles>
